<compile_context>
chip_gen: v7x
topology: tpu7x:2x2x1
jax: 0.10.2.dev20260603
libtpu: 0.0.44.dev20260713+nightly
codegen_flags: <defaults>
</compile_context>

<pallas_src>
import dataclasses
import functools

import jax
import jax.numpy as jnp
from jax import lax
from jax.experimental import pallas as pl
from jax.experimental.pallas import tpu as pltpu
from jax.experimental.pallas import tpu_sc as plsc

N = 10000
E = 320000
D = 128
H = 8
C = 16
ED = 16

BN = 1000
NP = 10240
BP = 1024
BE = 12800
CH = 4000
NW = 32
QC = 4

def _mesh():
    return plsc.VectorSubcoreMesh(
        core_axis_name="c", subcore_axis_name="s",
        num_cores=2, num_subcores=16)


def _sc_params():
    cp = pltpu.CompilerParams()
    if "needs_layout_passes" in pltpu.CompilerParams.__dataclass_fields__:
        cp = dataclasses.replace(cp, needs_layout_passes=False)
    return cp


def _zero_ref(ref, n):
    @pl.loop(0, n, step=16)
    def _(i):
        ref[pl.ds(i, 16)] = jnp.zeros((16,), jnp.float32)


def _ds8(off, size):
    return pl.ds(pl.multiple_of(off, 8), size)


def _sc1_body(src_hbm, dst_hbm, aeT_hbm, asdT_hbm, mh_hbm,
              aelP_hbm, degP_hbm, wT_hbm, denP_hbm,
              sb0, sb1, db0, db1, ab0, ab1, wb0, wb1,
              ael_acc, deg_acc, asrc_t, adst_t, den_acc, mh_v,
              sem0, sem1, wsem0, wsem1):
    wid = lax.axis_index("s") * 2 + lax.axis_index("c")
    sbs = (sb0, sb1)
    dbs = (db0, db1)
    abs_ = (ab0, ab1)
    wbs = (wb0, wb1)
    sems = (sem0, sem1)
    wsems = (wsem0, wsem1)

    h = wid // 4
    pb = wid % 4
    base_b = pb * (E // 4)
    n_b = (E // 4) // CH

    def issue_b(ci, b):
        off = base_b + ci * CH
        pltpu.async_copy(src_hbm.at[_ds8(off, CH)], sbs[b], sems[b])
        pltpu.async_copy(dst_hbm.at[_ds8(off, CH)], dbs[b], sems[b])
        pltpu.async_copy(aeT_hbm.at[_ds8(h * E + off, CH)], abs_[b], sems[b])

    def drain_b(b):
        pltpu.make_async_copy(src_hbm.at[_ds8(0, CH)], sbs[b], sems[b]).wait()
        pltpu.make_async_copy(src_hbm.at[_ds8(0, CH)], dbs[b], sems[b]).wait()
        pltpu.make_async_copy(aeT_hbm.at[_ds8(0, CH)], abs_[b], sems[b]).wait()

    def drain_w(b):
        pltpu.make_async_copy(wbs[b], wT_hbm.at[_ds8(0, CH)],
                              wsems[b]).wait()

    issue_b(0, 0)
    issue_b(1, 1)
    pltpu.sync_copy(asdT_hbm.at[_ds8(h * NP, N)], asrc_t)
    pltpu.sync_copy(asdT_hbm.at[_ds8((H + h) * NP, N)], adst_t)
    pltpu.sync_copy(mh_hbm.at[_ds8(h * 16, 16)], mh_v)
    _zero_ref(den_acc, N)
    _zero_ref(ael_acc, N)
    _zero_ref(deg_acc, N)

    @pl.loop(0, n_b, step=2)
    def _(ci):
        for b in range(2):
            cur = ci + b
            drain_b(b)

            @pl.when(cur >= 2)
            def _():
                drain_w(b)

            @plsc.parallel_loop(0, CH, step=16, unroll=4)
            def _(j):
                sv = sbs[b][pl.ds(j, 16)]
                dv = dbs[b][pl.ds(j, 16)]
                aev = abs_[b][pl.ds(j, 16)]
                a = (plsc.load_gather(asrc_t, [sv])
                     + plsc.load_gather(adst_t, [dv])
                     + aev)
                a = jnp.maximum(a, a * 0.2)
                wv = jnp.exp(a - mh_v[...])
                wbs[b][pl.ds(j, 16)] = wv
                plsc.addupdate_scatter(den_acc, [dv], wv)
                plsc.addupdate_scatter(ael_acc, [dv], aev)

            @pl.when(h == 0)
            def _():
                @plsc.parallel_loop(0, CH, step=16, unroll=4)
                def _(j):
                    dv = dbs[b][pl.ds(j, 16)]
                    plsc.addupdate_scatter(deg_acc, [dv],
                                           jnp.ones((16,), jnp.float32))

            pltpu.async_copy(wbs[b],
                             wT_hbm.at[_ds8(h * E + base_b + cur * CH, CH)],
                             wsems[b])

            @pl.when(cur + 2 < n_b)
            def _():
                issue_b(cur + 2, b)

    drain_w(0)
    drain_w(1)
    pltpu.sync_copy(den_acc, denP_hbm.at[_ds8(wid * N, N)])
    pltpu.sync_copy(ael_acc, aelP_hbm.at[_ds8(wid * N, N)])

    @pl.when(h == 0)
    def _():
        pltpu.sync_copy(deg_acc, degP_hbm.at[_ds8(pb * N, N)])


def _sc1(src, dst, aeT, asdT, mh_tile):
    f = functools.partial(
        pl.kernel,
        out_type=[
            jax.ShapeDtypeStruct((NW * N,), jnp.float32),
            jax.ShapeDtypeStruct((4 * N,), jnp.float32),
            jax.ShapeDtypeStruct((H * E,), jnp.float32),
            jax.ShapeDtypeStruct((NW * N,), jnp.float32),
        ],
        mesh=_mesh(),
        compiler_params=_sc_params(),
        scratch_types=[
            pltpu.VMEM((CH,), jnp.int32),
            pltpu.VMEM((CH,), jnp.int32),
            pltpu.VMEM((CH,), jnp.int32),
            pltpu.VMEM((CH,), jnp.int32),
            pltpu.VMEM((CH,), jnp.float32),
            pltpu.VMEM((CH,), jnp.float32),
            pltpu.VMEM((CH,), jnp.float32),
            pltpu.VMEM((CH,), jnp.float32),
            pltpu.VMEM((N,), jnp.float32),
            pltpu.VMEM((N,), jnp.float32),
            pltpu.VMEM((N,), jnp.float32),
            pltpu.VMEM((N,), jnp.float32),
            pltpu.VMEM((N,), jnp.float32),
            pltpu.VMEM((16,), jnp.float32),
        ] + [pltpu.SemaphoreType.DMA] * 4,
    )
    return f(_sc1_body)(src, dst, aeT, asdT, mh_tile)


def _sc2_body(src_hbm, dst_hbm, wT_hbm, xlQ_hbm, outQ_hbm,
              sb0, sb1, db0, db1, wb0, wb1,
              xl0, xl1, xl2, xl3, ac0, ac1, ac2, ac3,
              sem0, sem1):
    wid = lax.axis_index("s") * 2 + lax.axis_index("c")
    h = wid // 4
    xls = (xl0, xl1, xl2, xl3)
    acs = (ac0, ac1, ac2, ac3)
    sbs = (sb0, sb1)
    dbs = (db0, db1)
    wbs = (wb0, wb1)
    sems = (sem0, sem1)
    n_out = E // CH

    def issue(ci, b):
        off = ci * CH
        pltpu.async_copy(src_hbm.at[_ds8(off, CH)], sbs[b], sems[b])
        pltpu.async_copy(dst_hbm.at[_ds8(off, CH)], dbs[b], sems[b])
        pltpu.async_copy(wT_hbm.at[_ds8(h * E + off, CH)], wbs[b], sems[b])

    def drain(b):
        pltpu.make_async_copy(src_hbm.at[_ds8(0, CH)], sbs[b], sems[b]).wait()
        pltpu.make_async_copy(src_hbm.at[_ds8(0, CH)], dbs[b], sems[b]).wait()
        pltpu.make_async_copy(wT_hbm.at[_ds8(0, CH)], wbs[b], sems[b]).wait()

    issue(0, 0)
    issue(1, 1)

    for c in range(QC):
        pltpu.sync_copy(xlQ_hbm.at[_ds8((wid * QC + c) * NP, N)], xls[c])
        _zero_ref(acs[c], N)

    @pl.loop(0, n_out, step=2)
    def _(ci):
        for b in range(2):
            cur = ci + b
            drain(b)

            @plsc.parallel_loop(0, CH, step=16, unroll=4)
            def _(j):
                sv = sbs[b][pl.ds(j, 16)]
                dv = dbs[b][pl.ds(j, 16)]
                wv = wbs[b][pl.ds(j, 16)]
                for c in range(QC):
                    g = plsc.load_gather(xls[c], [sv])
                    plsc.addupdate_scatter(acs[c], [dv], g * wv)

            @pl.when(cur + 2 < n_out)
            def _():
                issue(cur + 2, b)

    for c in range(QC):
        pltpu.sync_copy(acs[c], outQ_hbm.at[_ds8((wid * QC + c) * N, N)])


def _sc2(src, dst, wT, xlQ):
    f = functools.partial(
        pl.kernel,
        out_type=jax.ShapeDtypeStruct((NW * QC * N,), jnp.float32),
        mesh=_mesh(),
        compiler_params=_sc_params(),
        scratch_types=[
            pltpu.VMEM((CH,), jnp.int32),
            pltpu.VMEM((CH,), jnp.int32),
            pltpu.VMEM((CH,), jnp.int32),
            pltpu.VMEM((CH,), jnp.int32),
            pltpu.VMEM((CH,), jnp.float32),
            pltpu.VMEM((CH,), jnp.float32),
        ] + [pltpu.VMEM((N,), jnp.float32)] * 8
          + [pltpu.SemaphoreType.DMA] * 2,
    )
    return f(_sc2_body)(src, dst, wT, xlQ)


_DN_T = (((0,), (1,)), ((), ()))


def _proj_body(x_ref, w_ref, asd_ref, xl_ref, xlt_ref, at_ref):
    i = pl.program_id(0)
    xb = x_ref[...]
    xl_ref[...] = jnp.dot(xb, w_ref[...], preferred_element_type=jnp.float32)
    xlt_ref[:, pl.ds(pl.multiple_of(i * BP, 128), BP)] = lax.dot_general(
        w_ref[...], xb, _DN_T, preferred_element_type=jnp.float32)
    at_ref[:, pl.ds(pl.multiple_of(i * BP, 128), BP)] = lax.dot_general(
        asd_ref[...], xb, _DN_T, preferred_element_type=jnp.float32)


def _ae_body(ea_ref, aemat_ref, aet_ref):
    i = pl.program_id(0)
    aet_ref[:, pl.ds(pl.multiple_of(i * BE, 128), BE)] = lax.dot_general(
        aemat_ref[...], ea_ref[...], _DN_T,
        preferred_element_type=jnp.float32)


def _post_body(m_ref, rd_ref, sl_ref, xl_ref, x_ref, b_ref, g_ref, be_ref,
               o_ref):
    out = m_ref[...] * rd_ref[...] + sl_ref[...] * xl_ref[...] + b_ref[...]
    mu = out.mean(-1, keepdims=True)
    var = ((out - mu) ** 2).mean(-1, keepdims=True)
    normed = (out - mu) / jnp.sqrt(var + 1e-5) * g_ref[...] + be_ref[...]
    z = normed + x_ref[...]
    o_ref[...] = jnp.where(z > 0, z, jnp.exp(jnp.minimum(z, 0.0)) - 1.0)


def kernel(x, edge_index, edge_attr, W, W_edge, att_src, att_dst, att_edge,
           bias, gamma, beta):
    n = x.shape[0]
    src = edge_index[0]
    dst = edge_index[1]

    A_s = (W.reshape(D, H, C) * att_src).sum(-1)
    A_d = (W.reshape(D, H, C) * att_dst).sum(-1)
    A_e = (W_edge.reshape(ED, H, C) * att_edge).sum(-1)
    ASD = jnp.concatenate([A_s, A_d], axis=1)

    xp = jnp.pad(x, ((0, NP - n), (0, 0)))
    xl, xlT, asdT2 = pl.pallas_call(
        _proj_body,
        grid=(NP // BP,),
        in_specs=[
            pl.BlockSpec((BP, D), lambda i: (i, 0)),
            pl.BlockSpec((D, H * C), lambda i: (0, 0)),
            pl.BlockSpec((D, 2 * H), lambda i: (0, 0)),
        ],
        out_specs=[
            pl.BlockSpec((BP, D), lambda i: (i, 0)),
            pl.BlockSpec((D, NP), lambda i: (0, 0)),
            pl.BlockSpec((2 * H, NP), lambda i: (0, 0)),
        ],
        out_shape=[
            jax.ShapeDtypeStruct((NP, D), jnp.float32),
            jax.ShapeDtypeStruct((D, NP), jnp.float32),
            jax.ShapeDtypeStruct((2 * H, NP), jnp.float32),
        ],
    )(xp, W, ASD)

    aeT2 = pl.pallas_call(
        _ae_body,
        grid=(E // BE,),
        in_specs=[
            pl.BlockSpec((BE, ED), lambda i: (i, 0)),
            pl.BlockSpec((ED, H), lambda i: (0, 0)),
        ],
        out_specs=pl.BlockSpec((H, E), lambda i: (0, 0)),
        out_shape=jax.ShapeDtypeStruct((H, E), jnp.float32),
    )(edge_attr, A_e)

    asdT = asdT2.reshape(-1)
    aeT = aeT2.reshape(-1)
    xlQ = xlT.reshape(-1)

    mh_raw = (jnp.max(asdT2[:H], 1) + jnp.max(asdT2[H:], 1)
              + jnp.max(aeT2, 1))
    mh = jax.nn.leaky_relu(mh_raw, negative_slope=0.2)
    mh_tile = jnp.tile(mh[:, None], (1, 16)).reshape(-1)

    aelP, degP, wT, denP = _sc1(src, dst, aeT, asdT, mh_tile)

    deg = degP.reshape(4, n).sum(0)
    aelT = (aelP.reshape(H, 4, n).sum(1)
            / jnp.clip(deg, 1.0)[None, :])
    a_loopT = asdT2[:H, :n] + asdT2[H:, :n] + aelT
    a_loopT = jax.nn.leaky_relu(a_loopT, negative_slope=0.2)
    w_loopT = jnp.exp(a_loopT - mh[:, None])
    denT = denP.reshape(H, 4, n).sum(1) + w_loopT
    rd2 = 1.0 / denT

    outQ = _sc2(src, dst, wT, xlQ)
    msgP = outQ.reshape(D, n).T

    slT = w_loopT * rd2
    slexp = jnp.repeat(slT.T, C, axis=1)
    rdexp = jnp.repeat(rd2.T, C, axis=1)

    out = pl.pallas_call(
        _post_body,
        grid=(n // BN,),
        in_specs=[
            pl.BlockSpec((BN, D), lambda i: (i, 0)),
            pl.BlockSpec((BN, D), lambda i: (i, 0)),
            pl.BlockSpec((BN, D), lambda i: (i, 0)),
            pl.BlockSpec((BN, D), lambda i: (i, 0)),
            pl.BlockSpec((BN, D), lambda i: (i, 0)),
            pl.BlockSpec((1, D), lambda i: (0, 0)),
            pl.BlockSpec((1, D), lambda i: (0, 0)),
            pl.BlockSpec((1, D), lambda i: (0, 0)),
        ],
        out_specs=pl.BlockSpec((BN, D), lambda i: (i, 0)),
        out_shape=jax.ShapeDtypeStruct((n, D), jnp.float32),
    )(msgP, rdexp, slexp, xl, x, bias.reshape(1, D), gamma.reshape(1, D),
      beta.reshape(1, D))
    return out

# --- scband reference (transcript-rebuilt; emitter-appended) ---
"""Pipeline reference for scband-gatlayer-55765855371638 (READ-ONLY COPY).

The authoritative reference and input builder live on the scoring server;
editing this copy changes nothing except your own understanding.
"""

import jax, jax.numpy as jnp
import numpy as np

N = 10000
E = 320000
D = 128
H = 8
C = 16  # out_dim // heads
ED = 16


def setup_inputs(seed: int = 0) -> dict:
    key = jax.random.key(seed)
    ks = jax.random.split(key, 12)
    x = jax.random.normal(ks[0], (N, D), dtype=jnp.float32)
    edge_index = jax.random.randint(ks[1], (2, E), 0, N, dtype=jnp.int32)
    edge_attr = jax.random.normal(ks[2], (E, ED), dtype=jnp.float32)
    # GATConv params (PyG): lin (no bias), att_src/att_dst/att_edge, lin_edge (no bias), bias
    W = jax.random.normal(ks[3], (D, H * C), dtype=jnp.float32) * 0.05
    W_edge = jax.random.normal(ks[4], (ED, H * C), dtype=jnp.float32) * 0.05
    att_src = jax.random.normal(ks[5], (1, H, C), dtype=jnp.float32) * 0.05
    att_dst = jax.random.normal(ks[6], (1, H, C), dtype=jnp.float32) * 0.05
    att_edge = jax.random.normal(ks[7], (1, H, C), dtype=jnp.float32) * 0.05
    bias = jnp.zeros((H * C,), dtype=jnp.float32)
    gamma = jnp.ones((H * C,), dtype=jnp.float32)
    beta = jnp.zeros((H * C,), dtype=jnp.float32)
    return {"x": x, "edge_index": edge_index, "edge_attr": edge_attr, "W": W,
            "W_edge": W_edge, "att_src": att_src, "att_dst": att_dst,
            "att_edge": att_edge, "bias": bias, "gamma": gamma, "beta": beta}


def reference(x, edge_index, edge_attr, W, W_edge, att_src, att_dst, att_edge, bias, gamma, beta):
    n = x.shape[0]
    src = edge_index[0]
    dst = edge_index[1]
    # add_self_loops with fill_value='mean': self-loop edge_attr = mean of incoming edge_attr
    ones = jnp.ones((src.shape[0],), dtype=x.dtype)
    deg = jax.ops.segment_sum(ones, dst, num_segments=n)
    loop_attr = jax.ops.segment_sum(edge_attr, dst, num_segments=n) / jnp.clip(deg, 1.0)[:, None]
    loop = jnp.arange(n, dtype=src.dtype)
    src = jnp.concatenate([src, loop])
    dst = jnp.concatenate([dst, loop])
    ea = jnp.concatenate([edge_attr, loop_attr], axis=0)
    # linear projections
    xl = (x @ W).reshape(n, H, C)
    a_src = (xl * att_src).sum(-1)  # [N, H]
    a_dst = (xl * att_dst).sum(-1)  # [N, H]
    ef = (ea @ W_edge).reshape(-1, H, C)
    a_edge = (ef * att_edge).sum(-1)  # [Etot, H]
    # attention coefficients
    alpha = a_src[src] + a_dst[dst] + a_edge
    alpha = jax.nn.leaky_relu(alpha, negative_slope=0.2)
    amax = jax.ops.segment_max(alpha, dst, num_segments=n)
    alpha = jnp.exp(alpha - amax[dst])
    denom = jax.ops.segment_sum(alpha, dst, num_segments=n)
    alpha = alpha / denom[dst]
    # message passing: weighted scatter-add of source features by dst
    out = jax.ops.segment_sum(xl[src] * alpha[:, :, None], dst, num_segments=n)
    out = out.reshape(n, H * C) + bias
    # LayerNorm
    mu = out.mean(-1, keepdims=True)
    var = ((out - mu) ** 2).mean(-1, keepdims=True)
    normed = (out - mu) / jnp.sqrt(var + 1e-5) * gamma + beta
    # residual (in_dim == out_dim -> Identity) + ELU
    return jax.nn.elu(normed + x)

if __name__ == "__main__":
    import jax
    _d = setup_inputs()
    print(jax.jit(kernel)(*tuple(_d.values())))

</pallas_src>

<mosaic_0001>
#map = affine_map<(d0, d1) -> (0)>
module attributes {stable_mosaic.version = 14 : i64} {
  func.func @_sc1_body(%arg0: i32, %arg1: i32, %arg2: memref<320000xi32, #tpu.memory_space<hbm>>, %arg3: memref<320000xi32, #tpu.memory_space<hbm>>, %arg4: memref<2560000xf32, #tpu.memory_space<hbm>>, %arg5: memref<163840xf32, #tpu.memory_space<hbm>>, %arg6: memref<128xf32, #tpu.memory_space<hbm>>, %arg7: memref<320000xf32, #tpu.memory_space<hbm>>, %arg8: memref<40000xf32, #tpu.memory_space<hbm>>, %arg9: memref<2560000xf32, #tpu.memory_space<hbm>>, %arg10: memref<320000xf32, #tpu.memory_space<hbm>>, %arg11: memref<4000xi32, #tpu.memory_space<vmem>>, %arg12: memref<4000xi32, #tpu.memory_space<vmem>>, %arg13: memref<4000xi32, #tpu.memory_space<vmem>>, %arg14: memref<4000xi32, #tpu.memory_space<vmem>>, %arg15: memref<4000xf32, #tpu.memory_space<vmem>>, %arg16: memref<4000xf32, #tpu.memory_space<vmem>>, %arg17: memref<4000xf32, #tpu.memory_space<vmem>>, %arg18: memref<4000xf32, #tpu.memory_space<vmem>>, %arg19: memref<10000xf32, #tpu.memory_space<vmem>>, %arg20: memref<10000xf32, #tpu.memory_space<vmem>>, %arg21: memref<10000xf32, #tpu.memory_space<vmem>>, %arg22: memref<10000xf32, #tpu.memory_space<vmem>>, %arg23: memref<10000xf32, #tpu.memory_space<vmem>>, %arg24: memref<16xf32, #tpu.memory_space<vmem>>, %arg25: memref<!tpu.dma_semaphore, #tpu.memory_space<semaphore_mem>>, %arg26: memref<!tpu.dma_semaphore, #tpu.memory_space<semaphore_mem>>, %arg27: memref<!tpu.dma_semaphore, #tpu.memory_space<semaphore_mem>>, %arg28: memref<!tpu.dma_semaphore, #tpu.memory_space<semaphore_mem>>) attributes {dimension_semantics = [#tpu.dimension_semantics<core_parallel>, #tpu.dimension_semantics<subcore_parallel>], iteration_bounds = array<i64: 2, 16>, scalar_prefetch = 0 : i64, scratch_operands = 18 : i64, tpu.core_type = #tpu.core_type<sc_vector_subcore>, window_params = [{transform_indices = #map}, {transform_indices = #map}, {transform_indices = #map}, {transform_indices = #map}, {transform_indices = #map}, {transform_indices = #map}, {transform_indices = #map}, {transform_indices = #map}, {transform_indices = #map}]} {
    %mul3A = arith.constant 2 : i32
    %mul3A_0 = arith.muli %arg1, %mul3A : i32
    %add3A = arith.addi %mul3A_0, %arg0 : i32
    %jit3A = arith.constant 4 : i32
    %div3A = arith.divsi %add3A, %jit3A : i32
    %sign3A = arith.constant 0 : i32
    %sign3A_1 = arith.cmpi sgt, %add3A, %sign3A : i32
    %sign3A_2 = arith.extui %sign3A_1 : i1 to i32
    %sign3A_3 = arith.constant 0 : i32
    %sign3A_4 = arith.cmpi slt, %add3A, %sign3A_3 : i32
    %sign3A_5 = arith.extui %sign3A_4 : i1 to i32
    %sign3A_6 = arith.subi %sign3A_2, %sign3A_5 : i32
    %sign3A_7 = arith.constant 0 : i32
    %sign3A_8 = arith.cmpi sgt, %jit3A, %sign3A_7 : i32
    %sign3A_9 = arith.extui %sign3A_8 : i1 to i32
    %sign3A_10 = arith.constant 0 : i32
    %sign3A_11 = arith.cmpi slt, %jit3A, %sign3A_10 : i32
    %sign3A_12 = arith.extui %sign3A_11 : i1 to i32
    %sign3A_13 = arith.subi %sign3A_9, %sign3A_12 : i32
    %ne3A = arith.cmpi ne, %sign3A_6, %sign3A_13 : i32
    %rem3A = arith.remsi %add3A, %jit3A : i32
    %ne3A_14 = arith.constant 0 : i32
    %ne3A_15 = arith.cmpi ne, %rem3A, %ne3A_14 : i32
    %and3A = arith.andi %ne3A, %ne3A_15 : i1
    %sub3A = arith.constant 1 : i32
    %sub3A_16 = arith.subi %div3A, %sub3A : i32
    %select_n3A = arith.select %and3A, %sub3A_16, %div3A : i32
    %jit3A_17 = arith.constant 4 : i32
    %eq3A = arith.constant 0 : i32
    %eq3A_18 = arith.cmpi eq, %jit3A_17, %eq3A : i32
    %jit3A_19 = arith.constant 1 : i32
    %select_n3A_20 = arith.select %eq3A_18, %jit3A_19, %jit3A_17 : i32
    %rem3A_21 = arith.remsi %add3A, %select_n3A_20 : i32
    %ne3A_22 = arith.constant 0 : i32
    %ne3A_23 = arith.cmpi ne, %rem3A_21, %ne3A_22 : i32
    %lt3A = arith.constant 0 : i32
    %lt3A_24 = arith.cmpi slt, %rem3A_21, %lt3A : i32
    %lt3A_25 = arith.constant 0 : i32
    %lt3A_26 = arith.cmpi slt, %select_n3A_20, %lt3A_25 : i32
    %ne3A_27 = arith.xori %lt3A_24, %lt3A_26 : i1
    %and3A_28 = arith.andi %ne3A_27, %ne3A_23 : i1
    %add3A_29 = arith.addi %rem3A_21, %select_n3A_20 : i32
    %select_n3A_30 = arith.select %and3A_28, %add3A_29, %rem3A_21 : i32
    %mul3A_31 = arith.constant 80000 : i32
    %mul3A_32 = arith.muli %select_n3A_30, %mul3A_31 : i32
    %add3A_33 = arith.constant 0 : i32
    %add3A_34 = arith.addi %mul3A_32, %add3A_33 : i32
    %multiple_of3A = tpu.assume_multiple %add3A_34, 8 : i32
    %dma_start3A = tpu.memref_slice %arg2[%multiple_of3A] : memref<320000xi32, #tpu.memory_space<hbm>> -> memref<4000xi32, #tpu.memory_space<hbm>>
    %dma_start3A_35 = tpu.memref_slice %arg2[%multiple_of3A] : memref<320000xi32, #tpu.memory_space<hbm>> -> memref<4000xi32, #tpu.memory_space<hbm>>
    tpu.enqueue_dma source(%dma_start3A_35 : memref<4000xi32, #tpu.memory_space<hbm>>) target(%arg11 : memref<4000xi32, #tpu.memory_space<vmem>>) target_semaphore(%arg25 : memref<!tpu.dma_semaphore, #tpu.memory_space<semaphore_mem>>)
    %multiple_of3A_36 = tpu.assume_multiple %add3A_34, 8 : i32
    %dma_start3A_37 = tpu.memref_slice %arg3[%multiple_of3A_36] : memref<320000xi32, #tpu.memory_space<hbm>> -> memref<4000xi32, #tpu.memory_space<hbm>>
    %dma_start3A_38 = tpu.memref_slice %arg3[%multiple_of3A_36] : memref<320000xi32, #tpu.memory_space<hbm>> -> memref<4000xi32, #tpu.memory_space<hbm>>
    tpu.enqueue_dma source(%dma_start3A_38 : memref<4000xi32, #tpu.memory_space<hbm>>) target(%arg13 : memref<4000xi32, #tpu.memory_space<vmem>>) target_semaphore(%arg25 : memref<!tpu.dma_semaphore, #tpu.memory_space<semaphore_mem>>)
    %mul3A_39 = arith.constant 320000 : i32
    %mul3A_40 = arith.muli %select_n3A, %mul3A_39 : i32
    %add3A_41 = arith.addi %mul3A_40, %add3A_34 : i32
    %multiple_of3A_42 = tpu.assume_multiple %add3A_41, 8 : i32
    %dma_start3A_43 = tpu.memref_slice %arg4[%multiple_of3A_42] : memref<2560000xf32, #tpu.memory_space<hbm>> -> memref<4000xf32, #tpu.memory_space<hbm>>
    %dma_start3A_44 = tpu.memref_slice %arg4[%multiple_of3A_42] : memref<2560000xf32, #tpu.memory_space<hbm>> -> memref<4000xf32, #tpu.memory_space<hbm>>
    tpu.enqueue_dma source(%dma_start3A_44 : memref<4000xf32, #tpu.memory_space<hbm>>) target(%arg15 : memref<4000xf32, #tpu.memory_space<vmem>>) target_semaphore(%arg25 : memref<!tpu.dma_semaphore, #tpu.memory_space<semaphore_mem>>)
    %add3A_45 = arith.constant 4000 : i32
    %add3A_46 = arith.addi %mul3A_32, %add3A_45 : i32
    %multiple_of3A_47 = tpu.assume_multiple %add3A_46, 8 : i32
    %dma_start3A_48 = tpu.memref_slice %arg2[%multiple_of3A_47] : memref<320000xi32, #tpu.memory_space<hbm>> -> memref<4000xi32, #tpu.memory_space<hbm>>
    %dma_start3A_49 = tpu.memref_slice %arg2[%multiple_of3A_47] : memref<320000xi32, #tpu.memory_space<hbm>> -> memref<4000xi32, #tpu.memory_space<hbm>>
    tpu.enqueue_dma source(%dma_start3A_49 : memref<4000xi32, #tpu.memory_space<hbm>>) target(%arg12 : memref<4000xi32, #tpu.memory_space<vmem>>) target_semaphore(%arg26 : memref<!tpu.dma_semaphore, #tpu.memory_space<semaphore_mem>>)
    %multiple_of3A_50 = tpu.assume_multiple %add3A_46, 8 : i32
    %dma_start3A_51 = tpu.memref_slice %arg3[%multiple_of3A_50] : memref<320000xi32, #tpu.memory_space<hbm>> -> memref<4000xi32, #tpu.memory_space<hbm>>
    %dma_start3A_52 = tpu.memref_slice %arg3[%multiple_of3A_50] : memref<320000xi32, #tpu.memory_space<hbm>> -> memref<4000xi32, #tpu.memory_space<hbm>>
    tpu.enqueue_dma source(%dma_start3A_52 : memref<4000xi32, #tpu.memory_space<hbm>>) target(%arg14 : memref<4000xi32, #tpu.memory_space<vmem>>) target_semaphore(%arg26 : memref<!tpu.dma_semaphore, #tpu.memory_space<semaphore_mem>>)
    %mul3A_53 = arith.constant 320000 : i32
    %mul3A_54 = arith.muli %select_n3A, %mul3A_53 : i32
    %add3A_55 = arith.addi %mul3A_54, %add3A_46 : i32
    %multiple_of3A_56 = tpu.assume_multiple %add3A_55, 8 : i32
    %dma_start3A_57 = tpu.memref_slice %arg4[%multiple_of3A_56] : memref<2560000xf32, #tpu.memory_space<hbm>> -> memref<4000xf32, #tpu.memory_space<hbm>>
    %dma_start3A_58 = tpu.memref_slice %arg4[%multiple_of3A_56] : memref<2560000xf32, #tpu.memory_space<hbm>> -> memref<4000xf32, #tpu.memory_space<hbm>>
    tpu.enqueue_dma source(%dma_start3A_58 : memref<4000xf32, #tpu.memory_space<hbm>>) target(%arg16 : memref<4000xf32, #tpu.memory_space<vmem>>) target_semaphore(%arg26 : memref<!tpu.dma_semaphore, #tpu.memory_space<semaphore_mem>>)
    %mul3A_59 = arith.constant 10240 : i32
    %mul3A_60 = arith.muli %select_n3A, %mul3A_59 : i32
    %multiple_of3A_61 = tpu.assume_multiple %mul3A_60, 8 : i32
    "tpu.region"() ({
      %run_scoped3A = tpu.sem_alloc : memref<!tpu.dma_semaphore, #tpu.memory_space<semaphore_mem>>
      %dma_start3A_105 = tpu.memref_slice %arg5[%multiple_of3A_61] : memref<163840xf32, #tpu.memory_space<hbm>> -> memref<10000xf32, #tpu.memory_space<hbm>>
      %dma_start3A_106 = tpu.memref_slice %arg5[%multiple_of3A_61] : memref<163840xf32, #tpu.memory_space<hbm>> -> memref<10000xf32, #tpu.memory_space<hbm>>
      tpu.enqueue_dma source(%dma_start3A_106 : memref<10000xf32, #tpu.memory_space<hbm>>) target(%arg21 : memref<10000xf32, #tpu.memory_space<vmem>>) target_semaphore(%run_scoped3A : memref<!tpu.dma_semaphore, #tpu.memory_space<semaphore_mem>>)
      %dma_wait3A_107 = tpu.memref_slice %arg5[%multiple_of3A_61] : memref<163840xf32, #tpu.memory_space<hbm>> -> memref<10000xf32, #tpu.memory_space<hbm>>
      %dma_wait3A_108 = tpu.memref_slice %arg5[%multiple_of3A_61] : memref<163840xf32, #tpu.memory_space<hbm>> -> memref<10000xf32, #tpu.memory_space<hbm>>
      tpu.wait_dma2 semaphore(%run_scoped3A : memref<!tpu.dma_semaphore, #tpu.memory_space<semaphore_mem>>) src(%dma_wait3A_108 : memref<10000xf32, #tpu.memory_space<hbm>>) dst(%arg21 : memref<10000xf32, #tpu.memory_space<vmem>>)
      tpu.yield
    }) : () -> ()
    %add3A_62 = arith.constant 8 : i32
    %add3A_63 = arith.addi %add3A_62, %select_n3A : i32
    %mul3A_64 = arith.constant 10240 : i32
    %mul3A_65 = arith.muli %add3A_63, %mul3A_64 : i32
    %multiple_of3A_66 = tpu.assume_multiple %mul3A_65, 8 : i32
    "tpu.region"() ({
      %run_scoped3A = tpu.sem_alloc : memref<!tpu.dma_semaphore, #tpu.memory_space<semaphore_mem>>
      %dma_start3A_105 = tpu.memref_slice %arg5[%multiple_of3A_66] : memref<163840xf32, #tpu.memory_space<hbm>> -> memref<10000xf32, #tpu.memory_space<hbm>>
      %dma_start3A_106 = tpu.memref_slice %arg5[%multiple_of3A_66] : memref<163840xf32, #tpu.memory_space<hbm>> -> memref<10000xf32, #tpu.memory_space<hbm>>
      tpu.enqueue_dma source(%dma_start3A_106 : memref<10000xf32, #tpu.memory_space<hbm>>) target(%arg22 : memref<10000xf32, #tpu.memory_space<vmem>>) target_semaphore(%run_scoped3A : memref<!tpu.dma_semaphore, #tpu.memory_space<semaphore_mem>>)
      %dma_wait3A_107 = tpu.memref_slice %arg5[%multiple_of3A_66] : memref<163840xf32, #tpu.memory_space<hbm>> -> memref<10000xf32, #tpu.memory_space<hbm>>
      %dma_wait3A_108 = tpu.memref_slice %arg5[%multiple_of3A_66] : memref<163840xf32, #tpu.memory_space<hbm>> -> memref<10000xf32, #tpu.memory_space<hbm>>
      tpu.wait_dma2 semaphore(%run_scoped3A : memref<!tpu.dma_semaphore, #tpu.memory_space<semaphore_mem>>) src(%dma_wait3A_108 : memref<10000xf32, #tpu.memory_space<hbm>>) dst(%arg22 : memref<10000xf32, #tpu.memory_space<vmem>>)
      tpu.yield
    }) : () -> ()
    %mul3A_67 = arith.constant 16 : i32
    %mul3A_68 = arith.muli %select_n3A, %mul3A_67 : i32
    %multiple_of3A_69 = tpu.assume_multiple %mul3A_68, 8 : i32
    "tpu.region"() ({
      %run_scoped3A = tpu.sem_alloc : memref<!tpu.dma_semaphore, #tpu.memory_space<semaphore_mem>>
      %dma_start3A_105 = tpu.memref_slice %arg6[%multiple_of3A_69] : memref<128xf32, #tpu.memory_space<hbm>> -> memref<16xf32, #tpu.memory_space<hbm>>
      %dma_start3A_106 = tpu.memref_slice %arg6[%multiple_of3A_69] : memref<128xf32, #tpu.memory_space<hbm>> -> memref<16xf32, #tpu.memory_space<hbm>>
      tpu.enqueue_dma source(%dma_start3A_106 : memref<16xf32, #tpu.memory_space<hbm>>) target(%arg24 : memref<16xf32, #tpu.memory_space<vmem>>) target_semaphore(%run_scoped3A : memref<!tpu.dma_semaphore, #tpu.memory_space<semaphore_mem>>)
      %dma_wait3A_107 = tpu.memref_slice %arg6[%multiple_of3A_69] : memref<128xf32, #tpu.memory_space<hbm>> -> memref<16xf32, #tpu.memory_space<hbm>>
      %dma_wait3A_108 = tpu.memref_slice %arg6[%multiple_of3A_69] : memref<128xf32, #tpu.memory_space<hbm>> -> memref<16xf32, #tpu.memory_space<hbm>>
      tpu.wait_dma2 semaphore(%run_scoped3A : memref<!tpu.dma_semaphore, #tpu.memory_space<semaphore_mem>>) src(%dma_wait3A_108 : memref<16xf32, #tpu.memory_space<hbm>>) dst(%arg24 : memref<16xf32, #tpu.memory_space<vmem>>)
      tpu.yield
    }) : () -> ()
    %scan3A = arith.constant 0 : i32
    %scan3A_70 = arith.constant 625 : i32
    %scan3A_71 = arith.addi %scan3A, %scan3A_70 : i32
    %scan3A_72 = arith.constant 1 : i32
    scf.for %scan3A_105 = %scan3A to %scan3A_71 step %scan3A_72  : i32 {
      %mul3A_106 = arith.constant 16 : i32
      %mul3A_107 = arith.muli %scan3A_105, %mul3A_106 : i32
      %add3A_108 = arith.constant 0 : i32
      %add3A_109 = arith.addi %add3A_108, %mul3A_107 : i32
      %broadcast_in_dim3A = arith.constant 0.000000e+00 : f32
      %broadcast_in_dim3A_110 = vector.broadcast %broadcast_in_dim3A : f32 to vector<16xf32>
      %swap3A = arith.index_cast %add3A_109 : i32 to index
      %swap3A_111 = tpu.vector_load %arg23[%swap3A] {strides = array<i32>} : memref<10000xf32, #tpu.memory_space<vmem>>, vector<16xf32>,
      tpu.vector_store %arg23[%swap3A], %broadcast_in_dim3A_110 {strides = array<i32>} : memref<10000xf32, #tpu.memory_space<vmem>>, vector<16xf32>,
    }
    %scan3A_73 = arith.constant 625 : i32
    %scan3A_74 = arith.constant 0 : i32
    %scan3A_75 = arith.constant 625 : i32
    %scan3A_76 = arith.addi %scan3A_74, %scan3A_75 : i32
    %scan3A_77 = arith.constant 1 : i32
    scf.for %scan3A_105 = %scan3A_74 to %scan3A_76 step %scan3A_77  : i32 {
      %mul3A_106 = arith.constant 16 : i32
      %mul3A_107 = arith.muli %scan3A_105, %mul3A_106 : i32
      %add3A_108 = arith.constant 0 : i32
      %add3A_109 = arith.addi %add3A_108, %mul3A_107 : i32
      %broadcast_in_dim3A = arith.constant 0.000000e+00 : f32
      %broadcast_in_dim3A_110 = vector.broadcast %broadcast_in_dim3A : f32 to vector<16xf32>
      %swap3A = arith.index_cast %add3A_109 : i32 to index
      %swap3A_111 = tpu.vector_load %arg19[%swap3A] {strides = array<i32>} : memref<10000xf32, #tpu.memory_space<vmem>>, vector<16xf32>,
      tpu.vector_store %arg19[%swap3A], %broadcast_in_dim3A_110 {strides = array<i32>} : memref<10000xf32, #tpu.memory_space<vmem>>, vector<16xf32>,
    }
    %scan3A_78 = arith.constant 625 : i32
    %scan3A_79 = arith.constant 0 : i32
    %scan3A_80 = arith.constant 625 : i32
    %scan3A_81 = arith.addi %scan3A_79, %scan3A_80 : i32
    %scan3A_82 = arith.constant 1 : i32
    scf.for %scan3A_105 = %scan3A_79 to %scan3A_81 step %scan3A_82  : i32 {
      %mul3A_106 = arith.constant 16 : i32
      %mul3A_107 = arith.muli %scan3A_105, %mul3A_106 : i32
      %add3A_108 = arith.constant 0 : i32
      %add3A_109 = arith.addi %add3A_108, %mul3A_107 : i32
      %broadcast_in_dim3A = arith.constant 0.000000e+00 : f32
      %broadcast_in_dim3A_110 = vector.broadcast %broadcast_in_dim3A : f32 to vector<16xf32>
      %swap3A = arith.index_cast %add3A_109 : i32 to index
      %swap3A_111 = tpu.vector_load %arg20[%swap3A] {strides = array<i32>} : memref<10000xf32, #tpu.memory_space<vmem>>, vector<16xf32>,
      tpu.vector_store %arg20[%swap3A], %broadcast_in_dim3A_110 {strides = array<i32>} : memref<10000xf32, #tpu.memory_space<vmem>>, vector<16xf32>,
    }
    %scan3A_83 = arith.constant 625 : i32
    %scan3A_84 = arith.constant 0 : i32
    %scan3A_85 = arith.constant 10 : i32
    %scan3A_86 = arith.addi %scan3A_84, %scan3A_85 : i32
    %scan3A_87 = arith.constant 1 : i32
    scf.for %scan3A_105 = %scan3A_84 to %scan3A_86 step %scan3A_87  : i32 {
      %mul3A_106 = arith.constant 2 : i32
      %mul3A_107 = arith.muli %scan3A_105, %mul3A_106 : i32
      %add3A_108 = arith.constant 0 : i32
      %add3A_109 = arith.addi %add3A_108, %mul3A_107 : i32
      %add3A_110 = arith.constant 0 : i32
      %add3A_111 = arith.addi %add3A_109, %add3A_110 : i32
      %multiple_of3A_112 = arith.constant 0 : i32
      %multiple_of3A_113 = tpu.assume_multiple %multiple_of3A_112, 8 : i32
      %dma_wait3A_114 = tpu.memref_slice %arg2[%multiple_of3A_113] : memref<320000xi32, #tpu.memory_space<hbm>> -> memref<4000xi32, #tpu.memory_space<hbm>>
      %dma_wait3A_115 = tpu.memref_slice %arg2[%multiple_of3A_113] : memref<320000xi32, #tpu.memory_space<hbm>> -> memref<4000xi32, #tpu.memory_space<hbm>>
      tpu.wait_dma2 semaphore(%arg25 : memref<!tpu.dma_semaphore, #tpu.memory_space<semaphore_mem>>) src(%dma_wait3A_115 : memref<4000xi32, #tpu.memory_space<hbm>>) dst(%arg11 : memref<4000xi32, #tpu.memory_space<vmem>>)
      %multiple_of3A_116 = arith.constant 0 : i32
      %multiple_of3A_117 = tpu.assume_multiple %multiple_of3A_116, 8 : i32
      %dma_wait3A_118 = tpu.memref_slice %arg2[%multiple_of3A_117] : memref<320000xi32, #tpu.memory_space<hbm>> -> memref<4000xi32, #tpu.memory_space<hbm>>
      %dma_wait3A_119 = tpu.memref_slice %arg2[%multiple_of3A_117] : memref<320000xi32, #tpu.memory_space<hbm>> -> memref<4000xi32, #tpu.memory_space<hbm>>
      tpu.wait_dma2 semaphore(%arg25 : memref<!tpu.dma_semaphore, #tpu.memory_space<semaphore_mem>>) src(%dma_wait3A_119 : memref<4000xi32, #tpu.memory_space<hbm>>) dst(%arg13 : memref<4000xi32, #tpu.memory_space<vmem>>)
      %multiple_of3A_120 = arith.constant 0 : i32
      %multiple_of3A_121 = tpu.assume_multiple %multiple_of3A_120, 8 : i32
      %dma_wait3A_122 = tpu.memref_slice %arg4[%multiple_of3A_121] : memref<2560000xf32, #tpu.memory_space<hbm>> -> memref<4000xf32, #tpu.memory_space<hbm>>
      %dma_wait3A_123 = tpu.memref_slice %arg4[%multiple_of3A_121] : memref<2560000xf32, #tpu.memory_space<hbm>> -> memref<4000xf32, #tpu.memory_space<hbm>>
      tpu.wait_dma2 semaphore(%arg25 : memref<!tpu.dma_semaphore, #tpu.memory_space<semaphore_mem>>) src(%dma_wait3A_123 : memref<4000xf32, #tpu.memory_space<hbm>>) dst(%arg15 : memref<4000xf32, #tpu.memory_space<vmem>>)
      %ge3A = arith.constant 2 : i32
      %ge3A_124 = arith.cmpi sge, %add3A_111, %ge3A : i32
      %convert_element_type3A_125 = arith.extui %ge3A_124 : i1 to i32
      %cond3A_126 = arith.constant 0 : i32
      %cond3A_127 = arith.cmpi ne, %convert_element_type3A_125, %cond3A_126 : i32
      scf.if %cond3A_127 {
        %multiple_of3A_194 = arith.constant 0 : i32
        %multiple_of3A_195 = tpu.assume_multiple %multiple_of3A_194, 8 : i32
        %dma_wait3A_196 = tpu.memref_slice %arg9[%multiple_of3A_195] : memref<2560000xf32, #tpu.memory_space<hbm>> -> memref<4000xf32, #tpu.memory_space<hbm>>
        %dma_wait3A_197 = tpu.memref_slice %arg9[%multiple_of3A_195] : memref<2560000xf32, #tpu.memory_space<hbm>> -> memref<4000xf32, #tpu.memory_space<hbm>>
        tpu.wait_dma2 semaphore(%arg27 : memref<!tpu.dma_semaphore, #tpu.memory_space<semaphore_mem>>) src(%arg17 : memref<4000xf32, #tpu.memory_space<vmem>>) dst(%dma_wait3A_197 : memref<4000xf32, #tpu.memory_space<hbm>>)
      } else {
      }
      %parallel_loop3A = arith.constant 0 : i32
      %parallel_loop3A_128 = arith.constant 4000 : i32
      %parallel_loop3A_129 = arith.constant 16 : i32
      scf.for %parallel_loop3A_194 = %parallel_loop3A to %parallel_loop3A_128 step %parallel_loop3A_129  : i32 {
        %parallel_loop3A_195 = arith.index_cast %parallel_loop3A_194 : i32 to index
        %parallel_loop3A_196 = tpu.vector_load %arg11[%parallel_loop3A_195] {strides = array<i32>} : memref<4000xi32, #tpu.memory_space<vmem>>, vector<16xi32>,
        %parallel_loop3A_197 = arith.index_cast %parallel_loop3A_194 : i32 to index
        %parallel_loop3A_198 = tpu.vector_load %arg13[%parallel_loop3A_197] {strides = array<i32>} : memref<4000xi32, #tpu.memory_space<vmem>>, vector<16xi32>,
        %parallel_loop3A_199 = arith.index_cast %parallel_loop3A_194 : i32 to index
        %parallel_loop3A_200 = tpu.vector_load %arg15[%parallel_loop3A_199] {strides = array<i32>} : memref<4000xf32, #tpu.memory_space<vmem>>, vector<16xf32>,
        %parallel_loop3A_201 = tpu.vector_load_idx %arg21[%parallel_loop3A_196] : memref<10000xf32, #tpu.memory_space<vmem>>[vector<16xi32>], vector<16xf32>,
        %parallel_loop3A_202 = tpu.vector_load_idx %arg22[%parallel_loop3A_198] : memref<10000xf32, #tpu.memory_space<vmem>>[vector<16xi32>], vector<16xf32>,
        %parallel_loop3A_203 = arith.addf %parallel_loop3A_201, %parallel_loop3A_202 : vector<16xf32>
        %parallel_loop3A_204 = arith.addf %parallel_loop3A_203, %parallel_loop3A_200 : vector<16xf32>
        %parallel_loop3A_205 = arith.constant 2.000000e-01 : f32
        %parallel_loop3A_206 = vector.broadcast %parallel_loop3A_205 : f32 to vector<16xf32>
        %parallel_loop3A_207 = arith.mulf %parallel_loop3A_204, %parallel_loop3A_206 : vector<16xf32>
        %parallel_loop3A_208 = arith.maximumf %parallel_loop3A_204, %parallel_loop3A_207 : vector<16xf32>
        %parallel_loop3A_209 = arith.constant 0 : index
        %parallel_loop3A_210 = tpu.vector_load %arg24[%parallel_loop3A_209] {strides = array<i32>} : memref<16xf32, #tpu.memory_space<vmem>>, vector<16xf32>,
        %parallel_loop3A_211 = arith.subf %parallel_loop3A_208, %parallel_loop3A_210 : vector<16xf32>
        %parallel_loop3A_212 = math.exp %parallel_loop3A_211 : vector<16xf32>
        %parallel_loop3A_213 = arith.index_cast %parallel_loop3A_194 : i32 to index
        %parallel_loop3A_214 = tpu.vector_load %arg17[%parallel_loop3A_213] {strides = array<i32>} : memref<4000xf32, #tpu.memory_space<vmem>>, vector<16xf32>,
        tpu.vector_store %arg17[%parallel_loop3A_213], %parallel_loop3A_212 {strides = array<i32>} : memref<4000xf32, #tpu.memory_space<vmem>>, vector<16xf32>,
        tpu.vector_store_idx %arg23[%parallel_loop3A_198], %parallel_loop3A_212 {add = true} : memref<10000xf32, #tpu.memory_space<vmem>>[vector<16xi32>], vector<16xf32>,
        tpu.vector_store_idx %arg19[%parallel_loop3A_198], %parallel_loop3A_200 {add = true} : memref<10000xf32, #tpu.memory_space<vmem>>[vector<16xi32>], vector<16xf32>,
      } {sc.loop_unroll_factor = 4 : i64, sc.parallel_access}
      %eq3A_130 = arith.constant 0 : i32
      %eq3A_131 = arith.cmpi eq, %select_n3A, %eq3A_130 : i32
      %convert_element_type3A_132 = arith.extui %eq3A_131 : i1 to i32
      %cond3A_133 = arith.constant 0 : i32
      %cond3A_134 = arith.cmpi ne, %convert_element_type3A_132, %cond3A_133 : i32
      scf.if %cond3A_134 {
        %parallel_loop3A_194 = arith.constant 0 : i32
        %parallel_loop3A_195 = arith.constant 4000 : i32
        %parallel_loop3A_196 = arith.constant 16 : i32
        scf.for %parallel_loop3A_197 = %parallel_loop3A_194 to %parallel_loop3A_195 step %parallel_loop3A_196  : i32 {
          %parallel_loop3A_198 = arith.index_cast %parallel_loop3A_197 : i32 to index
          %parallel_loop3A_199 = tpu.vector_load %arg13[%parallel_loop3A_198] {strides = array<i32>} : memref<4000xi32, #tpu.memory_space<vmem>>, vector<16xi32>,
          %parallel_loop3A_200 = arith.constant 1.000000e+00 : f32
          %parallel_loop3A_201 = vector.broadcast %parallel_loop3A_200 : f32 to vector<16xf32>
          tpu.vector_store_idx %arg20[%parallel_loop3A_199], %parallel_loop3A_201 {add = true} : memref<10000xf32, #tpu.memory_space<vmem>>[vector<16xi32>], vector<16xf32>,
        } {sc.loop_unroll_factor = 4 : i64, sc.parallel_access}
      } else {
      }
      %mul3A_135 = arith.constant 320000 : i32
      %mul3A_136 = arith.muli %select_n3A, %mul3A_135 : i32
      %add3A_137 = arith.addi %mul3A_136, %mul3A_32 : i32
      %mul3A_138 = arith.constant 4000 : i32
      %mul3A_139 = arith.muli %add3A_111, %mul3A_138 : i32
      %add3A_140 = arith.addi %add3A_137, %mul3A_139 : i32
      %multiple_of3A_141 = tpu.assume_multiple %add3A_140, 8 : i32
      %dma_start3A_142 = tpu.memref_slice %arg9[%multiple_of3A_141] : memref<2560000xf32, #tpu.memory_space<hbm>> -> memref<4000xf32, #tpu.memory_space<hbm>>
      %dma_start3A_143 = tpu.memref_slice %arg9[%multiple_of3A_141] : memref<2560000xf32, #tpu.memory_space<hbm>> -> memref<4000xf32, #tpu.memory_space<hbm>>
      tpu.enqueue_dma source(%arg17 : memref<4000xf32, #tpu.memory_space<vmem>>) target(%dma_start3A_143 : memref<4000xf32, #tpu.memory_space<hbm>>) target_semaphore(%arg27 : memref<!tpu.dma_semaphore, #tpu.memory_space<semaphore_mem>>)
      %add3A_144 = arith.constant 2 : i32
      %add3A_145 = arith.addi %add3A_111, %add3A_144 : i32
      %lt3A_146 = arith.constant 20 : i32
      %lt3A_147 = arith.cmpi slt, %add3A_145, %lt3A_146 : i32
      %convert_element_type3A_148 = arith.extui %lt3A_147 : i1 to i32
      %cond3A_149 = arith.constant 0 : i32
      %cond3A_150 = arith.cmpi ne, %convert_element_type3A_148, %cond3A_149 : i32
      scf.if %cond3A_150 {
        %add3A_194 = arith.constant 2 : i32
        %add3A_195 = arith.addi %add3A_111, %add3A_194 : i32
        %mul3A_196 = arith.constant 4000 : i32
        %mul3A_197 = arith.muli %add3A_195, %mul3A_196 : i32
        %add3A_198 = arith.addi %mul3A_32, %mul3A_197 : i32
        %multiple_of3A_199 = tpu.assume_multiple %add3A_198, 8 : i32
        %dma_start3A_200 = tpu.memref_slice %arg2[%multiple_of3A_199] : memref<320000xi32, #tpu.memory_space<hbm>> -> memref<4000xi32, #tpu.memory_space<hbm>>
        %dma_start3A_201 = tpu.memref_slice %arg2[%multiple_of3A_199] : memref<320000xi32, #tpu.memory_space<hbm>> -> memref<4000xi32, #tpu.memory_space<hbm>>
        tpu.enqueue_dma source(%dma_start3A_201 : memref<4000xi32, #tpu.memory_space<hbm>>) target(%arg11 : memref<4000xi32, #tpu.memory_space<vmem>>) target_semaphore(%arg25 : memref<!tpu.dma_semaphore, #tpu.memory_space<semaphore_mem>>)
        %multiple_of3A_202 = tpu.assume_multiple %add3A_198, 8 : i32
        %dma_start3A_203 = tpu.memref_slice %arg3[%multiple_of3A_202] : memref<320000xi32, #tpu.memory_space<hbm>> -> memref<4000xi32, #tpu.memory_space<hbm>>
        %dma_start3A_204 = tpu.memref_slice %arg3[%multiple_of3A_202] : memref<320000xi32, #tpu.memory_space<hbm>> -> memref<4000xi32, #tpu.memory_space<hbm>>
        tpu.enqueue_dma source(%dma_start3A_204 : memref<4000xi32, #tpu.memory_space<hbm>>) target(%arg13 : memref<4000xi32, #tpu.memory_space<vmem>>) target_semaphore(%arg25 : memref<!tpu.dma_semaphore, #tpu.memory_space<semaphore_mem>>)
        %mul3A_205 = arith.constant 320000 : i32
        %mul3A_206 = arith.muli %select_n3A, %mul3A_205 : i32
        %add3A_207 = arith.addi %mul3A_206, %add3A_198 : i32
        %multiple_of3A_208 = tpu.assume_multiple %add3A_207, 8 : i32
        %dma_start3A_209 = tpu.memref_slice %arg4[%multiple_of3A_208] : memref<2560000xf32, #tpu.memory_space<hbm>> -> memref<4000xf32, #tpu.memory_space<hbm>>
        %dma_start3A_210 = tpu.memref_slice %arg4[%multiple_of3A_208] : memref<2560000xf32, #tpu.memory_space<hbm>> -> memref<4000xf32, #tpu.memory_space<hbm>>
        tpu.enqueue_dma source(%dma_start3A_210 : memref<4000xf32, #tpu.memory_space<hbm>>) target(%arg15 : memref<4000xf32, #tpu.memory_space<vmem>>) target_semaphore(%arg25 : memref<!tpu.dma_semaphore, #tpu.memory_space<semaphore_mem>>)
      } else {
      }
      %add3A_151 = arith.constant 1 : i32
      %add3A_152 = arith.addi %add3A_109, %add3A_151 : i32
      %multiple_of3A_153 = arith.constant 0 : i32
      %multiple_of3A_154 = tpu.assume_multiple %multiple_of3A_153, 8 : i32
      %dma_wait3A_155 = tpu.memref_slice %arg2[%multiple_of3A_154] : memref<320000xi32, #tpu.memory_space<hbm>> -> memref<4000xi32, #tpu.memory_space<hbm>>
      %dma_wait3A_156 = tpu.memref_slice %arg2[%multiple_of3A_154] : memref<320000xi32, #tpu.memory_space<hbm>> -> memref<4000xi32, #tpu.memory_space<hbm>>
      tpu.wait_dma2 semaphore(%arg26 : memref<!tpu.dma_semaphore, #tpu.memory_space<semaphore_mem>>) src(%dma_wait3A_156 : memref<4000xi32, #tpu.memory_space<hbm>>) dst(%arg12 : memref<4000xi32, #tpu.memory_space<vmem>>)
      %multiple_of3A_157 = arith.constant 0 : i32
      %multiple_of3A_158 = tpu.assume_multiple %multiple_of3A_157, 8 : i32
      %dma_wait3A_159 = tpu.memref_slice %arg2[%multiple_of3A_158] : memref<320000xi32, #tpu.memory_space<hbm>> -> memref<4000xi32, #tpu.memory_space<hbm>>
      %dma_wait3A_160 = tpu.memref_slice %arg2[%multiple_of3A_158] : memref<320000xi32, #tpu.memory_space<hbm>> -> memref<4000xi32, #tpu.memory_space<hbm>>
      tpu.wait_dma2 semaphore(%arg26 : memref<!tpu.dma_semaphore, #tpu.memory_space<semaphore_mem>>) src(%dma_wait3A_160 : memref<4000xi32, #tpu.memory_space<hbm>>) dst(%arg14 : memref<4000xi32, #tpu.memory_space<vmem>>)
      %multiple_of3A_161 = arith.constant 0 : i32
      %multiple_of3A_162 = tpu.assume_multiple %multiple_of3A_161, 8 : i32
      %dma_wait3A_163 = tpu.memref_slice %arg4[%multiple_of3A_162] : memref<2560000xf32, #tpu.memory_space<hbm>> -> memref<4000xf32, #tpu.memory_space<hbm>>
      %dma_wait3A_164 = tpu.memref_slice %arg4[%multiple_of3A_162] : memref<2560000xf32, #tpu.memory_space<hbm>> -> memref<4000xf32, #tpu.memory_space<hbm>>
      tpu.wait_dma2 semaphore(%arg26 : memref<!tpu.dma_semaphore, #tpu.memory_space<semaphore_mem>>) src(%dma_wait3A_164 : memref<4000xf32, #tpu.memory_space<hbm>>) dst(%arg16 : memref<4000xf32, #tpu.memory_space<vmem>>)
      %ge3A_165 = arith.constant 2 : i32
      %ge3A_166 = arith.cmpi sge, %add3A_152, %ge3A_165 : i32
      %convert_element_type3A_167 = arith.extui %ge3A_166 : i1 to i32
      %cond3A_168 = arith.constant 0 : i32
      %cond3A_169 = arith.cmpi ne, %convert_element_type3A_167, %cond3A_168 : i32
      scf.if %cond3A_169 {
        %multiple_of3A_194 = arith.constant 0 : i32
        %multiple_of3A_195 = tpu.assume_multiple %multiple_of3A_194, 8 : i32
        %dma_wait3A_196 = tpu.memref_slice %arg9[%multiple_of3A_195] : memref<2560000xf32, #tpu.memory_space<hbm>> -> memref<4000xf32, #tpu.memory_space<hbm>>
        %dma_wait3A_197 = tpu.memref_slice %arg9[%multiple_of3A_195] : memref<2560000xf32, #tpu.memory_space<hbm>> -> memref<4000xf32, #tpu.memory_space<hbm>>
        tpu.wait_dma2 semaphore(%arg28 : memref<!tpu.dma_semaphore, #tpu.memory_space<semaphore_mem>>) src(%arg18 : memref<4000xf32, #tpu.memory_space<vmem>>) dst(%dma_wait3A_197 : memref<4000xf32, #tpu.memory_space<hbm>>)
      } else {
      }
      %parallel_loop3A_170 = arith.constant 0 : i32
      %parallel_loop3A_171 = arith.constant 4000 : i32
      %parallel_loop3A_172 = arith.constant 16 : i32
      scf.for %parallel_loop3A_194 = %parallel_loop3A_170 to %parallel_loop3A_171 step %parallel_loop3A_172  : i32 {
        %parallel_loop3A_195 = arith.index_cast %parallel_loop3A_194 : i32 to index
        %parallel_loop3A_196 = tpu.vector_load %arg12[%parallel_loop3A_195] {strides = array<i32>} : memref<4000xi32, #tpu.memory_space<vmem>>, vector<16xi32>,
        %parallel_loop3A_197 = arith.index_cast %parallel_loop3A_194 : i32 to index
        %parallel_loop3A_198 = tpu.vector_load %arg14[%parallel_loop3A_197] {strides = array<i32>} : memref<4000xi32, #tpu.memory_space<vmem>>, vector<16xi32>,
        %parallel_loop3A_199 = arith.index_cast %parallel_loop3A_194 : i32 to index
        %parallel_loop3A_200 = tpu.vector_load %arg16[%parallel_loop3A_199] {strides = array<i32>} : memref<4000xf32, #tpu.memory_space<vmem>>, vector<16xf32>,
        %parallel_loop3A_201 = tpu.vector_load_idx %arg21[%parallel_loop3A_196] : memref<10000xf32, #tpu.memory_space<vmem>>[vector<16xi32>], vector<16xf32>,
        %parallel_loop3A_202 = tpu.vector_load_idx %arg22[%parallel_loop3A_198] : memref<10000xf32, #tpu.memory_space<vmem>>[vector<16xi32>], vector<16xf32>,
        %parallel_loop3A_203 = arith.addf %parallel_loop3A_201, %parallel_loop3A_202 : vector<16xf32>
        %parallel_loop3A_204 = arith.addf %parallel_loop3A_203, %parallel_loop3A_200 : vector<16xf32>
        %parallel_loop3A_205 = arith.constant 2.000000e-01 : f32
        %parallel_loop3A_206 = vector.broadcast %parallel_loop3A_205 : f32 to vector<16xf32>
        %parallel_loop3A_207 = arith.mulf %parallel_loop3A_204, %parallel_loop3A_206 : vector<16xf32>
        %parallel_loop3A_208 = arith.maximumf %parallel_loop3A_204, %parallel_loop3A_207 : vector<16xf32>
        %parallel_loop3A_209 = arith.constant 0 : index
        %parallel_loop3A_210 = tpu.vector_load %arg24[%parallel_loop3A_209] {strides = array<i32>} : memref<16xf32, #tpu.memory_space<vmem>>, vector<16xf32>,
        %parallel_loop3A_211 = arith.subf %parallel_loop3A_208, %parallel_loop3A_210 : vector<16xf32>
        %parallel_loop3A_212 = math.exp %parallel_loop3A_211 : vector<16xf32>
        %parallel_loop3A_213 = arith.index_cast %parallel_loop3A_194 : i32 to index
        %parallel_loop3A_214 = tpu.vector_load %arg18[%parallel_loop3A_213] {strides = array<i32>} : memref<4000xf32, #tpu.memory_space<vmem>>, vector<16xf32>,
        tpu.vector_store %arg18[%parallel_loop3A_213], %parallel_loop3A_212 {strides = array<i32>} : memref<4000xf32, #tpu.memory_space<vmem>>, vector<16xf32>,
        tpu.vector_store_idx %arg23[%parallel_loop3A_198], %parallel_loop3A_212 {add = true} : memref<10000xf32, #tpu.memory_space<vmem>>[vector<16xi32>], vector<16xf32>,
        tpu.vector_store_idx %arg19[%parallel_loop3A_198], %parallel_loop3A_200 {add = true} : memref<10000xf32, #tpu.memory_space<vmem>>[vector<16xi32>], vector<16xf32>,
      } {sc.loop_unroll_factor = 4 : i64, sc.parallel_access}
      %eq3A_173 = arith.constant 0 : i32
      %eq3A_174 = arith.cmpi eq, %select_n3A, %eq3A_173 : i32
      %convert_element_type3A_175 = arith.extui %eq3A_174 : i1 to i32
      %cond3A_176 = arith.constant 0 : i32
      %cond3A_177 = arith.cmpi ne, %convert_element_type3A_175, %cond3A_176 : i32
      scf.if %cond3A_177 {
        %parallel_loop3A_194 = arith.constant 0 : i32
        %parallel_loop3A_195 = arith.constant 4000 : i32
        %parallel_loop3A_196 = arith.constant 16 : i32
        scf.for %parallel_loop3A_197 = %parallel_loop3A_194 to %parallel_loop3A_195 step %parallel_loop3A_196  : i32 {
          %parallel_loop3A_198 = arith.index_cast %parallel_loop3A_197 : i32 to index
          %parallel_loop3A_199 = tpu.vector_load %arg14[%parallel_loop3A_198] {strides = array<i32>} : memref<4000xi32, #tpu.memory_space<vmem>>, vector<16xi32>,
          %parallel_loop3A_200 = arith.constant 1.000000e+00 : f32
          %parallel_loop3A_201 = vector.broadcast %parallel_loop3A_200 : f32 to vector<16xf32>
          tpu.vector_store_idx %arg20[%parallel_loop3A_199], %parallel_loop3A_201 {add = true} : memref<10000xf32, #tpu.memory_space<vmem>>[vector<16xi32>], vector<16xf32>,
        } {sc.loop_unroll_factor = 4 : i64, sc.parallel_access}
      } else {
      }
      %mul3A_178 = arith.constant 320000 : i32
      %mul3A_179 = arith.muli %select_n3A, %mul3A_178 : i32
      %add3A_180 = arith.addi %mul3A_179, %mul3A_32 : i32
      %mul3A_181 = arith.constant 4000 : i32
      %mul3A_182 = arith.muli %add3A_152, %mul3A_181 : i32
      %add3A_183 = arith.addi %add3A_180, %mul3A_182 : i32
      %multiple_of3A_184 = tpu.assume_multiple %add3A_183, 8 : i32
      %dma_start3A_185 = tpu.memref_slice %arg9[%multiple_of3A_184] : memref<2560000xf32, #tpu.memory_space<hbm>> -> memref<4000xf32, #tpu.memory_space<hbm>>
      %dma_start3A_186 = tpu.memref_slice %arg9[%multiple_of3A_184] : memref<2560000xf32, #tpu.memory_space<hbm>> -> memref<4000xf32, #tpu.memory_space<hbm>>
      tpu.enqueue_dma source(%arg18 : memref<4000xf32, #tpu.memory_space<vmem>>) target(%dma_start3A_186 : memref<4000xf32, #tpu.memory_space<hbm>>) target_semaphore(%arg28 : memref<!tpu.dma_semaphore, #tpu.memory_space<semaphore_mem>>)
      %add3A_187 = arith.constant 2 : i32
      %add3A_188 = arith.addi %add3A_152, %add3A_187 : i32
      %lt3A_189 = arith.constant 20 : i32
      %lt3A_190 = arith.cmpi slt, %add3A_188, %lt3A_189 : i32
      %convert_element_type3A_191 = arith.extui %lt3A_190 : i1 to i32
      %cond3A_192 = arith.constant 0 : i32
      %cond3A_193 = arith.cmpi ne, %convert_element_type3A_191, %cond3A_192 : i32
      scf.if %cond3A_193 {
        %add3A_194 = arith.constant 2 : i32
        %add3A_195 = arith.addi %add3A_152, %add3A_194 : i32
        %mul3A_196 = arith.constant 4000 : i32
        %mul3A_197 = arith.muli %add3A_195, %mul3A_196 : i32
        %add3A_198 = arith.addi %mul3A_32, %mul3A_197 : i32
        %multiple_of3A_199 = tpu.assume_multiple %add3A_198, 8 : i32
        %dma_start3A_200 = tpu.memref_slice %arg2[%multiple_of3A_199] : memref<320000xi32, #tpu.memory_space<hbm>> -> memref<4000xi32, #tpu.memory_space<hbm>>
        %dma_start3A_201 = tpu.memref_slice %arg2[%multiple_of3A_199] : memref<320000xi32, #tpu.memory_space<hbm>> -> memref<4000xi32, #tpu.memory_space<hbm>>
        tpu.enqueue_dma source(%dma_start3A_201 : memref<4000xi32, #tpu.memory_space<hbm>>) target(%arg12 : memref<4000xi32, #tpu.memory_space<vmem>>) target_semaphore(%arg26 : memref<!tpu.dma_semaphore, #tpu.memory_space<semaphore_mem>>)
        %multiple_of3A_202 = tpu.assume_multiple %add3A_198, 8 : i32
        %dma_start3A_203 = tpu.memref_slice %arg3[%multiple_of3A_202] : memref<320000xi32, #tpu.memory_space<hbm>> -> memref<4000xi32, #tpu.memory_space<hbm>>
        %dma_start3A_204 = tpu.memref_slice %arg3[%multiple_of3A_202] : memref<320000xi32, #tpu.memory_space<hbm>> -> memref<4000xi32, #tpu.memory_space<hbm>>
        tpu.enqueue_dma source(%dma_start3A_204 : memref<4000xi32, #tpu.memory_space<hbm>>) target(%arg14 : memref<4000xi32, #tpu.memory_space<vmem>>) target_semaphore(%arg26 : memref<!tpu.dma_semaphore, #tpu.memory_space<semaphore_mem>>)
        %mul3A_205 = arith.constant 320000 : i32
        %mul3A_206 = arith.muli %select_n3A, %mul3A_205 : i32
        %add3A_207 = arith.addi %mul3A_206, %add3A_198 : i32
        %multiple_of3A_208 = tpu.assume_multiple %add3A_207, 8 : i32
        %dma_start3A_209 = tpu.memref_slice %arg4[%multiple_of3A_208] : memref<2560000xf32, #tpu.memory_space<hbm>> -> memref<4000xf32, #tpu.memory_space<hbm>>
        %dma_start3A_210 = tpu.memref_slice %arg4[%multiple_of3A_208] : memref<2560000xf32, #tpu.memory_space<hbm>> -> memref<4000xf32, #tpu.memory_space<hbm>>
        tpu.enqueue_dma source(%dma_start3A_210 : memref<4000xf32, #tpu.memory_space<hbm>>) target(%arg16 : memref<4000xf32, #tpu.memory_space<vmem>>) target_semaphore(%arg26 : memref<!tpu.dma_semaphore, #tpu.memory_space<semaphore_mem>>)
      } else {
      }
    }
    %scan3A_88 = arith.constant 10 : i32
    %multiple_of3A_89 = arith.constant 0 : i32
    %multiple_of3A_90 = tpu.assume_multiple %multiple_of3A_89, 8 : i32
    %dma_wait3A = tpu.memref_slice %arg9[%multiple_of3A_90] : memref<2560000xf32, #tpu.memory_space<hbm>> -> memref<4000xf32, #tpu.memory_space<hbm>>
    %dma_wait3A_91 = tpu.memref_slice %arg9[%multiple_of3A_90] : memref<2560000xf32, #tpu.memory_space<hbm>> -> memref<4000xf32, #tpu.memory_space<hbm>>
    tpu.wait_dma2 semaphore(%arg27 : memref<!tpu.dma_semaphore, #tpu.memory_space<semaphore_mem>>) src(%arg17 : memref<4000xf32, #tpu.memory_space<vmem>>) dst(%dma_wait3A_91 : memref<4000xf32, #tpu.memory_space<hbm>>)
    %multiple_of3A_92 = arith.constant 0 : i32
    %multiple_of3A_93 = tpu.assume_multiple %multiple_of3A_92, 8 : i32
    %dma_wait3A_94 = tpu.memref_slice %arg9[%multiple_of3A_93] : memref<2560000xf32, #tpu.memory_space<hbm>> -> memref<4000xf32, #tpu.memory_space<hbm>>
    %dma_wait3A_95 = tpu.memref_slice %arg9[%multiple_of3A_93] : memref<2560000xf32, #tpu.memory_space<hbm>> -> memref<4000xf32, #tpu.memory_space<hbm>>
    tpu.wait_dma2 semaphore(%arg28 : memref<!tpu.dma_semaphore, #tpu.memory_space<semaphore_mem>>) src(%arg18 : memref<4000xf32, #tpu.memory_space<vmem>>) dst(%dma_wait3A_95 : memref<4000xf32, #tpu.memory_space<hbm>>)
    %mul3A_96 = arith.constant 10000 : i32
    %mul3A_97 = arith.muli %add3A, %mul3A_96 : i32
    %multiple_of3A_98 = tpu.assume_multiple %mul3A_97, 8 : i32
    "tpu.region"() ({
      %run_scoped3A = tpu.sem_alloc : memref<!tpu.dma_semaphore, #tpu.memory_space<semaphore_mem>>
      %dma_start3A_105 = tpu.memref_slice %arg10[%multiple_of3A_98] : memref<320000xf32, #tpu.memory_space<hbm>> -> memref<10000xf32, #tpu.memory_space<hbm>>
      %dma_start3A_106 = tpu.memref_slice %arg10[%multiple_of3A_98] : memref<320000xf32, #tpu.memory_space<hbm>> -> memref<10000xf32, #tpu.memory_space<hbm>>
      tpu.enqueue_dma source(%arg23 : memref<10000xf32, #tpu.memory_space<vmem>>) target(%dma_start3A_106 : memref<10000xf32, #tpu.memory_space<hbm>>) target_semaphore(%run_scoped3A : memref<!tpu.dma_semaphore, #tpu.memory_space<semaphore_mem>>)
      %dma_wait3A_107 = tpu.memref_slice %arg10[%multiple_of3A_98] : memref<320000xf32, #tpu.memory_space<hbm>> -> memref<10000xf32, #tpu.memory_space<hbm>>
      %dma_wait3A_108 = tpu.memref_slice %arg10[%multiple_of3A_98] : memref<320000xf32, #tpu.memory_space<hbm>> -> memref<10000xf32, #tpu.memory_space<hbm>>
      tpu.wait_dma2 semaphore(%run_scoped3A : memref<!tpu.dma_semaphore, #tpu.memory_space<semaphore_mem>>) src(%arg23 : memref<10000xf32, #tpu.memory_space<vmem>>) dst(%dma_wait3A_108 : memref<10000xf32, #tpu.memory_space<hbm>>)
      tpu.yield
    }) : () -> ()
    %mul3A_99 = arith.constant 10000 : i32
    %mul3A_100 = arith.muli %add3A, %mul3A_99 : i32
    %multiple_of3A_101 = tpu.assume_multiple %mul3A_100, 8 : i32
    "tpu.region"() ({
      %run_scoped3A = tpu.sem_alloc : memref<!tpu.dma_semaphore, #tpu.memory_space<semaphore_mem>>
      %dma_start3A_105 = tpu.memref_slice %arg7[%multiple_of3A_101] : memref<320000xf32, #tpu.memory_space<hbm>> -> memref<10000xf32, #tpu.memory_space<hbm>>
      %dma_start3A_106 = tpu.memref_slice %arg7[%multiple_of3A_101] : memref<320000xf32, #tpu.memory_space<hbm>> -> memref<10000xf32, #tpu.memory_space<hbm>>
      tpu.enqueue_dma source(%arg19 : memref<10000xf32, #tpu.memory_space<vmem>>) target(%dma_start3A_106 : memref<10000xf32, #tpu.memory_space<hbm>>) target_semaphore(%run_scoped3A : memref<!tpu.dma_semaphore, #tpu.memory_space<semaphore_mem>>)
      %dma_wait3A_107 = tpu.memref_slice %arg7[%multiple_of3A_101] : memref<320000xf32, #tpu.memory_space<hbm>> -> memref<10000xf32, #tpu.memory_space<hbm>>
      %dma_wait3A_108 = tpu.memref_slice %arg7[%multiple_of3A_101] : memref<320000xf32, #tpu.memory_space<hbm>> -> memref<10000xf32, #tpu.memory_space<hbm>>
      tpu.wait_dma2 semaphore(%run_scoped3A : memref<!tpu.dma_semaphore, #tpu.memory_space<semaphore_mem>>) src(%arg19 : memref<10000xf32, #tpu.memory_space<vmem>>) dst(%dma_wait3A_108 : memref<10000xf32, #tpu.memory_space<hbm>>)
      tpu.yield
    }) : () -> ()
    %eq3A_102 = arith.constant 0 : i32
    %eq3A_103 = arith.cmpi eq, %select_n3A, %eq3A_102 : i32
    %convert_element_type3A = arith.extui %eq3A_103 : i1 to i32
    %cond3A = arith.constant 0 : i32
    %cond3A_104 = arith.cmpi ne, %convert_element_type3A, %cond3A : i32
    scf.if %cond3A_104 {
      %mul3A_105 = arith.constant 10000 : i32
      %mul3A_106 = arith.muli %select_n3A_30, %mul3A_105 : i32
      %multiple_of3A_107 = tpu.assume_multiple %mul3A_106, 8 : i32
      "tpu.region"() ({
        %run_scoped3A = tpu.sem_alloc : memref<!tpu.dma_semaphore, #tpu.memory_space<semaphore_mem>>
        %dma_start3A_108 = tpu.memref_slice %arg8[%multiple_of3A_107] : memref<40000xf32, #tpu.memory_space<hbm>> -> memref<10000xf32, #tpu.memory_space<hbm>>
        %dma_start3A_109 = tpu.memref_slice %arg8[%multiple_of3A_107] : memref<40000xf32, #tpu.memory_space<hbm>> -> memref<10000xf32, #tpu.memory_space<hbm>>
        tpu.enqueue_dma source(%arg20 : memref<10000xf32, #tpu.memory_space<vmem>>) target(%dma_start3A_109 : memref<10000xf32, #tpu.memory_space<hbm>>) target_semaphore(%run_scoped3A : memref<!tpu.dma_semaphore, #tpu.memory_space<semaphore_mem>>)
        %dma_wait3A_110 = tpu.memref_slice %arg8[%multiple_of3A_107] : memref<40000xf32, #tpu.memory_space<hbm>> -> memref<10000xf32, #tpu.memory_space<hbm>>
        %dma_wait3A_111 = tpu.memref_slice %arg8[%multiple_of3A_107] : memref<40000xf32, #tpu.memory_space<hbm>> -> memref<10000xf32, #tpu.memory_space<hbm>>
        tpu.wait_dma2 semaphore(%run_scoped3A : memref<!tpu.dma_semaphore, #tpu.memory_space<semaphore_mem>>) src(%arg20 : memref<10000xf32, #tpu.memory_space<vmem>>) dst(%dma_wait3A_111 : memref<10000xf32, #tpu.memory_space<hbm>>)
        tpu.yield
      }) : () -> ()
    } else {
    }
    return
  }
}

#map = affine_map<(d0, d1) -> (0)>
module attributes {stable_mosaic.version = 14 : i64} {
  func.func @_sc2_body(%arg0: i32, %arg1: i32, %arg2: memref<320000xi32, #tpu.memory_space<hbm>>, %arg3: memref<320000xi32, #tpu.memory_space<hbm>>, %arg4: memref<2560000xf32, #tpu.memory_space<hbm>>, %arg5: memref<1310720xf32, #tpu.memory_space<hbm>>, %arg6: memref<1280000xf32, #tpu.memory_space<hbm>>, %arg7: memref<4000xi32, #tpu.memory_space<vmem>>, %arg8: memref<4000xi32, #tpu.memory_space<vmem>>, %arg9: memref<4000xi32, #tpu.memory_space<vmem>>, %arg10: memref<4000xi32, #tpu.memory_space<vmem>>, %arg11: memref<4000xf32, #tpu.memory_space<vmem>>, %arg12: memref<4000xf32, #tpu.memory_space<vmem>>, %arg13: memref<10000xf32, #tpu.memory_space<vmem>>, %arg14: memref<10000xf32, #tpu.memory_space<vmem>>, %arg15: memref<10000xf32, #tpu.memory_space<vmem>>, %arg16: memref<10000xf32, #tpu.memory_space<vmem>>, %arg17: memref<10000xf32, #tpu.memory_space<vmem>>, %arg18: memref<10000xf32, #tpu.memory_space<vmem>>, %arg19: memref<10000xf32, #tpu.memory_space<vmem>>, %arg20: memref<10000xf32, #tpu.memory_space<vmem>>, %arg21: memref<!tpu.dma_semaphore, #tpu.memory_space<semaphore_mem>>, %arg22: memref<!tpu.dma_semaphore, #tpu.memory_space<semaphore_mem>>) attributes {dimension_semantics = [#tpu.dimension_semantics<core_parallel>, #tpu.dimension_semantics<subcore_parallel>], iteration_bounds = array<i64: 2, 16>, scalar_prefetch = 0 : i64, scratch_operands = 16 : i64, tpu.core_type = #tpu.core_type<sc_vector_subcore>, window_params = [{transform_indices = #map}, {transform_indices = #map}, {transform_indices = #map}, {transform_indices = #map}, {transform_indices = #map}]} {
    %mul3A = arith.constant 2 : i32
    %mul3A_0 = arith.muli %arg1, %mul3A : i32
    %add3A = arith.addi %mul3A_0, %arg0 : i32
    %jit3A = arith.constant 4 : i32
    %div3A = arith.divsi %add3A, %jit3A : i32
    %sign3A = arith.constant 0 : i32
    %sign3A_1 = arith.cmpi sgt, %add3A, %sign3A : i32
    %sign3A_2 = arith.extui %sign3A_1 : i1 to i32
    %sign3A_3 = arith.constant 0 : i32
    %sign3A_4 = arith.cmpi slt, %add3A, %sign3A_3 : i32
    %sign3A_5 = arith.extui %sign3A_4 : i1 to i32
    %sign3A_6 = arith.subi %sign3A_2, %sign3A_5 : i32
    %sign3A_7 = arith.constant 0 : i32
    %sign3A_8 = arith.cmpi sgt, %jit3A, %sign3A_7 : i32
    %sign3A_9 = arith.extui %sign3A_8 : i1 to i32
    %sign3A_10 = arith.constant 0 : i32
    %sign3A_11 = arith.cmpi slt, %jit3A, %sign3A_10 : i32
    %sign3A_12 = arith.extui %sign3A_11 : i1 to i32
    %sign3A_13 = arith.subi %sign3A_9, %sign3A_12 : i32
    %ne3A = arith.cmpi ne, %sign3A_6, %sign3A_13 : i32
    %rem3A = arith.remsi %add3A, %jit3A : i32
    %ne3A_14 = arith.constant 0 : i32
    %ne3A_15 = arith.cmpi ne, %rem3A, %ne3A_14 : i32
    %and3A = arith.andi %ne3A, %ne3A_15 : i1
    %sub3A = arith.constant 1 : i32
    %sub3A_16 = arith.subi %div3A, %sub3A : i32
    %select_n3A = arith.select %and3A, %sub3A_16, %div3A : i32
    %multiple_of3A = arith.constant 0 : i32
    %multiple_of3A_17 = tpu.assume_multiple %multiple_of3A, 8 : i32
    %dma_start3A = tpu.memref_slice %arg2[%multiple_of3A_17] : memref<320000xi32, #tpu.memory_space<hbm>> -> memref<4000xi32, #tpu.memory_space<hbm>>
    %dma_start3A_18 = tpu.memref_slice %arg2[%multiple_of3A_17] : memref<320000xi32, #tpu.memory_space<hbm>> -> memref<4000xi32, #tpu.memory_space<hbm>>
    tpu.enqueue_dma source(%dma_start3A_18 : memref<4000xi32, #tpu.memory_space<hbm>>) target(%arg7 : memref<4000xi32, #tpu.memory_space<vmem>>) target_semaphore(%arg21 : memref<!tpu.dma_semaphore, #tpu.memory_space<semaphore_mem>>)
    %multiple_of3A_19 = arith.constant 0 : i32
    %multiple_of3A_20 = tpu.assume_multiple %multiple_of3A_19, 8 : i32
    %dma_start3A_21 = tpu.memref_slice %arg3[%multiple_of3A_20] : memref<320000xi32, #tpu.memory_space<hbm>> -> memref<4000xi32, #tpu.memory_space<hbm>>
    %dma_start3A_22 = tpu.memref_slice %arg3[%multiple_of3A_20] : memref<320000xi32, #tpu.memory_space<hbm>> -> memref<4000xi32, #tpu.memory_space<hbm>>
    tpu.enqueue_dma source(%dma_start3A_22 : memref<4000xi32, #tpu.memory_space<hbm>>) target(%arg9 : memref<4000xi32, #tpu.memory_space<vmem>>) target_semaphore(%arg21 : memref<!tpu.dma_semaphore, #tpu.memory_space<semaphore_mem>>)
    %mul3A_23 = arith.constant 320000 : i32
    %mul3A_24 = arith.muli %select_n3A, %mul3A_23 : i32
    %add3A_25 = arith.constant 0 : i32
    %add3A_26 = arith.addi %mul3A_24, %add3A_25 : i32
    %multiple_of3A_27 = tpu.assume_multiple %add3A_26, 8 : i32
    %dma_start3A_28 = tpu.memref_slice %arg4[%multiple_of3A_27] : memref<2560000xf32, #tpu.memory_space<hbm>> -> memref<4000xf32, #tpu.memory_space<hbm>>
    %dma_start3A_29 = tpu.memref_slice %arg4[%multiple_of3A_27] : memref<2560000xf32, #tpu.memory_space<hbm>> -> memref<4000xf32, #tpu.memory_space<hbm>>
    tpu.enqueue_dma source(%dma_start3A_29 : memref<4000xf32, #tpu.memory_space<hbm>>) target(%arg11 : memref<4000xf32, #tpu.memory_space<vmem>>) target_semaphore(%arg21 : memref<!tpu.dma_semaphore, #tpu.memory_space<semaphore_mem>>)
    %multiple_of3A_30 = arith.constant 4000 : i32
    %multiple_of3A_31 = tpu.assume_multiple %multiple_of3A_30, 8 : i32
    %dma_start3A_32 = tpu.memref_slice %arg2[%multiple_of3A_31] : memref<320000xi32, #tpu.memory_space<hbm>> -> memref<4000xi32, #tpu.memory_space<hbm>>
    %dma_start3A_33 = tpu.memref_slice %arg2[%multiple_of3A_31] : memref<320000xi32, #tpu.memory_space<hbm>> -> memref<4000xi32, #tpu.memory_space<hbm>>
    tpu.enqueue_dma source(%dma_start3A_33 : memref<4000xi32, #tpu.memory_space<hbm>>) target(%arg8 : memref<4000xi32, #tpu.memory_space<vmem>>) target_semaphore(%arg22 : memref<!tpu.dma_semaphore, #tpu.memory_space<semaphore_mem>>)
    %multiple_of3A_34 = arith.constant 4000 : i32
    %multiple_of3A_35 = tpu.assume_multiple %multiple_of3A_34, 8 : i32
    %dma_start3A_36 = tpu.memref_slice %arg3[%multiple_of3A_35] : memref<320000xi32, #tpu.memory_space<hbm>> -> memref<4000xi32, #tpu.memory_space<hbm>>
    %dma_start3A_37 = tpu.memref_slice %arg3[%multiple_of3A_35] : memref<320000xi32, #tpu.memory_space<hbm>> -> memref<4000xi32, #tpu.memory_space<hbm>>
    tpu.enqueue_dma source(%dma_start3A_37 : memref<4000xi32, #tpu.memory_space<hbm>>) target(%arg10 : memref<4000xi32, #tpu.memory_space<vmem>>) target_semaphore(%arg22 : memref<!tpu.dma_semaphore, #tpu.memory_space<semaphore_mem>>)
    %mul3A_38 = arith.constant 320000 : i32
    %mul3A_39 = arith.muli %select_n3A, %mul3A_38 : i32
    %add3A_40 = arith.constant 4000 : i32
    %add3A_41 = arith.addi %mul3A_39, %add3A_40 : i32
    %multiple_of3A_42 = tpu.assume_multiple %add3A_41, 8 : i32
    %dma_start3A_43 = tpu.memref_slice %arg4[%multiple_of3A_42] : memref<2560000xf32, #tpu.memory_space<hbm>> -> memref<4000xf32, #tpu.memory_space<hbm>>
    %dma_start3A_44 = tpu.memref_slice %arg4[%multiple_of3A_42] : memref<2560000xf32, #tpu.memory_space<hbm>> -> memref<4000xf32, #tpu.memory_space<hbm>>
    tpu.enqueue_dma source(%dma_start3A_44 : memref<4000xf32, #tpu.memory_space<hbm>>) target(%arg12 : memref<4000xf32, #tpu.memory_space<vmem>>) target_semaphore(%arg22 : memref<!tpu.dma_semaphore, #tpu.memory_space<semaphore_mem>>)
    %mul3A_45 = arith.constant 4 : i32
    %mul3A_46 = arith.muli %add3A, %mul3A_45 : i32
    %add3A_47 = arith.constant 0 : i32
    %add3A_48 = arith.addi %mul3A_46, %add3A_47 : i32
    %mul3A_49 = arith.constant 10240 : i32
    %mul3A_50 = arith.muli %add3A_48, %mul3A_49 : i32
    %multiple_of3A_51 = tpu.assume_multiple %mul3A_50, 8 : i32
    "tpu.region"() ({
      %run_scoped3A = tpu.sem_alloc : memref<!tpu.dma_semaphore, #tpu.memory_space<semaphore_mem>>
      %dma_start3A_125 = tpu.memref_slice %arg5[%multiple_of3A_51] : memref<1310720xf32, #tpu.memory_space<hbm>> -> memref<10000xf32, #tpu.memory_space<hbm>>
      %dma_start3A_126 = tpu.memref_slice %arg5[%multiple_of3A_51] : memref<1310720xf32, #tpu.memory_space<hbm>> -> memref<10000xf32, #tpu.memory_space<hbm>>
      tpu.enqueue_dma source(%dma_start3A_126 : memref<10000xf32, #tpu.memory_space<hbm>>) target(%arg13 : memref<10000xf32, #tpu.memory_space<vmem>>) target_semaphore(%run_scoped3A : memref<!tpu.dma_semaphore, #tpu.memory_space<semaphore_mem>>)
      %dma_wait3A = tpu.memref_slice %arg5[%multiple_of3A_51] : memref<1310720xf32, #tpu.memory_space<hbm>> -> memref<10000xf32, #tpu.memory_space<hbm>>
      %dma_wait3A_127 = tpu.memref_slice %arg5[%multiple_of3A_51] : memref<1310720xf32, #tpu.memory_space<hbm>> -> memref<10000xf32, #tpu.memory_space<hbm>>
      tpu.wait_dma2 semaphore(%run_scoped3A : memref<!tpu.dma_semaphore, #tpu.memory_space<semaphore_mem>>) src(%dma_wait3A_127 : memref<10000xf32, #tpu.memory_space<hbm>>) dst(%arg13 : memref<10000xf32, #tpu.memory_space<vmem>>)
      tpu.yield
    }) : () -> ()
    %scan3A = arith.constant 0 : i32
    %scan3A_52 = arith.constant 625 : i32
    %scan3A_53 = arith.addi %scan3A, %scan3A_52 : i32
    %scan3A_54 = arith.constant 1 : i32
    scf.for %scan3A_125 = %scan3A to %scan3A_53 step %scan3A_54  : i32 {
      %mul3A_126 = arith.constant 16 : i32
      %mul3A_127 = arith.muli %scan3A_125, %mul3A_126 : i32
      %add3A_128 = arith.constant 0 : i32
      %add3A_129 = arith.addi %add3A_128, %mul3A_127 : i32
      %broadcast_in_dim3A = arith.constant 0.000000e+00 : f32
      %broadcast_in_dim3A_130 = vector.broadcast %broadcast_in_dim3A : f32 to vector<16xf32>
      %swap3A = arith.index_cast %add3A_129 : i32 to index
      %swap3A_131 = tpu.vector_load %arg17[%swap3A] {strides = array<i32>} : memref<10000xf32, #tpu.memory_space<vmem>>, vector<16xf32>,
      tpu.vector_store %arg17[%swap3A], %broadcast_in_dim3A_130 {strides = array<i32>} : memref<10000xf32, #tpu.memory_space<vmem>>, vector<16xf32>,
    }
    %scan3A_55 = arith.constant 625 : i32
    %mul3A_56 = arith.constant 4 : i32
    %mul3A_57 = arith.muli %add3A, %mul3A_56 : i32
    %add3A_58 = arith.constant 1 : i32
    %add3A_59 = arith.addi %mul3A_57, %add3A_58 : i32
    %mul3A_60 = arith.constant 10240 : i32
    %mul3A_61 = arith.muli %add3A_59, %mul3A_60 : i32
    %multiple_of3A_62 = tpu.assume_multiple %mul3A_61, 8 : i32
    "tpu.region"() ({
      %run_scoped3A = tpu.sem_alloc : memref<!tpu.dma_semaphore, #tpu.memory_space<semaphore_mem>>
      %dma_start3A_125 = tpu.memref_slice %arg5[%multiple_of3A_62] : memref<1310720xf32, #tpu.memory_space<hbm>> -> memref<10000xf32, #tpu.memory_space<hbm>>
      %dma_start3A_126 = tpu.memref_slice %arg5[%multiple_of3A_62] : memref<1310720xf32, #tpu.memory_space<hbm>> -> memref<10000xf32, #tpu.memory_space<hbm>>
      tpu.enqueue_dma source(%dma_start3A_126 : memref<10000xf32, #tpu.memory_space<hbm>>) target(%arg14 : memref<10000xf32, #tpu.memory_space<vmem>>) target_semaphore(%run_scoped3A : memref<!tpu.dma_semaphore, #tpu.memory_space<semaphore_mem>>)
      %dma_wait3A = tpu.memref_slice %arg5[%multiple_of3A_62] : memref<1310720xf32, #tpu.memory_space<hbm>> -> memref<10000xf32, #tpu.memory_space<hbm>>
      %dma_wait3A_127 = tpu.memref_slice %arg5[%multiple_of3A_62] : memref<1310720xf32, #tpu.memory_space<hbm>> -> memref<10000xf32, #tpu.memory_space<hbm>>
      tpu.wait_dma2 semaphore(%run_scoped3A : memref<!tpu.dma_semaphore, #tpu.memory_space<semaphore_mem>>) src(%dma_wait3A_127 : memref<10000xf32, #tpu.memory_space<hbm>>) dst(%arg14 : memref<10000xf32, #tpu.memory_space<vmem>>)
      tpu.yield
    }) : () -> ()
    %scan3A_63 = arith.constant 0 : i32
    %scan3A_64 = arith.constant 625 : i32
    %scan3A_65 = arith.addi %scan3A_63, %scan3A_64 : i32
    %scan3A_66 = arith.constant 1 : i32
    scf.for %scan3A_125 = %scan3A_63 to %scan3A_65 step %scan3A_66  : i32 {
      %mul3A_126 = arith.constant 16 : i32
      %mul3A_127 = arith.muli %scan3A_125, %mul3A_126 : i32
      %add3A_128 = arith.constant 0 : i32
      %add3A_129 = arith.addi %add3A_128, %mul3A_127 : i32
      %broadcast_in_dim3A = arith.constant 0.000000e+00 : f32
      %broadcast_in_dim3A_130 = vector.broadcast %broadcast_in_dim3A : f32 to vector<16xf32>
      %swap3A = arith.index_cast %add3A_129 : i32 to index
      %swap3A_131 = tpu.vector_load %arg18[%swap3A] {strides = array<i32>} : memref<10000xf32, #tpu.memory_space<vmem>>, vector<16xf32>,
      tpu.vector_store %arg18[%swap3A], %broadcast_in_dim3A_130 {strides = array<i32>} : memref<10000xf32, #tpu.memory_space<vmem>>, vector<16xf32>,
    }
    %scan3A_67 = arith.constant 625 : i32
    %mul3A_68 = arith.constant 4 : i32
    %mul3A_69 = arith.muli %add3A, %mul3A_68 : i32
    %add3A_70 = arith.constant 2 : i32
    %add3A_71 = arith.addi %mul3A_69, %add3A_70 : i32
    %mul3A_72 = arith.constant 10240 : i32
    %mul3A_73 = arith.muli %add3A_71, %mul3A_72 : i32
    %multiple_of3A_74 = tpu.assume_multiple %mul3A_73, 8 : i32
    "tpu.region"() ({
      %run_scoped3A = tpu.sem_alloc : memref<!tpu.dma_semaphore, #tpu.memory_space<semaphore_mem>>
      %dma_start3A_125 = tpu.memref_slice %arg5[%multiple_of3A_74] : memref<1310720xf32, #tpu.memory_space<hbm>> -> memref<10000xf32, #tpu.memory_space<hbm>>
      %dma_start3A_126 = tpu.memref_slice %arg5[%multiple_of3A_74] : memref<1310720xf32, #tpu.memory_space<hbm>> -> memref<10000xf32, #tpu.memory_space<hbm>>
      tpu.enqueue_dma source(%dma_start3A_126 : memref<10000xf32, #tpu.memory_space<hbm>>) target(%arg15 : memref<10000xf32, #tpu.memory_space<vmem>>) target_semaphore(%run_scoped3A : memref<!tpu.dma_semaphore, #tpu.memory_space<semaphore_mem>>)
      %dma_wait3A = tpu.memref_slice %arg5[%multiple_of3A_74] : memref<1310720xf32, #tpu.memory_space<hbm>> -> memref<10000xf32, #tpu.memory_space<hbm>>
      %dma_wait3A_127 = tpu.memref_slice %arg5[%multiple_of3A_74] : memref<1310720xf32, #tpu.memory_space<hbm>> -> memref<10000xf32, #tpu.memory_space<hbm>>
      tpu.wait_dma2 semaphore(%run_scoped3A : memref<!tpu.dma_semaphore, #tpu.memory_space<semaphore_mem>>) src(%dma_wait3A_127 : memref<10000xf32, #tpu.memory_space<hbm>>) dst(%arg15 : memref<10000xf32, #tpu.memory_space<vmem>>)
      tpu.yield
    }) : () -> ()
    %scan3A_75 = arith.constant 0 : i32
    %scan3A_76 = arith.constant 625 : i32
    %scan3A_77 = arith.addi %scan3A_75, %scan3A_76 : i32
    %scan3A_78 = arith.constant 1 : i32
    scf.for %scan3A_125 = %scan3A_75 to %scan3A_77 step %scan3A_78  : i32 {
      %mul3A_126 = arith.constant 16 : i32
      %mul3A_127 = arith.muli %scan3A_125, %mul3A_126 : i32
      %add3A_128 = arith.constant 0 : i32
      %add3A_129 = arith.addi %add3A_128, %mul3A_127 : i32
      %broadcast_in_dim3A = arith.constant 0.000000e+00 : f32
      %broadcast_in_dim3A_130 = vector.broadcast %broadcast_in_dim3A : f32 to vector<16xf32>
      %swap3A = arith.index_cast %add3A_129 : i32 to index
      %swap3A_131 = tpu.vector_load %arg19[%swap3A] {strides = array<i32>} : memref<10000xf32, #tpu.memory_space<vmem>>, vector<16xf32>,
      tpu.vector_store %arg19[%swap3A], %broadcast_in_dim3A_130 {strides = array<i32>} : memref<10000xf32, #tpu.memory_space<vmem>>, vector<16xf32>,
    }
    %scan3A_79 = arith.constant 625 : i32
    %mul3A_80 = arith.constant 4 : i32
    %mul3A_81 = arith.muli %add3A, %mul3A_80 : i32
    %add3A_82 = arith.constant 3 : i32
    %add3A_83 = arith.addi %mul3A_81, %add3A_82 : i32
    %mul3A_84 = arith.constant 10240 : i32
    %mul3A_85 = arith.muli %add3A_83, %mul3A_84 : i32
    %multiple_of3A_86 = tpu.assume_multiple %mul3A_85, 8 : i32
    "tpu.region"() ({
      %run_scoped3A = tpu.sem_alloc : memref<!tpu.dma_semaphore, #tpu.memory_space<semaphore_mem>>
      %dma_start3A_125 = tpu.memref_slice %arg5[%multiple_of3A_86] : memref<1310720xf32, #tpu.memory_space<hbm>> -> memref<10000xf32, #tpu.memory_space<hbm>>
      %dma_start3A_126 = tpu.memref_slice %arg5[%multiple_of3A_86] : memref<1310720xf32, #tpu.memory_space<hbm>> -> memref<10000xf32, #tpu.memory_space<hbm>>
      tpu.enqueue_dma source(%dma_start3A_126 : memref<10000xf32, #tpu.memory_space<hbm>>) target(%arg16 : memref<10000xf32, #tpu.memory_space<vmem>>) target_semaphore(%run_scoped3A : memref<!tpu.dma_semaphore, #tpu.memory_space<semaphore_mem>>)
      %dma_wait3A = tpu.memref_slice %arg5[%multiple_of3A_86] : memref<1310720xf32, #tpu.memory_space<hbm>> -> memref<10000xf32, #tpu.memory_space<hbm>>
      %dma_wait3A_127 = tpu.memref_slice %arg5[%multiple_of3A_86] : memref<1310720xf32, #tpu.memory_space<hbm>> -> memref<10000xf32, #tpu.memory_space<hbm>>
      tpu.wait_dma2 semaphore(%run_scoped3A : memref<!tpu.dma_semaphore, #tpu.memory_space<semaphore_mem>>) src(%dma_wait3A_127 : memref<10000xf32, #tpu.memory_space<hbm>>) dst(%arg16 : memref<10000xf32, #tpu.memory_space<vmem>>)
      tpu.yield
    }) : () -> ()
    %scan3A_87 = arith.constant 0 : i32
    %scan3A_88 = arith.constant 625 : i32
    %scan3A_89 = arith.addi %scan3A_87, %scan3A_88 : i32
    %scan3A_90 = arith.constant 1 : i32
    scf.for %scan3A_125 = %scan3A_87 to %scan3A_89 step %scan3A_90  : i32 {
      %mul3A_126 = arith.constant 16 : i32
      %mul3A_127 = arith.muli %scan3A_125, %mul3A_126 : i32
      %add3A_128 = arith.constant 0 : i32
      %add3A_129 = arith.addi %add3A_128, %mul3A_127 : i32
      %broadcast_in_dim3A = arith.constant 0.000000e+00 : f32
      %broadcast_in_dim3A_130 = vector.broadcast %broadcast_in_dim3A : f32 to vector<16xf32>
      %swap3A = arith.index_cast %add3A_129 : i32 to index
      %swap3A_131 = tpu.vector_load %arg20[%swap3A] {strides = array<i32>} : memref<10000xf32, #tpu.memory_space<vmem>>, vector<16xf32>,
      tpu.vector_store %arg20[%swap3A], %broadcast_in_dim3A_130 {strides = array<i32>} : memref<10000xf32, #tpu.memory_space<vmem>>, vector<16xf32>,
    }
    %scan3A_91 = arith.constant 625 : i32
    %scan3A_92 = arith.constant 0 : i32
    %scan3A_93 = arith.constant 40 : i32
    %scan3A_94 = arith.addi %scan3A_92, %scan3A_93 : i32
    %scan3A_95 = arith.constant 1 : i32
    scf.for %scan3A_125 = %scan3A_92 to %scan3A_94 step %scan3A_95  : i32 {
      %mul3A_126 = arith.constant 2 : i32
      %mul3A_127 = arith.muli %scan3A_125, %mul3A_126 : i32
      %add3A_128 = arith.constant 0 : i32
      %add3A_129 = arith.addi %add3A_128, %mul3A_127 : i32
      %add3A_130 = arith.constant 0 : i32
      %add3A_131 = arith.addi %add3A_129, %add3A_130 : i32
      %multiple_of3A_132 = arith.constant 0 : i32
      %multiple_of3A_133 = tpu.assume_multiple %multiple_of3A_132, 8 : i32
      %dma_wait3A = tpu.memref_slice %arg2[%multiple_of3A_133] : memref<320000xi32, #tpu.memory_space<hbm>> -> memref<4000xi32, #tpu.memory_space<hbm>>
      %dma_wait3A_134 = tpu.memref_slice %arg2[%multiple_of3A_133] : memref<320000xi32, #tpu.memory_space<hbm>> -> memref<4000xi32, #tpu.memory_space<hbm>>
      tpu.wait_dma2 semaphore(%arg21 : memref<!tpu.dma_semaphore, #tpu.memory_space<semaphore_mem>>) src(%dma_wait3A_134 : memref<4000xi32, #tpu.memory_space<hbm>>) dst(%arg7 : memref<4000xi32, #tpu.memory_space<vmem>>)
      %multiple_of3A_135 = arith.constant 0 : i32
      %multiple_of3A_136 = tpu.assume_multiple %multiple_of3A_135, 8 : i32
      %dma_wait3A_137 = tpu.memref_slice %arg2[%multiple_of3A_136] : memref<320000xi32, #tpu.memory_space<hbm>> -> memref<4000xi32, #tpu.memory_space<hbm>>
      %dma_wait3A_138 = tpu.memref_slice %arg2[%multiple_of3A_136] : memref<320000xi32, #tpu.memory_space<hbm>> -> memref<4000xi32, #tpu.memory_space<hbm>>
      tpu.wait_dma2 semaphore(%arg21 : memref<!tpu.dma_semaphore, #tpu.memory_space<semaphore_mem>>) src(%dma_wait3A_138 : memref<4000xi32, #tpu.memory_space<hbm>>) dst(%arg9 : memref<4000xi32, #tpu.memory_space<vmem>>)
      %multiple_of3A_139 = arith.constant 0 : i32
      %multiple_of3A_140 = tpu.assume_multiple %multiple_of3A_139, 8 : i32
      %dma_wait3A_141 = tpu.memref_slice %arg4[%multiple_of3A_140] : memref<2560000xf32, #tpu.memory_space<hbm>> -> memref<4000xf32, #tpu.memory_space<hbm>>
      %dma_wait3A_142 = tpu.memref_slice %arg4[%multiple_of3A_140] : memref<2560000xf32, #tpu.memory_space<hbm>> -> memref<4000xf32, #tpu.memory_space<hbm>>
      tpu.wait_dma2 semaphore(%arg21 : memref<!tpu.dma_semaphore, #tpu.memory_space<semaphore_mem>>) src(%dma_wait3A_142 : memref<4000xf32, #tpu.memory_space<hbm>>) dst(%arg11 : memref<4000xf32, #tpu.memory_space<vmem>>)
      %parallel_loop3A = arith.constant 0 : i32
      %parallel_loop3A_143 = arith.constant 4000 : i32
      %parallel_loop3A_144 = arith.constant 16 : i32
      scf.for %parallel_loop3A_173 = %parallel_loop3A to %parallel_loop3A_143 step %parallel_loop3A_144  : i32 {
        %parallel_loop3A_174 = arith.index_cast %parallel_loop3A_173 : i32 to index
        %parallel_loop3A_175 = tpu.vector_load %arg7[%parallel_loop3A_174] {strides = array<i32>} : memref<4000xi32, #tpu.memory_space<vmem>>, vector<16xi32>,
        %parallel_loop3A_176 = arith.index_cast %parallel_loop3A_173 : i32 to index
        %parallel_loop3A_177 = tpu.vector_load %arg9[%parallel_loop3A_176] {strides = array<i32>} : memref<4000xi32, #tpu.memory_space<vmem>>, vector<16xi32>,
        %parallel_loop3A_178 = arith.index_cast %parallel_loop3A_173 : i32 to index
        %parallel_loop3A_179 = tpu.vector_load %arg11[%parallel_loop3A_178] {strides = array<i32>} : memref<4000xf32, #tpu.memory_space<vmem>>, vector<16xf32>,
        %parallel_loop3A_180 = tpu.vector_load_idx %arg13[%parallel_loop3A_175] : memref<10000xf32, #tpu.memory_space<vmem>>[vector<16xi32>], vector<16xf32>,
        %parallel_loop3A_181 = arith.mulf %parallel_loop3A_180, %parallel_loop3A_179 : vector<16xf32>
        tpu.vector_store_idx %arg17[%parallel_loop3A_177], %parallel_loop3A_181 {add = true} : memref<10000xf32, #tpu.memory_space<vmem>>[vector<16xi32>], vector<16xf32>,
        %parallel_loop3A_182 = tpu.vector_load_idx %arg14[%parallel_loop3A_175] : memref<10000xf32, #tpu.memory_space<vmem>>[vector<16xi32>], vector<16xf32>,
        %parallel_loop3A_183 = arith.mulf %parallel_loop3A_182, %parallel_loop3A_179 : vector<16xf32>
        tpu.vector_store_idx %arg18[%parallel_loop3A_177], %parallel_loop3A_183 {add = true} : memref<10000xf32, #tpu.memory_space<vmem>>[vector<16xi32>], vector<16xf32>,
        %parallel_loop3A_184 = tpu.vector_load_idx %arg15[%parallel_loop3A_175] : memref<10000xf32, #tpu.memory_space<vmem>>[vector<16xi32>], vector<16xf32>,
        %parallel_loop3A_185 = arith.mulf %parallel_loop3A_184, %parallel_loop3A_179 : vector<16xf32>
        tpu.vector_store_idx %arg19[%parallel_loop3A_177], %parallel_loop3A_185 {add = true} : memref<10000xf32, #tpu.memory_space<vmem>>[vector<16xi32>], vector<16xf32>,
        %parallel_loop3A_186 = tpu.vector_load_idx %arg16[%parallel_loop3A_175] : memref<10000xf32, #tpu.memory_space<vmem>>[vector<16xi32>], vector<16xf32>,
        %parallel_loop3A_187 = arith.mulf %parallel_loop3A_186, %parallel_loop3A_179 : vector<16xf32>
        tpu.vector_store_idx %arg20[%parallel_loop3A_177], %parallel_loop3A_187 {add = true} : memref<10000xf32, #tpu.memory_space<vmem>>[vector<16xi32>], vector<16xf32>,
      } {sc.loop_unroll_factor = 4 : i64, sc.parallel_access}
      %add3A_145 = arith.constant 2 : i32
      %add3A_146 = arith.addi %add3A_131, %add3A_145 : i32
      %lt3A = arith.constant 80 : i32
      %lt3A_147 = arith.cmpi slt, %add3A_146, %lt3A : i32
      %convert_element_type3A = arith.extui %lt3A_147 : i1 to i32
      %cond3A = arith.constant 0 : i32
      %cond3A_148 = arith.cmpi ne, %convert_element_type3A, %cond3A : i32
      scf.if %cond3A_148 {
        %add3A_173 = arith.constant 2 : i32
        %add3A_174 = arith.addi %add3A_131, %add3A_173 : i32
        %mul3A_175 = arith.constant 4000 : i32
        %mul3A_176 = arith.muli %add3A_174, %mul3A_175 : i32
        %multiple_of3A_177 = tpu.assume_multiple %mul3A_176, 8 : i32
        %dma_start3A_178 = tpu.memref_slice %arg2[%multiple_of3A_177] : memref<320000xi32, #tpu.memory_space<hbm>> -> memref<4000xi32, #tpu.memory_space<hbm>>
        %dma_start3A_179 = tpu.memref_slice %arg2[%multiple_of3A_177] : memref<320000xi32, #tpu.memory_space<hbm>> -> memref<4000xi32, #tpu.memory_space<hbm>>
        tpu.enqueue_dma source(%dma_start3A_179 : memref<4000xi32, #tpu.memory_space<hbm>>) target(%arg7 : memref<4000xi32, #tpu.memory_space<vmem>>) target_semaphore(%arg21 : memref<!tpu.dma_semaphore, #tpu.memory_space<semaphore_mem>>)
        %multiple_of3A_180 = tpu.assume_multiple %mul3A_176, 8 : i32
        %dma_start3A_181 = tpu.memref_slice %arg3[%multiple_of3A_180] : memref<320000xi32, #tpu.memory_space<hbm>> -> memref<4000xi32, #tpu.memory_space<hbm>>
        %dma_start3A_182 = tpu.memref_slice %arg3[%multiple_of3A_180] : memref<320000xi32, #tpu.memory_space<hbm>> -> memref<4000xi32, #tpu.memory_space<hbm>>
        tpu.enqueue_dma source(%dma_start3A_182 : memref<4000xi32, #tpu.memory_space<hbm>>) target(%arg9 : memref<4000xi32, #tpu.memory_space<vmem>>) target_semaphore(%arg21 : memref<!tpu.dma_semaphore, #tpu.memory_space<semaphore_mem>>)
        %mul3A_183 = arith.constant 320000 : i32
        %mul3A_184 = arith.muli %select_n3A, %mul3A_183 : i32
        %add3A_185 = arith.addi %mul3A_184, %mul3A_176 : i32
        %multiple_of3A_186 = tpu.assume_multiple %add3A_185, 8 : i32
        %dma_start3A_187 = tpu.memref_slice %arg4[%multiple_of3A_186] : memref<2560000xf32, #tpu.memory_space<hbm>> -> memref<4000xf32, #tpu.memory_space<hbm>>
        %dma_start3A_188 = tpu.memref_slice %arg4[%multiple_of3A_186] : memref<2560000xf32, #tpu.memory_space<hbm>> -> memref<4000xf32, #tpu.memory_space<hbm>>
        tpu.enqueue_dma source(%dma_start3A_188 : memref<4000xf32, #tpu.memory_space<hbm>>) target(%arg11 : memref<4000xf32, #tpu.memory_space<vmem>>) target_semaphore(%arg21 : memref<!tpu.dma_semaphore, #tpu.memory_space<semaphore_mem>>)
      } else {
      }
      %add3A_149 = arith.constant 1 : i32
      %add3A_150 = arith.addi %add3A_129, %add3A_149 : i32
      %multiple_of3A_151 = arith.constant 0 : i32
      %multiple_of3A_152 = tpu.assume_multiple %multiple_of3A_151, 8 : i32
      %dma_wait3A_153 = tpu.memref_slice %arg2[%multiple_of3A_152] : memref<320000xi32, #tpu.memory_space<hbm>> -> memref<4000xi32, #tpu.memory_space<hbm>>
      %dma_wait3A_154 = tpu.memref_slice %arg2[%multiple_of3A_152] : memref<320000xi32, #tpu.memory_space<hbm>> -> memref<4000xi32, #tpu.memory_space<hbm>>
      tpu.wait_dma2 semaphore(%arg22 : memref<!tpu.dma_semaphore, #tpu.memory_space<semaphore_mem>>) src(%dma_wait3A_154 : memref<4000xi32, #tpu.memory_space<hbm>>) dst(%arg8 : memref<4000xi32, #tpu.memory_space<vmem>>)
      %multiple_of3A_155 = arith.constant 0 : i32
      %multiple_of3A_156 = tpu.assume_multiple %multiple_of3A_155, 8 : i32
      %dma_wait3A_157 = tpu.memref_slice %arg2[%multiple_of3A_156] : memref<320000xi32, #tpu.memory_space<hbm>> -> memref<4000xi32, #tpu.memory_space<hbm>>
      %dma_wait3A_158 = tpu.memref_slice %arg2[%multiple_of3A_156] : memref<320000xi32, #tpu.memory_space<hbm>> -> memref<4000xi32, #tpu.memory_space<hbm>>
      tpu.wait_dma2 semaphore(%arg22 : memref<!tpu.dma_semaphore, #tpu.memory_space<semaphore_mem>>) src(%dma_wait3A_158 : memref<4000xi32, #tpu.memory_space<hbm>>) dst(%arg10 : memref<4000xi32, #tpu.memory_space<vmem>>)
      %multiple_of3A_159 = arith.constant 0 : i32
      %multiple_of3A_160 = tpu.assume_multiple %multiple_of3A_159, 8 : i32
      %dma_wait3A_161 = tpu.memref_slice %arg4[%multiple_of3A_160] : memref<2560000xf32, #tpu.memory_space<hbm>> -> memref<4000xf32, #tpu.memory_space<hbm>>
      %dma_wait3A_162 = tpu.memref_slice %arg4[%multiple_of3A_160] : memref<2560000xf32, #tpu.memory_space<hbm>> -> memref<4000xf32, #tpu.memory_space<hbm>>
      tpu.wait_dma2 semaphore(%arg22 : memref<!tpu.dma_semaphore, #tpu.memory_space<semaphore_mem>>) src(%dma_wait3A_162 : memref<4000xf32, #tpu.memory_space<hbm>>) dst(%arg12 : memref<4000xf32, #tpu.memory_space<vmem>>)
      %parallel_loop3A_163 = arith.constant 0 : i32
      %parallel_loop3A_164 = arith.constant 4000 : i32
      %parallel_loop3A_165 = arith.constant 16 : i32
      scf.for %parallel_loop3A_173 = %parallel_loop3A_163 to %parallel_loop3A_164 step %parallel_loop3A_165  : i32 {
        %parallel_loop3A_174 = arith.index_cast %parallel_loop3A_173 : i32 to index
        %parallel_loop3A_175 = tpu.vector_load %arg8[%parallel_loop3A_174] {strides = array<i32>} : memref<4000xi32, #tpu.memory_space<vmem>>, vector<16xi32>,
        %parallel_loop3A_176 = arith.index_cast %parallel_loop3A_173 : i32 to index
        %parallel_loop3A_177 = tpu.vector_load %arg10[%parallel_loop3A_176] {strides = array<i32>} : memref<4000xi32, #tpu.memory_space<vmem>>, vector<16xi32>,
        %parallel_loop3A_178 = arith.index_cast %parallel_loop3A_173 : i32 to index
        %parallel_loop3A_179 = tpu.vector_load %arg12[%parallel_loop3A_178] {strides = array<i32>} : memref<4000xf32, #tpu.memory_space<vmem>>, vector<16xf32>,
        %parallel_loop3A_180 = tpu.vector_load_idx %arg13[%parallel_loop3A_175] : memref<10000xf32, #tpu.memory_space<vmem>>[vector<16xi32>], vector<16xf32>,
        %parallel_loop3A_181 = arith.mulf %parallel_loop3A_180, %parallel_loop3A_179 : vector<16xf32>
        tpu.vector_store_idx %arg17[%parallel_loop3A_177], %parallel_loop3A_181 {add = true} : memref<10000xf32, #tpu.memory_space<vmem>>[vector<16xi32>], vector<16xf32>,
        %parallel_loop3A_182 = tpu.vector_load_idx %arg14[%parallel_loop3A_175] : memref<10000xf32, #tpu.memory_space<vmem>>[vector<16xi32>], vector<16xf32>,
        %parallel_loop3A_183 = arith.mulf %parallel_loop3A_182, %parallel_loop3A_179 : vector<16xf32>
        tpu.vector_store_idx %arg18[%parallel_loop3A_177], %parallel_loop3A_183 {add = true} : memref<10000xf32, #tpu.memory_space<vmem>>[vector<16xi32>], vector<16xf32>,
        %parallel_loop3A_184 = tpu.vector_load_idx %arg15[%parallel_loop3A_175] : memref<10000xf32, #tpu.memory_space<vmem>>[vector<16xi32>], vector<16xf32>,
        %parallel_loop3A_185 = arith.mulf %parallel_loop3A_184, %parallel_loop3A_179 : vector<16xf32>
        tpu.vector_store_idx %arg19[%parallel_loop3A_177], %parallel_loop3A_185 {add = true} : memref<10000xf32, #tpu.memory_space<vmem>>[vector<16xi32>], vector<16xf32>,
        %parallel_loop3A_186 = tpu.vector_load_idx %arg16[%parallel_loop3A_175] : memref<10000xf32, #tpu.memory_space<vmem>>[vector<16xi32>], vector<16xf32>,
        %parallel_loop3A_187 = arith.mulf %parallel_loop3A_186, %parallel_loop3A_179 : vector<16xf32>
        tpu.vector_store_idx %arg20[%parallel_loop3A_177], %parallel_loop3A_187 {add = true} : memref<10000xf32, #tpu.memory_space<vmem>>[vector<16xi32>], vector<16xf32>,
      } {sc.loop_unroll_factor = 4 : i64, sc.parallel_access}
      %add3A_166 = arith.constant 2 : i32
      %add3A_167 = arith.addi %add3A_150, %add3A_166 : i32
      %lt3A_168 = arith.constant 80 : i32
      %lt3A_169 = arith.cmpi slt, %add3A_167, %lt3A_168 : i32
      %convert_element_type3A_170 = arith.extui %lt3A_169 : i1 to i32
      %cond3A_171 = arith.constant 0 : i32
      %cond3A_172 = arith.cmpi ne, %convert_element_type3A_170, %cond3A_171 : i32
      scf.if %cond3A_172 {
        %add3A_173 = arith.constant 2 : i32
        %add3A_174 = arith.addi %add3A_150, %add3A_173 : i32
        %mul3A_175 = arith.constant 4000 : i32
        %mul3A_176 = arith.muli %add3A_174, %mul3A_175 : i32
        %multiple_of3A_177 = tpu.assume_multiple %mul3A_176, 8 : i32
        %dma_start3A_178 = tpu.memref_slice %arg2[%multiple_of3A_177] : memref<320000xi32, #tpu.memory_space<hbm>> -> memref<4000xi32, #tpu.memory_space<hbm>>
        %dma_start3A_179 = tpu.memref_slice %arg2[%multiple_of3A_177] : memref<320000xi32, #tpu.memory_space<hbm>> -> memref<4000xi32, #tpu.memory_space<hbm>>
        tpu.enqueue_dma source(%dma_start3A_179 : memref<4000xi32, #tpu.memory_space<hbm>>) target(%arg8 : memref<4000xi32, #tpu.memory_space<vmem>>) target_semaphore(%arg22 : memref<!tpu.dma_semaphore, #tpu.memory_space<semaphore_mem>>)
        %multiple_of3A_180 = tpu.assume_multiple %mul3A_176, 8 : i32
        %dma_start3A_181 = tpu.memref_slice %arg3[%multiple_of3A_180] : memref<320000xi32, #tpu.memory_space<hbm>> -> memref<4000xi32, #tpu.memory_space<hbm>>
        %dma_start3A_182 = tpu.memref_slice %arg3[%multiple_of3A_180] : memref<320000xi32, #tpu.memory_space<hbm>> -> memref<4000xi32, #tpu.memory_space<hbm>>
        tpu.enqueue_dma source(%dma_start3A_182 : memref<4000xi32, #tpu.memory_space<hbm>>) target(%arg10 : memref<4000xi32, #tpu.memory_space<vmem>>) target_semaphore(%arg22 : memref<!tpu.dma_semaphore, #tpu.memory_space<semaphore_mem>>)
        %mul3A_183 = arith.constant 320000 : i32
        %mul3A_184 = arith.muli %select_n3A, %mul3A_183 : i32
        %add3A_185 = arith.addi %mul3A_184, %mul3A_176 : i32
        %multiple_of3A_186 = tpu.assume_multiple %add3A_185, 8 : i32
        %dma_start3A_187 = tpu.memref_slice %arg4[%multiple_of3A_186] : memref<2560000xf32, #tpu.memory_space<hbm>> -> memref<4000xf32, #tpu.memory_space<hbm>>
        %dma_start3A_188 = tpu.memref_slice %arg4[%multiple_of3A_186] : memref<2560000xf32, #tpu.memory_space<hbm>> -> memref<4000xf32, #tpu.memory_space<hbm>>
        tpu.enqueue_dma source(%dma_start3A_188 : memref<4000xf32, #tpu.memory_space<hbm>>) target(%arg12 : memref<4000xf32, #tpu.memory_space<vmem>>) target_semaphore(%arg22 : memref<!tpu.dma_semaphore, #tpu.memory_space<semaphore_mem>>)
      } else {
      }
    }
    %scan3A_96 = arith.constant 40 : i32
    %mul3A_97 = arith.constant 4 : i32
    %mul3A_98 = arith.muli %add3A, %mul3A_97 : i32
    %add3A_99 = arith.constant 0 : i32
    %add3A_100 = arith.addi %mul3A_98, %add3A_99 : i32
    %mul3A_101 = arith.constant 10000 : i32
    %mul3A_102 = arith.muli %add3A_100, %mul3A_101 : i32
    %multiple_of3A_103 = tpu.assume_multiple %mul3A_102, 8 : i32
    "tpu.region"() ({
      %run_scoped3A = tpu.sem_alloc : memref<!tpu.dma_semaphore, #tpu.memory_space<semaphore_mem>>
      %dma_start3A_125 = tpu.memref_slice %arg6[%multiple_of3A_103] : memref<1280000xf32, #tpu.memory_space<hbm>> -> memref<10000xf32, #tpu.memory_space<hbm>>
      %dma_start3A_126 = tpu.memref_slice %arg6[%multiple_of3A_103] : memref<1280000xf32, #tpu.memory_space<hbm>> -> memref<10000xf32, #tpu.memory_space<hbm>>
      tpu.enqueue_dma source(%arg17 : memref<10000xf32, #tpu.memory_space<vmem>>) target(%dma_start3A_126 : memref<10000xf32, #tpu.memory_space<hbm>>) target_semaphore(%run_scoped3A : memref<!tpu.dma_semaphore, #tpu.memory_space<semaphore_mem>>)
      %dma_wait3A = tpu.memref_slice %arg6[%multiple_of3A_103] : memref<1280000xf32, #tpu.memory_space<hbm>> -> memref<10000xf32, #tpu.memory_space<hbm>>
      %dma_wait3A_127 = tpu.memref_slice %arg6[%multiple_of3A_103] : memref<1280000xf32, #tpu.memory_space<hbm>> -> memref<10000xf32, #tpu.memory_space<hbm>>
      tpu.wait_dma2 semaphore(%run_scoped3A : memref<!tpu.dma_semaphore, #tpu.memory_space<semaphore_mem>>) src(%arg17 : memref<10000xf32, #tpu.memory_space<vmem>>) dst(%dma_wait3A_127 : memref<10000xf32, #tpu.memory_space<hbm>>)
      tpu.yield
    }) : () -> ()
    %mul3A_104 = arith.constant 4 : i32
    %mul3A_105 = arith.muli %add3A, %mul3A_104 : i32
    %add3A_106 = arith.constant 1 : i32
    %add3A_107 = arith.addi %mul3A_105, %add3A_106 : i32
    %mul3A_108 = arith.constant 10000 : i32
    %mul3A_109 = arith.muli %add3A_107, %mul3A_108 : i32
    %multiple_of3A_110 = tpu.assume_multiple %mul3A_109, 8 : i32
    "tpu.region"() ({
      %run_scoped3A = tpu.sem_alloc : memref<!tpu.dma_semaphore, #tpu.memory_space<semaphore_mem>>
      %dma_start3A_125 = tpu.memref_slice %arg6[%multiple_of3A_110] : memref<1280000xf32, #tpu.memory_space<hbm>> -> memref<10000xf32, #tpu.memory_space<hbm>>
      %dma_start3A_126 = tpu.memref_slice %arg6[%multiple_of3A_110] : memref<1280000xf32, #tpu.memory_space<hbm>> -> memref<10000xf32, #tpu.memory_space<hbm>>
      tpu.enqueue_dma source(%arg18 : memref<10000xf32, #tpu.memory_space<vmem>>) target(%dma_start3A_126 : memref<10000xf32, #tpu.memory_space<hbm>>) target_semaphore(%run_scoped3A : memref<!tpu.dma_semaphore, #tpu.memory_space<semaphore_mem>>)
      %dma_wait3A = tpu.memref_slice %arg6[%multiple_of3A_110] : memref<1280000xf32, #tpu.memory_space<hbm>> -> memref<10000xf32, #tpu.memory_space<hbm>>
      %dma_wait3A_127 = tpu.memref_slice %arg6[%multiple_of3A_110] : memref<1280000xf32, #tpu.memory_space<hbm>> -> memref<10000xf32, #tpu.memory_space<hbm>>
      tpu.wait_dma2 semaphore(%run_scoped3A : memref<!tpu.dma_semaphore, #tpu.memory_space<semaphore_mem>>) src(%arg18 : memref<10000xf32, #tpu.memory_space<vmem>>) dst(%dma_wait3A_127 : memref<10000xf32, #tpu.memory_space<hbm>>)
      tpu.yield
    }) : () -> ()
    %mul3A_111 = arith.constant 4 : i32
    %mul3A_112 = arith.muli %add3A, %mul3A_111 : i32
    %add3A_113 = arith.constant 2 : i32
    %add3A_114 = arith.addi %mul3A_112, %add3A_113 : i32
    %mul3A_115 = arith.constant 10000 : i32
    %mul3A_116 = arith.muli %add3A_114, %mul3A_115 : i32
    %multiple_of3A_117 = tpu.assume_multiple %mul3A_116, 8 : i32
    "tpu.region"() ({
      %run_scoped3A = tpu.sem_alloc : memref<!tpu.dma_semaphore, #tpu.memory_space<semaphore_mem>>
      %dma_start3A_125 = tpu.memref_slice %arg6[%multiple_of3A_117] : memref<1280000xf32, #tpu.memory_space<hbm>> -> memref<10000xf32, #tpu.memory_space<hbm>>
      %dma_start3A_126 = tpu.memref_slice %arg6[%multiple_of3A_117] : memref<1280000xf32, #tpu.memory_space<hbm>> -> memref<10000xf32, #tpu.memory_space<hbm>>
      tpu.enqueue_dma source(%arg19 : memref<10000xf32, #tpu.memory_space<vmem>>) target(%dma_start3A_126 : memref<10000xf32, #tpu.memory_space<hbm>>) target_semaphore(%run_scoped3A : memref<!tpu.dma_semaphore, #tpu.memory_space<semaphore_mem>>)
      %dma_wait3A = tpu.memref_slice %arg6[%multiple_of3A_117] : memref<1280000xf32, #tpu.memory_space<hbm>> -> memref<10000xf32, #tpu.memory_space<hbm>>
      %dma_wait3A_127 = tpu.memref_slice %arg6[%multiple_of3A_117] : memref<1280000xf32, #tpu.memory_space<hbm>> -> memref<10000xf32, #tpu.memory_space<hbm>>
      tpu.wait_dma2 semaphore(%run_scoped3A : memref<!tpu.dma_semaphore, #tpu.memory_space<semaphore_mem>>) src(%arg19 : memref<10000xf32, #tpu.memory_space<vmem>>) dst(%dma_wait3A_127 : memref<10000xf32, #tpu.memory_space<hbm>>)
      tpu.yield
    }) : () -> ()
    %mul3A_118 = arith.constant 4 : i32
    %mul3A_119 = arith.muli %add3A, %mul3A_118 : i32
    %add3A_120 = arith.constant 3 : i32
    %add3A_121 = arith.addi %mul3A_119, %add3A_120 : i32
    %mul3A_122 = arith.constant 10000 : i32
    %mul3A_123 = arith.muli %add3A_121, %mul3A_122 : i32
    %multiple_of3A_124 = tpu.assume_multiple %mul3A_123, 8 : i32
    "tpu.region"() ({
      %run_scoped3A = tpu.sem_alloc : memref<!tpu.dma_semaphore, #tpu.memory_space<semaphore_mem>>
      %dma_start3A_125 = tpu.memref_slice %arg6[%multiple_of3A_124] : memref<1280000xf32, #tpu.memory_space<hbm>> -> memref<10000xf32, #tpu.memory_space<hbm>>
      %dma_start3A_126 = tpu.memref_slice %arg6[%multiple_of3A_124] : memref<1280000xf32, #tpu.memory_space<hbm>> -> memref<10000xf32, #tpu.memory_space<hbm>>
      tpu.enqueue_dma source(%arg20 : memref<10000xf32, #tpu.memory_space<vmem>>) target(%dma_start3A_126 : memref<10000xf32, #tpu.memory_space<hbm>>) target_semaphore(%run_scoped3A : memref<!tpu.dma_semaphore, #tpu.memory_space<semaphore_mem>>)
      %dma_wait3A = tpu.memref_slice %arg6[%multiple_of3A_124] : memref<1280000xf32, #tpu.memory_space<hbm>> -> memref<10000xf32, #tpu.memory_space<hbm>>
      %dma_wait3A_127 = tpu.memref_slice %arg6[%multiple_of3A_124] : memref<1280000xf32, #tpu.memory_space<hbm>> -> memref<10000xf32, #tpu.memory_space<hbm>>
      tpu.wait_dma2 semaphore(%run_scoped3A : memref<!tpu.dma_semaphore, #tpu.memory_space<semaphore_mem>>) src(%arg20 : memref<10000xf32, #tpu.memory_space<vmem>>) dst(%dma_wait3A_127 : memref<10000xf32, #tpu.memory_space<hbm>>)
      tpu.yield
    }) : () -> ()
    return
  }
}

module attributes {stable_mosaic.version = 14 : i64} {
  func.func @_ae_body(%arg0: i32, %arg1: memref<12800x16xf32, #tpu.memory_space<vmem>>, %arg2: memref<16x8xf32, #tpu.memory_space<vmem>>, %arg3: memref<8x320000xf32, #tpu.memory_space<vmem>>) attributes {dimension_semantics = [#tpu.dimension_semantics<arbitrary>], iteration_bounds = array<i64: 25>, scalar_prefetch = 0 : i64, scratch_operands = 0 : i64, tpu.core_type = #tpu.core_type<tc>, window_params = [{transform_indices = @transform_0, window_bounds = array<i64: 12800, 16>}, {pipeline_mode = #tpu.pipeline_mode<synchronous>, transform_indices = @transform_1, window_bounds = array<i64: 16, 8>}, {pipeline_mode = #tpu.pipeline_mode<synchronous>, transform_indices = @transform_2, window_bounds = array<i64: 8, 320000>}]} {
    %get3A = arith.constant 0 : index
    %get3A_0 = arith.constant 0 : index
    %get3A_1 = vector.load %arg2[%get3A, %get3A_0] : memref<16x8xf32, #tpu.memory_space<vmem>>, vector<16x8xf32>
    %get3A_2 = arith.constant 0 : index
    %get3A_3 = arith.constant 0 : index
    %get3A_4 = vector.load %arg1[%get3A_2, %get3A_3] : memref<12800x16xf32, #tpu.memory_space<vmem>>, vector<12800x16xf32>
    %dot_general3A = arith.constant dense<0.000000e+00> : vector<8x12800xf32>
    %dot_general3A_5 = tpu.matmul %get3A_1, %get3A_4, %dot_general3A {dimension_numbers = #tpu.dot_dimension_numbers<[0], [1], [1], [0], [0, 1, 1, 0], [], []>, transpose_lhs_hint = false} : vector<16x8xf32>, vector<12800x16xf32>, vector<8x12800xf32> -> vector<8x12800xf32>
    %mul3A = arith.constant 12800 : i32
    %mul3A_6 = arith.muli %arg0, %mul3A : i32
    %multiple_of3A = tpu.assume_multiple %mul3A_6, 128 : i32
    %swap3A = arith.constant 0 : index
    %swap3A_7 = arith.index_cast %multiple_of3A : i32 to index
    %swap3A_8 = vector.load %arg3[%swap3A, %swap3A_7] : memref<8x320000xf32, #tpu.memory_space<vmem>>, vector<8x12800xf32>
    tpu.vector_store %arg3[%swap3A, %swap3A_7], %dot_general3A_5 {strides = array<i32>} : memref<8x320000xf32, #tpu.memory_space<vmem>>, vector<8x12800xf32>,
    return
  }
  func.func @transform_0(%arg0: i32) -> (i32, i32) {
    %c0_i32 = arith.constant 0 : i32
    %c0_i32_0 = arith.constant 0 : i32
    return %arg0, %c0_i32 : i32, i32
  }
  func.func @transform_1(%arg0: i32) -> (i32, i32) {
    %c0_i32 = arith.constant 0 : i32
    %c0_i32_0 = arith.constant 0 : i32
    %c0_i32_1 = arith.constant 0 : i32
    return %c0_i32, %c0_i32_0 : i32, i32
  }
  func.func @transform_2(%arg0: i32) -> (i32, i32) {
    %c0_i32 = arith.constant 0 : i32
    %c0_i32_0 = arith.constant 0 : i32
    %c0_i32_1 = arith.constant 0 : i32
    return %c0_i32, %c0_i32_0 : i32, i32
  }
}

module attributes {stable_mosaic.version = 14 : i64} {
  func.func @_proj_body(%arg0: i32, %arg1: memref<1024x128xf32, #tpu.memory_space<vmem>>, %arg2: memref<128x128xf32, #tpu.memory_space<vmem>>, %arg3: memref<128x16xf32, #tpu.memory_space<vmem>>, %arg4: memref<1024x128xf32, #tpu.memory_space<vmem>>, %arg5: memref<128x10240xf32, #tpu.memory_space<vmem>>, %arg6: memref<16x10240xf32, #tpu.memory_space<vmem>>) attributes {dimension_semantics = [#tpu.dimension_semantics<arbitrary>], iteration_bounds = array<i64: 10>, scalar_prefetch = 0 : i64, scratch_operands = 0 : i64, tpu.core_type = #tpu.core_type<tc>, window_params = [{transform_indices = @transform_0, window_bounds = array<i64: 1024, 128>}, {pipeline_mode = #tpu.pipeline_mode<synchronous>, transform_indices = @transform_1, window_bounds = array<i64: 128, 128>}, {pipeline_mode = #tpu.pipeline_mode<synchronous>, transform_indices = @transform_2, window_bounds = array<i64: 128, 16>}, {transform_indices = @transform_3, window_bounds = array<i64: 1024, 128>}, {pipeline_mode = #tpu.pipeline_mode<synchronous>, transform_indices = @transform_4, window_bounds = array<i64: 128, 10240>}, {pipeline_mode = #tpu.pipeline_mode<synchronous>, transform_indices = @transform_5, window_bounds = array<i64: 16, 10240>}]} {
    %get3A = arith.constant 0 : index
    %get3A_0 = arith.constant 0 : index
    %get3A_1 = vector.load %arg1[%get3A, %get3A_0] : memref<1024x128xf32, #tpu.memory_space<vmem>>, vector<1024x128xf32>
    %get3A_2 = arith.constant 0 : index
    %get3A_3 = arith.constant 0 : index
    %get3A_4 = vector.load %arg2[%get3A_2, %get3A_3] : memref<128x128xf32, #tpu.memory_space<vmem>>, vector<128x128xf32>
    %dot_general3A = arith.constant dense<0.000000e+00> : vector<1024x128xf32>
    %dot_general3A_5 = tpu.matmul %get3A_1, %get3A_4, %dot_general3A {dimension_numbers = #tpu.dot_dimension_numbers<[1], [0], [0], [1], [0, 0, 1, 1], [], []>, transpose_lhs_hint = false} : vector<1024x128xf32>, vector<128x128xf32>, vector<1024x128xf32> -> vector<1024x128xf32>
    %swap3A = arith.constant 0 : index
    %swap3A_6 = arith.constant 0 : index
    %swap3A_7 = vector.load %arg4[%swap3A, %swap3A_6] : memref<1024x128xf32, #tpu.memory_space<vmem>>, vector<1024x128xf32>
    tpu.vector_store %arg4[%swap3A, %swap3A_6], %dot_general3A_5 {strides = array<i32>} : memref<1024x128xf32, #tpu.memory_space<vmem>>, vector<1024x128xf32>,
    %get3A_8 = arith.constant 0 : index
    %get3A_9 = arith.constant 0 : index
    %get3A_10 = vector.load %arg2[%get3A_8, %get3A_9] : memref<128x128xf32, #tpu.memory_space<vmem>>, vector<128x128xf32>
    %dot_general3A_11 = arith.constant dense<0.000000e+00> : vector<128x1024xf32>
    %dot_general3A_12 = tpu.matmul %get3A_10, %get3A_1, %dot_general3A_11 {dimension_numbers = #tpu.dot_dimension_numbers<[0], [1], [1], [0], [0, 1, 1, 0], [], []>, transpose_lhs_hint = false} : vector<128x128xf32>, vector<1024x128xf32>, vector<128x1024xf32> -> vector<128x1024xf32>
    %mul3A = arith.constant 1024 : i32
    %mul3A_13 = arith.muli %arg0, %mul3A : i32
    %multiple_of3A = tpu.assume_multiple %mul3A_13, 128 : i32
    %swap3A_14 = arith.constant 0 : index
    %swap3A_15 = arith.index_cast %multiple_of3A : i32 to index
    %swap3A_16 = vector.load %arg5[%swap3A_14, %swap3A_15] : memref<128x10240xf32, #tpu.memory_space<vmem>>, vector<128x1024xf32>
    tpu.vector_store %arg5[%swap3A_14, %swap3A_15], %dot_general3A_12 {strides = array<i32>} : memref<128x10240xf32, #tpu.memory_space<vmem>>, vector<128x1024xf32>,
    %get3A_17 = arith.constant 0 : index
    %get3A_18 = arith.constant 0 : index
    %get3A_19 = vector.load %arg3[%get3A_17, %get3A_18] : memref<128x16xf32, #tpu.memory_space<vmem>>, vector<128x16xf32>
    %dot_general3A_20 = arith.constant dense<0.000000e+00> : vector<16x1024xf32>
    %dot_general3A_21 = tpu.matmul %get3A_19, %get3A_1, %dot_general3A_20 {dimension_numbers = #tpu.dot_dimension_numbers<[0], [1], [1], [0], [0, 1, 1, 0], [], []>, transpose_lhs_hint = false} : vector<128x16xf32>, vector<1024x128xf32>, vector<16x1024xf32> -> vector<16x1024xf32>
    %mul3A_22 = arith.constant 1024 : i32
    %mul3A_23 = arith.muli %arg0, %mul3A_22 : i32
    %multiple_of3A_24 = tpu.assume_multiple %mul3A_23, 128 : i32
    %swap3A_25 = arith.constant 0 : index
    %swap3A_26 = arith.index_cast %multiple_of3A_24 : i32 to index
    %swap3A_27 = vector.load %arg6[%swap3A_25, %swap3A_26] : memref<16x10240xf32, #tpu.memory_space<vmem>>, vector<16x1024xf32>
    tpu.vector_store %arg6[%swap3A_25, %swap3A_26], %dot_general3A_21 {strides = array<i32>} : memref<16x10240xf32, #tpu.memory_space<vmem>>, vector<16x1024xf32>,
    return
  }
  func.func @transform_0(%arg0: i32) -> (i32, i32) {
    %c0_i32 = arith.constant 0 : i32
    %c0_i32_0 = arith.constant 0 : i32
    return %arg0, %c0_i32 : i32, i32
  }
  func.func @transform_1(%arg0: i32) -> (i32, i32) {
    %c0_i32 = arith.constant 0 : i32
    %c0_i32_0 = arith.constant 0 : i32
    %c0_i32_1 = arith.constant 0 : i32
    return %c0_i32, %c0_i32_0 : i32, i32
  }
  func.func @transform_2(%arg0: i32) -> (i32, i32) {
    %c0_i32 = arith.constant 0 : i32
    %c0_i32_0 = arith.constant 0 : i32
    %c0_i32_1 = arith.constant 0 : i32
    return %c0_i32, %c0_i32_0 : i32, i32
  }
  func.func @transform_3(%arg0: i32) -> (i32, i32) {
    %c0_i32 = arith.constant 0 : i32
    %c0_i32_0 = arith.constant 0 : i32
    return %arg0, %c0_i32 : i32, i32
  }
  func.func @transform_4(%arg0: i32) -> (i32, i32) {
    %c0_i32 = arith.constant 0 : i32
    %c0_i32_0 = arith.constant 0 : i32
    %c0_i32_1 = arith.constant 0 : i32
    return %c0_i32, %c0_i32_0 : i32, i32
  }
  func.func @transform_5(%arg0: i32) -> (i32, i32) {
    %c0_i32 = arith.constant 0 : i32
    %c0_i32_0 = arith.constant 0 : i32
    %c0_i32_1 = arith.constant 0 : i32
    return %c0_i32, %c0_i32_0 : i32, i32
  }
}

module attributes {stable_mosaic.version = 14 : i64} {
  func.func @_post_body(%arg0: i32, %arg1: memref<1000x128xf32, #tpu.memory_space<vmem>>, %arg2: memref<1000x128xf32, #tpu.memory_space<vmem>>, %arg3: memref<1000x128xf32, #tpu.memory_space<vmem>>, %arg4: memref<1000x128xf32, #tpu.memory_space<vmem>>, %arg5: memref<1000x128xf32, #tpu.memory_space<vmem>>, %arg6: memref<1x128xf32, #tpu.memory_space<vmem>>, %arg7: memref<1x128xf32, #tpu.memory_space<vmem>>, %arg8: memref<1x128xf32, #tpu.memory_space<vmem>>, %arg9: memref<1000x128xf32, #tpu.memory_space<vmem>>) attributes {dimension_semantics = [#tpu.dimension_semantics<arbitrary>], iteration_bounds = array<i64: 10>, scalar_prefetch = 0 : i64, scratch_operands = 0 : i64, tpu.core_type = #tpu.core_type<tc>, window_params = [{transform_indices = @transform_0, window_bounds = array<i64: 1000, 128>}, {transform_indices = @transform_1, window_bounds = array<i64: 1000, 128>}, {transform_indices = @transform_2, window_bounds = array<i64: 1000, 128>}, {transform_indices = @transform_3, window_bounds = array<i64: 1000, 128>}, {transform_indices = @transform_4, window_bounds = array<i64: 1000, 128>}, {pipeline_mode = #tpu.pipeline_mode<synchronous>, transform_indices = @transform_5, window_bounds = array<i64: 1, 128>}, {pipeline_mode = #tpu.pipeline_mode<synchronous>, transform_indices = @transform_6, window_bounds = array<i64: 1, 128>}, {pipeline_mode = #tpu.pipeline_mode<synchronous>, transform_indices = @transform_7, window_bounds = array<i64: 1, 128>}, {transform_indices = @transform_8, window_bounds = array<i64: 1000, 128>}]} {
    %get3A = arith.constant 0 : index
    %get3A_0 = arith.constant 0 : index
    %get3A_1 = vector.load %arg1[%get3A, %get3A_0] : memref<1000x128xf32, #tpu.memory_space<vmem>>, vector<1000x128xf32>
    %get3A_2 = arith.constant 0 : index
    %get3A_3 = arith.constant 0 : index
    %get3A_4 = vector.load %arg2[%get3A_2, %get3A_3] : memref<1000x128xf32, #tpu.memory_space<vmem>>, vector<1000x128xf32>
    %mul3A = arith.mulf %get3A_1, %get3A_4 : vector<1000x128xf32>
    %get3A_5 = arith.constant 0 : index
    %get3A_6 = arith.constant 0 : index
    %get3A_7 = vector.load %arg3[%get3A_5, %get3A_6] : memref<1000x128xf32, #tpu.memory_space<vmem>>, vector<1000x128xf32>
    %get3A_8 = arith.constant 0 : index
    %get3A_9 = arith.constant 0 : index
    %get3A_10 = vector.load %arg4[%get3A_8, %get3A_9] : memref<1000x128xf32, #tpu.memory_space<vmem>>, vector<1000x128xf32>
    %mul3A_11 = arith.mulf %get3A_7, %get3A_10 : vector<1000x128xf32>
    %add3A = arith.addf %mul3A, %mul3A_11 : vector<1000x128xf32>
    %get3A_12 = arith.constant 0 : index
    %get3A_13 = arith.constant 0 : index
    %get3A_14 = vector.load %arg6[%get3A_12, %get3A_13] : memref<1x128xf32, #tpu.memory_space<vmem>>, vector<1x128xf32>
    %add3A_15 = vector.broadcast %get3A_14 : vector<1x128xf32> to vector<1000x128xf32>
    %add3A_16 = arith.addf %add3A, %add3A_15 : vector<1000x128xf32>
    %reduce_sum3A = arith.constant dense<0.000000e+00> : vector<1000xf32>
    %reduce_sum3A_17 = vector.multi_reduction <add>, %add3A_16, %reduce_sum3A [1] : vector<1000x128xf32> to vector<1000xf32>
    %broadcast_in_dim3A = vector.shape_cast %reduce_sum3A_17 : vector<1000xf32> to vector<1000x1xf32>
    %div3A = arith.constant 1.280000e+02 : f32
    %div3A_18 = vector.broadcast %div3A : f32 to vector<1000x1xf32>
    %div3A_19 = arith.divf %broadcast_in_dim3A, %div3A_18 : vector<1000x1xf32>
    %sub3A = vector.broadcast %div3A_19 : vector<1000x1xf32> to vector<1000x128xf32>
    %sub3A_20 = arith.subf %add3A_16, %sub3A : vector<1000x128xf32>
    %integer_pow3A = arith.mulf %sub3A_20, %sub3A_20 : vector<1000x128xf32>
    %reduce_sum3A_21 = arith.constant dense<0.000000e+00> : vector<1000xf32>
    %reduce_sum3A_22 = vector.multi_reduction <add>, %integer_pow3A, %reduce_sum3A_21 [1] : vector<1000x128xf32> to vector<1000xf32>
    %broadcast_in_dim3A_23 = vector.shape_cast %reduce_sum3A_22 : vector<1000xf32> to vector<1000x1xf32>
    %div3A_24 = arith.constant 1.280000e+02 : f32
    %div3A_25 = vector.broadcast %div3A_24 : f32 to vector<1000x1xf32>
    %div3A_26 = arith.divf %broadcast_in_dim3A_23, %div3A_25 : vector<1000x1xf32>
    %sub3A_27 = vector.broadcast %div3A_19 : vector<1000x1xf32> to vector<1000x128xf32>
    %sub3A_28 = arith.subf %add3A_16, %sub3A_27 : vector<1000x128xf32>
    %add3A_29 = arith.constant 9.99999974E-6 : f32
    %add3A_30 = vector.broadcast %add3A_29 : f32 to vector<1000x1xf32>
    %add3A_31 = arith.addf %div3A_26, %add3A_30 : vector<1000x1xf32>
    %sqrt3A = math.sqrt %add3A_31 : vector<1000x1xf32>
    %div3A_32 = vector.broadcast %sqrt3A : vector<1000x1xf32> to vector<1000x128xf32>
    %div3A_33 = arith.divf %sub3A_28, %div3A_32 : vector<1000x128xf32>
    %get3A_34 = arith.constant 0 : index
    %get3A_35 = arith.constant 0 : index
    %get3A_36 = vector.load %arg7[%get3A_34, %get3A_35] : memref<1x128xf32, #tpu.memory_space<vmem>>, vector<1x128xf32>
    %mul3A_37 = vector.broadcast %get3A_36 : vector<1x128xf32> to vector<1000x128xf32>
    %mul3A_38 = arith.mulf %div3A_33, %mul3A_37 : vector<1000x128xf32>
    %get3A_39 = arith.constant 0 : index
    %get3A_40 = arith.constant 0 : index
    %get3A_41 = vector.load %arg8[%get3A_39, %get3A_40] : memref<1x128xf32, #tpu.memory_space<vmem>>, vector<1x128xf32>
    %add3A_42 = vector.broadcast %get3A_41 : vector<1x128xf32> to vector<1000x128xf32>
    %add3A_43 = arith.addf %mul3A_38, %add3A_42 : vector<1000x128xf32>
    %get3A_44 = arith.constant 0 : index
    %get3A_45 = arith.constant 0 : index
    %get3A_46 = vector.load %arg5[%get3A_44, %get3A_45] : memref<1000x128xf32, #tpu.memory_space<vmem>>, vector<1000x128xf32>
    %add3A_47 = arith.addf %add3A_43, %get3A_46 : vector<1000x128xf32>
    %gt3A = arith.constant 0.000000e+00 : f32
    %gt3A_48 = vector.broadcast %gt3A : f32 to vector<1000x128xf32>
    %gt3A_49 = arith.cmpf ogt, %add3A_47, %gt3A_48 : vector<1000x128xf32>
    %min3A = arith.constant 0.000000e+00 : f32
    %min3A_50 = vector.broadcast %min3A : f32 to vector<1000x128xf32>
    %min3A_51 = arith.minimumf %add3A_47, %min3A_50 : vector<1000x128xf32>
    %exp3A = math.exp %min3A_51 : vector<1000x128xf32>
    %sub3A_52 = arith.constant 1.000000e+00 : f32
    %sub3A_53 = vector.broadcast %sub3A_52 : f32 to vector<1000x128xf32>
    %sub3A_54 = arith.subf %exp3A, %sub3A_53 : vector<1000x128xf32>
    %select_n3A = arith.select %gt3A_49, %add3A_47, %sub3A_54 : vector<1000x128xi1>, vector<1000x128xf32>
    %swap3A = arith.constant 0 : index
    %swap3A_55 = arith.constant 0 : index
    %swap3A_56 = vector.load %arg9[%swap3A, %swap3A_55] : memref<1000x128xf32, #tpu.memory_space<vmem>>, vector<1000x128xf32>
    tpu.vector_store %arg9[%swap3A, %swap3A_55], %select_n3A {strides = array<i32>} : memref<1000x128xf32, #tpu.memory_space<vmem>>, vector<1000x128xf32>,
    return
  }
  func.func @transform_0(%arg0: i32) -> (i32, i32) {
    %c0_i32 = arith.constant 0 : i32
    %c0_i32_0 = arith.constant 0 : i32
    return %arg0, %c0_i32 : i32, i32
  }
  func.func @transform_1(%arg0: i32) -> (i32, i32) {
    %c0_i32 = arith.constant 0 : i32
    %c0_i32_0 = arith.constant 0 : i32
    return %arg0, %c0_i32 : i32, i32
  }
  func.func @transform_2(%arg0: i32) -> (i32, i32) {
    %c0_i32 = arith.constant 0 : i32
    %c0_i32_0 = arith.constant 0 : i32
    return %arg0, %c0_i32 : i32, i32
  }
  func.func @transform_3(%arg0: i32) -> (i32, i32) {
    %c0_i32 = arith.constant 0 : i32
    %c0_i32_0 = arith.constant 0 : i32
    return %arg0, %c0_i32 : i32, i32
  }
  func.func @transform_4(%arg0: i32) -> (i32, i32) {
    %c0_i32 = arith.constant 0 : i32
    %c0_i32_0 = arith.constant 0 : i32
    return %arg0, %c0_i32 : i32, i32
  }
  func.func @transform_5(%arg0: i32) -> (i32, i32) {
    %c0_i32 = arith.constant 0 : i32
    %c0_i32_0 = arith.constant 0 : i32
    %c0_i32_1 = arith.constant 0 : i32
    return %c0_i32, %c0_i32_0 : i32, i32
  }
  func.func @transform_6(%arg0: i32) -> (i32, i32) {
    %c0_i32 = arith.constant 0 : i32
    %c0_i32_0 = arith.constant 0 : i32
    %c0_i32_1 = arith.constant 0 : i32
    return %c0_i32, %c0_i32_0 : i32, i32
  }
  func.func @transform_7(%arg0: i32) -> (i32, i32) {
    %c0_i32 = arith.constant 0 : i32
    %c0_i32_0 = arith.constant 0 : i32
    %c0_i32_1 = arith.constant 0 : i32
    return %c0_i32, %c0_i32_0 : i32, i32
  }
  func.func @transform_8(%arg0: i32) -> (i32, i32) {
    %c0_i32 = arith.constant 0 : i32
    %c0_i32_0 = arith.constant 0 : i32
    return %arg0, %c0_i32 : i32, i32
  }
}

</mosaic_0001>

<sc_bundles>
// kernel: kernel.10.cloned.1.call-start
scs
__scs_entry_jumppad:
0x0: {  	(pc) =	sbr.rel $0x88, $3  }
0x1: {  	(tag) =	ssettag $0x0;
	lr =	simm.s32 $0x1  }
0x2: {  	[smem:$0x3F96] =	sst lr;
	_ =	strace $0xD0000000  }
0x3: {  	_ = 	snop  }
0x4: {  	_ = 	snop  }
0x5: {  	_ = 	snop  }
0x6: {  	_ = 	snop  }
0x7: {  	_ = 	snop  }
__scs_overlays_trampoline_lowered:
0x8: {  	[smem:$0x3FA5] =	sst s0  }
0x9: {  	[smem:$0x3FA6] =	sst s1  }
0xa: {  	[smem:$0x3FA7] =	sst s2  }
0xb: {  	[smem:$0x3FA8] =	sst s3  }
0xc: {  	[smem:$0x3FA9] =	sst s4  }
0xd: {  	[smem:$0x3FAA] =	sst s5  }
0xe: {  	[smem:$0x3FAB] =	sst s6  }
0xf: {  	[smem:$0x3FAC] =	sst s7  }
0x10: {  	[smem:$0x3FAD] =	sst s8  }
0x11: {  	[smem:$0x3FAE] =	sst s9;
	s0 =	simm.s32 @!p0 $0x0  }
0x12: {  	s1 =	sld [smem:$0x3F94];
	s0 =	simm.s32 @p0 $0x1  }
0x13: {  	[smem:$0x3FAF] =	sst s0;
	s0 =	simm.s32 @!p1 $0x0  }
0x14: {  	s2 =	sld [smem:$0x3F93];
	s0 =	simm.s32 @p1 $0x1  }
0x15: {  	[smem:$0x3FB0] =	sst s0;
	s0 =	simm.s32 @!p2 $0x0  }
0x16: {  	s3 =	sld [smem:$0x3FDB];
	s0 =	simm.s32 @p2 $0x1  }
0x17: {  	s4 =	simm.s32 $0x1BF5;
	[smem:$0x3FB2] =	sst s0  }
0x18: {  	s0 =	sld [smem:$0x3F95];
	_ =	swait.ge [sflag:s4], $0x0  }
0x19: {  	s7 =	sld [smem:$0x3F96]  }
0x1a: {  	s8 =	sadd.s32 $0xFFFFE003, lr  }
0x1b: {  	s9 =	sadd.s32 $0xFFFFFEF7, lr;
	s5 =	simm.s32 $0xFFFFFFFF;
	p2 =	slt.u32 s8, $0xFFFFF086  }
0x1c: {  	p1 =	slt.u32 s9, $0xF7A;
	s5 =	simm.s32 @!p2 $0x0  }
0x1d: {  	s5 =	simm.s32 @p1 $0x1;
	p0 =	seq.s32 s7, s2  }
0x1e: {  	s7 =	smul.u32 @!p0 $0xF7A, s2;
	p2 =	seq.s32 @!p0 s5, $0x0  }
0x1f: {  	s9 =	smul.u32 $0xF7A, s1;
	s8 =	simm.s32 @!p0 $0x1BF5;
	p2 =	por !p2, p0  }
0x20: {  	[sflag:s8] =	ssyncset.s32 @!p0 $0xFFFFF086;
	s6 =	sadd.s32 @!p0 s3, s7;
	s7 =	simm.s32 @!p0 $0x108  }
0x21: {  	s3 =	sadd.s32 s3, s9;
	s6 =	sadd.s32 @!p0 $0x88, s6;
	s7 =	simm.s32 @p2 $0x1082  }
0x22: {  	[simem:s7], [sflag:s8] =	dma.local @!p0 [hbm:s6], $0xF7A  }
0x23: {  	s9 =	sor.u32 $0xD0000000, s2;
	s6 =	simm.s32 $0x108;
	_ =	swait.ge @!p0 [sflag:s8], $0x0  }
0x24: {  	s3 =	sadd.s32 $0x88, s3;
	s6 =	simm.s32 @!p1 $0x1082;
	[sflag:s4] =	ssyncset.s32 $0xFFFFF086  }
0x25: {  	[simem:s6], [sflag:s4] =	dma.local [hbm:s3], $0xF7A  }
0x26: {  	[smem:$0x3F96] =	sst s1;
	(tag) =	ssettag s2;
	_ =	strace s9  }
0x27: {  	s1 =	sld [smem:$0x3FA6]  }
0x28: {  	s2 =	sld [smem:$0x3FA7]  }
0x29: {  	s4 =	sld [smem:$0x3FA9]  }
0x2a: {  	p0 =	seq.s32 s5, $0x0;
	s5 =	sld [smem:$0x3FAA]  }
0x2b: {  	s6 =	sld [smem:$0x3FAB]  }
0x2c: {  	s7 =	sld [smem:$0x3FAC]  }
0x2d: {  	s3 =	simm.s32 $0x108;
	s8 =	sld [smem:$0x3FAD]  }
0x2e: {  	s3 =	simm.s32 @!p0 $0x1082;
	s9 =	sld [smem:$0x3FAE]  }
0x2f: {  	lr =	sadd.s32 s0, s3;
	s0 =	sld [smem:$0x3FA5]  }
0x30: {  	s3 =	sld [smem:$0x3FA8]  }
0x31: {  	[smem:$0x3FB1] =	sst s10  }
0x32: {  	s10 =	sld [smem:$0x3FAF];
	_ =	sdelay $0x3  }
0x33: {  	p0 =	seq.s32 s10, $0x1;
	s10 =	sld [smem:$0x3FB1];
	_ =	sdelay $0x3  }
0x34: {  	[smem:$0x3FB1] =	sst s10  }
0x35: {  	s10 =	sld [smem:$0x3FB0];
	_ =	sdelay $0x3  }
0x36: {  	p1 =	seq.s32 s10, $0x1;
	s10 =	sld [smem:$0x3FB1];
	_ =	sdelay $0x3  }
0x37: {  	[smem:$0x3FB1] =	sst s10  }
0x38: {  	s10 =	sld [smem:$0x3FB2]  }
0x39: {  	_ = 	snop;
	(pc) =	sbr.ind lr, $3  }
0x3a: {  	_ = 	snop  }
0x3b: {  	_ = 	snop  }
0x3c: {  	p2 =	seq.s32 s10, $0x1;
	s10 =	sld [smem:$0x3FB1]  }
0x3d: {  	_ =	shalt  }
0x3e: {  	_ =	shalt  }
0x3f: {  	_ =	shalt  }
0x40: {  	_ =	shalt  }
0x41: {  	_ =	shalt  }
0x42: {  	_ =	shalt  }
0x43: {  	_ =	shalt  }
0x44: {  	_ =	shalt  }
0x45: {  	_ =	shalt  }
0x46: {  	_ =	shalt  }
0x47: {  	_ =	shalt  }
0x48: {  	_ =	shalt  }
0x49: {  	_ =	shalt  }
0x4a: {  	_ =	shalt  }
0x4b: {  	_ =	shalt  }
0x4c: {  	_ =	shalt  }
0x4d: {  	_ =	shalt  }
0x4e: {  	_ =	shalt  }
0x4f: {  	_ =	shalt  }
0x50: {  	_ =	shalt  }
0x51: {  	_ =	shalt  }
0x52: {  	_ =	shalt  }
0x53: {  	_ =	shalt  }
0x54: {  	_ =	shalt  }
0x55: {  	_ =	shalt  }
0x56: {  	_ =	shalt  }
0x57: {  	_ =	shalt  }
0x58: {  	_ =	shalt  }
0x59: {  	_ =	shalt  }
0x5a: {  	_ =	shalt  }
0x5b: {  	_ =	shalt  }
0x5c: {  	_ =	shalt  }
0x5d: {  	_ =	shalt  }
0x5e: {  	_ =	shalt  }
0x5f: {  	_ =	shalt  }
0x60: {  	_ =	shalt  }
0x61: {  	_ =	shalt  }
0x62: {  	_ =	shalt  }
0x63: {  	_ =	shalt  }
0x64: {  	_ =	shalt  }
0x65: {  	_ =	shalt  }
0x66: {  	_ =	shalt  }
0x67: {  	_ =	shalt  }
0x68: {  	_ =	shalt  }
0x69: {  	_ =	shalt  }
0x6a: {  	_ =	shalt  }
0x6b: {  	_ =	shalt  }
0x6c: {  	_ =	shalt  }
0x6d: {  	_ =	shalt  }
0x6e: {  	_ =	shalt  }
0x6f: {  	_ =	shalt  }
0x70: {  	_ =	shalt  }
0x71: {  	_ =	shalt  }
0x72: {  	_ =	shalt  }
0x73: {  	_ =	shalt  }
0x74: {  	_ =	shalt  }
0x75: {  	_ =	shalt  }
0x76: {  	_ =	shalt  }
0x77: {  	_ =	shalt  }
0x78: {  	_ =	shalt  }
0x79: {  	_ =	shalt  }
0x7a: {  	_ =	shalt  }
0x7b: {  	_ =	shalt  }
0x7c: {  	_ =	shalt  }
0x7d: {  	_ =	shalt  }
0x7e: {  	_ =	shalt  }
0x7f: {  	_ =	shalt  }
0x80: {  	_ =	shalt  }
0x81: {  	_ =	shalt  }
0x82: {  	_ =	shalt  }
0x83: {  	_ =	shalt  }
0x84: {  	_ =	shalt  }
0x85: {  	_ =	shalt  }
0x86: {  	_ =	shalt  }
0x87: {  	_ =	shalt  }
.Lfunc_end0:
.L_simem_size_0:
called_computation.1_lowered:
.L_overlay_start_0:
0x88: {  	s2 =	sld [smem:$0x3FD9]  }
0x89: {  	s3 =	sld [smem:$0x3FFE];
	_ =	sdelay $0x1  }
0x8a: {  	s1 =	srdreg.scid  }
0x8b: {  	s0 =	sand.u32 $0x1, s1  }
0x8c: {  	s17 =	sshll.u32 s0, $0xA;
	s2 =	sadd.s32 s3, s2  }
0x8d: {  	s2 =	sadd.s32 s2, s17  }
0x8e: {  	[smem:$0x3FBD] =	sst s2  }
0x8f: {  	_ = 	snop  }
0x90: {  	s2 =	sld [smem:$0x3FD0];
	(tm) =	ssettm $0x1  }
0x91: {  	s18 =	sld [smem:$0x3FFB];
	_ =	sdelay $0x3  }
0x92: {  	_ =	strace s18  }
0x93: {  	s3 =	sld [smem:$0x3FFC];
	_ =	sdelay $0x3  }
0x94: {  	_ =	strace s3  }
0x95: {  	s3 =	sld [smem:$0x3FFD];
	_ =	sdelay $0x3  }
0x96: {  	_ =	strace s3  }
0x97: {  	_ =	strace $0x8FFFFFFF  }
0x98: {  	s19 =	sld [smem:$0x3FDB];
	_ =	sdelay $0x1  }
0x99: {  	s4 =	simm.s32 $_scs_section_size  }
0x9a: {  	s5 =	simm.s32 $_size__tile_overlayer_lowered;
	s6 =	simm.s32 $_tile_overlayer_lowered  }
0x9b: {  	s22 =	simm.s32 $0x1BFF;
	s21 =	sshll.u32 s6, $0x1;
	s3 =	sadd.s32 s4, s19  }
0x9c: {  	s7 =	simm.s32 $0x0;
	s20 =	sshll.u32 s5, $0x1;
	s5 =	sadd.s32 s21, s3  }
0x9d: {  	[timem:s7], [sflag:s22] =	dma.local [hbm:s5], s20  }
0x9e: {  	_ =	swait.ge [sflag:s22], s20  }
0x9f: {  	s4 =	ssub.s32 $0x0, s20;
	[sflag:s22] =	ssyncset.done $0x0  }
0xa0: {  	[sflag:s22] =	ssyncadd.s32 s4;
	_ =	sdelay $0x1  }
0xa1: {  	s23 =	simm.s32 $0x1B8B  }
0xa2: {  	_ =	swait.ge [sflag:s23], $0x1  }
0xa3: {  	[sflag:s23] =	ssyncset.done $0x0  }
0xa4: {  	s25 =	simm.s32 $0x1B8E;
	s24 =	sld [smem:$0x3FFE];
	[sflag:s23] =	ssyncadd.s32 $0xFFFFFFFF  }
0xa5: {  	s26 =	simm.s32 $execute0_lowered;
	[smem:$0x3FD2] =	sst s25  }
0xa6: {  	s5 =	sshll.u32 s26, $0x1;
	_ =	strace $0x80000049;
	[dreg:$0x1] =	wrdreg $0xFFFFFFFF  }
0xa7: {  	s28 =	simm.s32 $_size_execute0_lowered;
	s3 =	sadd.s32 s3, s5;
	[dreg:$0x0] =	wrdreg $0x0  }
0xa8: {  	s5 =	sshll.u32 s28, $0x1;
	[dreg:$0x2] =	wrdreg s3  }
0xa9: {  	[dreg:$0x3] =	wrdreg s5  }
0xaa: {  	[dreg:$0x4] =	wrdreg $0xC0  }
0xab: {  	_ =	task [dreg:s7], $0x5FFFF  }
0xac: {  	[dreg:$0x1] =	wrdreg $0xFFFFFFFF  }
0xad: {  	[dreg:$0x0] =	wrdreg $0x60  }
0xae: {  	[dreg:$0x2] =	wrdreg s24  }
0xaf: {  	[dreg:$0x3] =	wrdreg s2  }
0xb0: {  	[dreg:$0x4] =	wrdreg $0x9  }
0xb1: {  	_ =	task.clear_ibuf [dreg:s7], $0x5FFFF;
	_ =	strace $0x90000049  }
0xb2: {  	s29 =	simm.s32 $0x9;
	_ =	strace $0x8000004B  }
0xb3: {  	_ =	swait.ge [sflag:s29], $0x1  }
0xb4: {  	[sflag:s29] =	ssyncadd.s32 $0xFFFFFFFF  }
0xb5: {  	_ =	strace $0x9000004B  }
0xb6: {  	_ =	sfence  }
0xb7: {  	s30 =	sld [smem:$0x0];
	_ =	sdelay $0x2  }
0xb8: {  	s31 =	sshll.u32 s1, $0xD;
	s1 =	sshrl.u32 s1, $0x2  }
0xb9: {  	s3 =	sand.u32 $0x4000, s31;
	s1 =	sadd.s32 s1, s30  }
0xba: {  	s0 =	sor.u32 s3, s0;
	s1 =	sshll.u32 s1, $0x11  }
0xbb: {  	s0 =	sor.u32 s1, s0  }
0xbc: {  	s0 =	sadd.s32 $0x8F2B, s0  }
0xbd: {  	[sflag:s0] =	ssyncadd.remote.s32 $0x1  }
0xbe: {  	_ =	sfence.sel $0xFFFF  }
0xbf: {  	[dreg:$0x0] =	wrdreg $0xFFFFFFFF;
	(pc) =	sbr.abs _section_cstart, $3  }
0xc0: {  	[dreg:$0x1] =	wrdreg $0xFFFFFFFF  }
0xc1: {  	_ =	task.clear_ibuf [dreg:s7], $0x2FFFF;
	_ =	strace $0x9FFFFFFF  }
0xc2: {  	(tm) =	ssettm $0x7FFFFFFF  }
0xc3: {  	_ =	shalt  }
tec
execute0_lowered:
.L_overlay_start_1:
0x0: {  	(tag) =	ssettag $0x1  }
0x1: {  	s2 =	rddreg [dreg:$0x0]  }
0x2: {  	s0 =	rddreg [dreg:$0x1]  }
0x3: {  	s1 =	srdreg.scid;
	s5 =	stileid.u32;
	s3 =	simm.s32 $0x0  }
0x4: {  	s28 =	simm.s32 $0x8780;
	s29 =	simm.s32 $0xAF00;
	s30 =	simm.s32 $0xD680  }
0x5: {  	s31 =	simm.s32 $0x1;
	s1 =	sand.u32 $0x1, s1;
	s4 =	sshll.u32 s5, $0x1  }
0x6: {  	[smem:$0x7FF] =	sst s3;
	s17 =	sshrl.u32 s5, $0x1;
	s5 =	sadd.s32 $0x9E00, s2  }
0x7: {  	s6 =	sadd.s32 $0x9F000, s2;
	s14 =	sadd.s32 $0xED200, s2;
	s19 =	sadd.s32 $0x9FF4, s2  }
0x8: {  	s20 =	sadd.s32 $0x1F4, s2;
	s7 =	sor.u32 s1, s4;
	s4 =	smul.u32 $0x4E200, s17  }
0x9: {  	_ =	strace $0x8000004A;
	[dreg:$0x3] =	wrdreg s19;
	s9 =	smul.u32 $0x1400, s7  }
0xa: {  	s1 =	ssub.s32 $0x2, s1;
	s13 =	sshllo.u32 s7, $0x2;
	s17 =	smul.u32 $0x1388, s7  }
0xb: {  	[dreg:$0x4] =	wrdreg s20;
	s8 =	sshll.u32 s7, $0x2;
	s16 =	smul.u32 $0x500, s13  }
0xc: {  	s20 =	simm.s32 $0x14D00;
	s10 =	sor.u32 $0x1, s8;
	s23 =	smul.u32 $0x4E2, s13  }
0xd: {  	s15 =	sshrl.u32 s1, $0x1;
	s8 =	sor.u32 $0x2, s8;
	s11 =	smul.u32 $0x500, s10  }
0xe: {  	s1 =	ssub.s32 s1, s15;
	s18 =	sshrl.u32 s4, $0x3;
	s12 =	smul.u32 $0x500, s8  }
0xf: {  	s7 =	sadd.s32 s6, s18;
	s10 =	smul.u32 $0x4E2, s10;
	s9 =	sadd.s32 s14, s9  }
0x10: {  	s8 =	smul.u32 $0x4E2, s8;
	s26 =	sadd.s32 s0, s17;
	[dreg:$0x6] =	wrdreg s9  }
0x11: {  	s19 =	smax.u32 s1, $0x1;
	s21 =	sadd.s32 $0x1F4, s7;
	[dreg:$0xa] =	wrdreg s26  }
0x12: {  	s1 =	simm.s32 $0x12580;
	s25 =	sadd.s32 s14, s16;
	[dreg:$0x5] =	wrdreg s21  }
0x13: {  	s26 =	simm.s32 $0x3;
	s22 =	sadd.s32 s14, s11;
	[dreg:$0x9] =	wrdreg s25  }
0x14: {  	s9 =	simm.s32 $0x0;
	s24 =	sadd.s32 s14, s12;
	[dreg:$0x7] =	wrdreg s22  }
.Ltmp0:
0x15: {  	s10 =	sadd.s32 s0, s10;
	[dreg:$0x8] =	wrdreg s24;
	(pc) =	sbr.rel .LBB2_1-.Ltmp0, $4  }
0x16: {  	s8 =	sadd.s32 s0, s8;
	s0 =	sadd.s32 s0, s23;
	[dreg:$0xb] =	wrdreg s10  }
0x17: {  	s23 =	simm.s32 $0x3000;
	s25 =	simm.s32 $0x6000;
	[dreg:$0xc] =	wrdreg s8  }
0x18: {  	s21 =	simm.s32 $0x17480;
	[dreg:$0xd] =	wrdreg s0;
	s22 =	simm.s32 $0x1000  }
0x19: {  	v0 =	vimm.f32 $0.0e+00;
	s24 =	simm.s32 $0x5000;
	s0 =	simm.s32 $0xFE00;
	s8 =	simm.s32 $0x2  }
.LBB2_20:
0x1a: {  	s10 =	rddreg [dreg:$0xa]  }
0x1b: {  	[hbm4b:s10+s3] =	stream.linear.scatter [tilespmem:s0], [sflag:$0x3], $0x2710, $0x38;
	[tilespmem:$0x19C00] =	vst v63  }
0x1c: {  	_ =	swait.ge [sflag:s26], $0x2710  }
0x1d: {  	[sflag:s26] =	ssyncset.done $0x0  }
0x1e: {  	s16 =	rddreg [dreg:$0xb];
	[sflag:s26] =	ssyncadd.s32 $0xFFFFD8F0  }
0x1f: {  	[hbm4b:s16+s3] =	stream.linear.scatter [tilespmem:s1], [sflag:$0x3], $0x2710, $0x38;
	[tilespmem:$0x19C00] =	vst v63  }
0x20: {  	_ =	swait.ge [sflag:s26], $0x2710  }
0x21: {  	[sflag:s26] =	ssyncset.done $0x0  }
0x22: {  	s17 =	rddreg [dreg:$0xc];
	[sflag:s26] =	ssyncadd.s32 $0xFFFFD8F0  }
0x23: {  	[hbm4b:s17+s3] =	stream.linear.scatter [tilespmem:s20], [sflag:$0x3], $0x2710, $0x38;
	[tilespmem:$0x19C00] =	vst v63  }
0x24: {  	s9 =	sadd.s32 $0x1, s9;
	_ =	swait.ge [sflag:s26], $0x2710  }
0x25: {  	p0 =	sne.s32 s9, s19;
	[sflag:s26] =	ssyncset.done $0x0  }
.Ltmp1:
0x26: {  	s18 =	rddreg [dreg:$0xd];
	[sflag:s26] =	ssyncadd.s32 $0xFFFFD8F0;
	(pc) =	sbr.rel @!p0 .LBB2_21-.Ltmp1, $4  }
0x27: {  	[hbm4b:s18+s3] =	stream.linear.scatter [tilespmem:s21], [sflag:$0x3], $0x2710, $0x38;
	[tilespmem:$0x19C00] =	vst v63  }
0x28: {  	_ =	swait.ge [sflag:s26], $0x2710  }
0x29: {  	[sflag:s26] =	ssyncset.done $0x0  }
0x2a: {  	[sflag:s26] =	ssyncadd.s32 $0xFFFFD8F0  }
.LBB2_1:
0x2b: {  	[tilespmem:s3], [sflag:$0x1] =	stream.linear.gather [hbm4b:s5+s3], $0xFA0, $0x38;
	[tilespmem:$0x19C00] =	vst v63  }
0x2c: {  	s10 =	simm.s32 $0x2000  }
0x2d: {  	[tilespmem:s10], [sflag:$0x1] =	stream.linear.gather [hbm4b:s2+s3], $0xFA0, $0x38;
	[tilespmem:$0x19C00] =	vst v63  }
0x2e: {  	s14 =	simm.s32 $0x4000  }
0x2f: {  	[tilespmem:s14], [sflag:$0x1] =	stream.linear.gather [hbm4b:s7+s3], $0xFA0, $0x38;
	[tilespmem:$0x19C00] =	vst v63  }
0x30: {  	s15 =	rddreg [dreg:$0x3]  }
0x31: {  	[tilespmem:s22], [sflag:$0x2] =	stream.linear.gather [hbm4b:s15+s3], $0xFA0, $0x38;
	[tilespmem:$0x19C00] =	vst v63  }
0x32: {  	s16 =	rddreg [dreg:$0x4]  }
0x33: {  	[tilespmem:s23], [sflag:$0x2] =	stream.linear.gather [hbm4b:s16+s3], $0xFA0, $0x38;
	[tilespmem:$0x19C00] =	vst v63  }
0x34: {  	s17 =	rddreg [dreg:$0x5]  }
0x35: {  	[tilespmem:s24], [sflag:$0x2] =	stream.linear.gather [hbm4b:s17+s3], $0xFA0, $0x38;
	[tilespmem:$0x19C00] =	vst v63  }
0x36: {  	s18 =	rddreg [dreg:$0x6]  }
0x37: {  	[tilespmem:s25], [sflag:$0x3] =	stream.linear.gather [hbm4b:s18+s3], $0x2710, $0x38;
	[tilespmem:$0x19C00] =	vst v63  }
0x38: {  	_ =	swait.ge [sflag:s26], $0x2710  }
0x39: {  	[sflag:s26] =	ssyncset.done $0x0  }
0x3a: {  	s11 =	simm.s32 $0x0;
	s10 =	simm.s32 $0x40;
	[sflag:s26] =	ssyncadd.s32 $0xFFFFD8F0  }
.LBB2_2:
0x3b: {  	p0 =	sne.s32 s10, $0x9C00;
	[tilespmem:s11+$0xFE00] =	vst v0;
	s11 =	smov.u32 s10;
	s10 =	sadd.s32 $0x40, s10  }
.Ltmp2:
0x3c: {  	(pc) =	sbr.rel @p0 .LBB2_2-.Ltmp2, $2  }
0x3d: {  	_ =	sdelay $0x2  }
0x3e: {  	s11 =	sshra.s32 s11, $0x2  }
0x3f: {  	[tilespmem:s11+$0xFE00] =	vst v0;
	s10 =	simm.s32 $0x0;
	s18 =	rddreg [dreg:$0x7]  }
0x40: {  	[tilespmem:s28], [sflag:$0x3] =	stream.linear.gather [hbm4b:s18+s10], $0x2710, $0x38;
	[tilespmem:$0x19C00] =	vst v63  }
0x41: {  	_ =	swait.ge [sflag:s26], $0x2710  }
0x42: {  	[sflag:s26] =	ssyncset.done $0x0  }
0x43: {  	s11 =	simm.s32 $0x0;
	s10 =	simm.s32 $0x40;
	[sflag:s26] =	ssyncadd.s32 $0xFFFFD8F0  }
.LBB2_4:
0x44: {  	p0 =	sne.s32 s10, $0x9C00;
	[tilespmem:s11+$0x12580] =	vst v0;
	s11 =	smov.u32 s10;
	s10 =	sadd.s32 $0x40, s10  }
.Ltmp3:
0x45: {  	(pc) =	sbr.rel @p0 .LBB2_4-.Ltmp3, $2  }
0x46: {  	_ =	sdelay $0x2  }
0x47: {  	s11 =	sshra.s32 s11, $0x2  }
0x48: {  	[tilespmem:s11+$0x12580] =	vst v0;
	s10 =	simm.s32 $0x0;
	s18 =	rddreg [dreg:$0x8]  }
0x49: {  	[tilespmem:s29], [sflag:$0x3] =	stream.linear.gather [hbm4b:s18+s10], $0x2710, $0x38;
	[tilespmem:$0x19C00] =	vst v63  }
0x4a: {  	_ =	swait.ge [sflag:s26], $0x2710  }
0x4b: {  	[sflag:s26] =	ssyncset.done $0x0  }
0x4c: {  	s11 =	simm.s32 $0x0;
	s10 =	simm.s32 $0x40;
	[sflag:s26] =	ssyncadd.s32 $0xFFFFD8F0  }
.LBB2_6:
0x4d: {  	p0 =	sne.s32 s10, $0x9C00;
	[tilespmem:s11+$0x14D00] =	vst v0;
	s11 =	smov.u32 s10;
	s10 =	sadd.s32 $0x40, s10  }
.Ltmp4:
0x4e: {  	(pc) =	sbr.rel @p0 .LBB2_6-.Ltmp4, $2  }
0x4f: {  	_ =	sdelay $0x2  }
0x50: {  	s11 =	sshra.s32 s11, $0x2  }
0x51: {  	[tilespmem:s11+$0x14D00] =	vst v0;
	s10 =	simm.s32 $0x0;
	s18 =	rddreg [dreg:$0x9]  }
0x52: {  	[tilespmem:s30], [sflag:$0x3] =	stream.linear.gather [hbm4b:s18+s10], $0x2710, $0x38;
	[tilespmem:$0x19C00] =	vst v63  }
0x53: {  	_ =	swait.ge [sflag:s26], $0x2710  }
0x54: {  	[sflag:s26] =	ssyncset.done $0x0  }
0x55: {  	s11 =	simm.s32 $0x40;
	s12 =	simm.s32 $0x0;
	[sflag:s26] =	ssyncadd.s32 $0xFFFFD8F0  }
.LBB2_8:
0x56: {  	p0 =	sne.s32 s11, $0x9C00;
	[tilespmem:s12+$0x17480] =	vst v0;
	s12 =	smov.u32 s11;
	s11 =	sadd.s32 $0x40, s11  }
.Ltmp5:
0x57: {  	(pc) =	sbr.rel @p0 .LBB2_8-.Ltmp5, $2  }
0x58: {  	_ =	sdelay $0x2  }
0x59: {  	s12 =	sshra.s32 s12, $0x2  }
0x5a: {  	[tilespmem:s12+$0x17480] =	vst v0  }
.LBB2_10:
0x5b: {  	_ =	swait.ge [sflag:s31], $0xFA0  }
0x5c: {  	[sflag:s31] =	ssyncset.done $0x0  }
0x5d: {  	[sflag:s31] =	ssyncadd.s32 $0xFFFFF060  }
0x5e: {  	_ =	swait.ge [sflag:s31], $0xFA0  }
0x5f: {  	[sflag:s31] =	ssyncset.done $0x0  }
0x60: {  	[sflag:s31] =	ssyncadd.s32 $0xFFFFF060  }
0x61: {  	_ =	swait.ge [sflag:s31], $0xFA0  }
0x62: {  	[sflag:s31] =	ssyncset.done $0x0  }
0x63: {  	s11 =	simm.s32 $0x20;
	[sflag:s31] =	ssyncadd.s32 $0xFFFFF060  }
0x64: {  	v10 =	vld [tilespmem:s11+$0x10];
	_ =	sdelay $0x2  }
0x65: {  	v1 =	vld [tilespmem:s11+$0xFFFFFFF0]  }
0x66: {  	v3 =	vld [tilespmem:s11+$0xFFFFFFE0]  }
0x67: {  	s13 =	simm.s32 $0x4020;
	v2 =	vld [tilespmem:s11+$0x0]  }
0x68: {  	s11 =	simm.s32 $0x2020;
	v11 =	vld [tilespmem:s13+$0x10]  }
0x69: {  	v12 =	vld [tilespmem:s11+$0x10]  }
0x6a: {  	v5 =	vld.idx.msk [tilespmem:v10+s25+$0x0], $0xffff  }
0x6b: {  	v4 =	vld [tilespmem:s13+$0xFFFFFFE0]  }
0x6c: {  	v9 =	vld [tilespmem:s13+$0x0]  }
0x6d: {  	v7 =	vld [tilespmem:s11+$0xFFFFFFF0]  }
0x6e: {  	v8 =	vld [tilespmem:s11+$0x0]  }
0x6f: {  	v13 =	vld.idx.msk [tilespmem:v1+s25+$0x0], $0xffff;
	v6 =	vmul.f32 v5, v11  }
0x70: {  	v15 =	vld.idx.msk [tilespmem:v2+s25+$0x0], $0xffff  }
0x71: {  	[tilespmem:v12+s0+$0x0] =	vst.idx.add.f32.msk $0xffff, v6  }
0x72: {  	v16 =	vld.idx.msk [tilespmem:v10+s28+$0x0], $0xffff  }
0x73: {  	v5 =	vld [tilespmem:s13+$0xFFFFFFF0]  }
0x74: {  	v6 =	vld [tilespmem:s11+$0xFFFFFFE0]  }
0x75: {  	v14 =	vld.idx.msk [tilespmem:v3+s25+$0x0], $0xffff  }
0x76: {  	v15 =	vmul.f32 v15, v9  }
0x77: {  	v16 =	vmul.f32 v16, v11  }
0x78: {  	[tilespmem:v8+s0+$0x0] =	vst.idx.add.f32.msk $0xffff, v15  }
0x79: {  	v13 =	vmul.f32 v13, v5;
	[tilespmem:v12+s1+$0x0] =	vst.idx.add.f32.msk $0xffff, v16  }
0x7a: {  	v14 =	vmul.f32 v14, v4;
	v16 =	vld.idx.msk [tilespmem:v10+s29+$0x0], $0xffff  }
0x7b: {  	[tilespmem:v7+s0+$0x0] =	vst.idx.add.f32.msk $0xffff, v13  }
0x7c: {  	[tilespmem:v6+s0+$0x0] =	vst.idx.add.f32.msk $0xffff, v14  }
0x7d: {  	v60 =	vld.idx.msk [tilespmem:v3+s28+$0x0], $0xffff  }
0x7e: {  	v61 =	vld.idx.msk [tilespmem:v1+s28+$0x0], $0xffff  }
0x7f: {  	v15 =	vld.idx.msk [tilespmem:v2+s28+$0x0], $0xffff;
	v16 =	vmul.f32 v16, v11;
	_ =	sdelay $0x1  }
0x80: {  	[tilespmem:v12+s20+$0x0] =	vst.idx.add.f32.msk $0xffff, v16  }
0x81: {  	v16 =	vld.idx.msk [tilespmem:v10+s30+$0x0], $0xffff;
	v10 =	vmul.f32 v60, v4  }
0x82: {  	v62 =	vmul.f32 v61, v5  }
0x83: {  	[tilespmem:v6+s1+$0x0] =	vst.idx.add.f32.msk $0xffff, v10;
	v10 =	vmul.f32 v15, v9  }
0x84: {  	[tilespmem:v7+s1+$0x0] =	vst.idx.add.f32.msk $0xffff, v62  }
0x85: {  	[tilespmem:v8+s1+$0x0] =	vst.idx.add.f32.msk $0xffff, v10  }
0x86: {  	v10 =	vld.idx.msk [tilespmem:v3+s29+$0x0], $0xffff;
	v63 =	vmul.f32 v16, v11  }
0x87: {  	s17 =	simm.s32 $0x0;
	s12 =	simm.s32 $0x2F80;
	s14 =	simm.s32 $0xF80;
	v11 =	vld.idx.msk [tilespmem:v1+s29+$0x0], $0xffff  }
0x88: {  	s18 =	simm.s32 $0x60;
	s15 =	simm.s32 $0xF70;
	s16 =	simm.s32 $0x4F80;
	[tilespmem:v12+s21+$0x0] =	vst.idx.add.f32.msk $0xffff, v63  }
.LBB2_11:
0x89: {  	v12 =	vld [tilespmem:s18+$0x10];
	s17 =	sadd.s32 $0x40, s17  }
0x8a: {  	v13 =	vld [tilespmem:s18+$0xFFFFFFF0];
	p0 =	slt.u32 s17, $0xF40  }
0x8b: {  	v14 =	vld [tilespmem:s18+$0x0]  }
0x8c: {  	v10 =	vmul.f32 v10, v4;
	v15 =	vld [tilespmem:s18+$0xFFFFFFE0]  }
0x8d: {  	v11 =	vmul.f32 v11, v5;
	v16 =	vld.idx.msk [tilespmem:v2+s29+$0x0], $0xffff  }
0x8e: {  	[tilespmem:v6+s20+$0x0] =	vst.idx.add.f32.msk $0xffff, v10  }
0x8f: {  	s11 =	sadd.s32 $0x40, s11;
	[tilespmem:v7+s20+$0x0] =	vst.idx.add.f32.msk $0xffff, v11  }
0x90: {  	v17 =	vld [tilespmem:s11+$0x10]  }
0x91: {  	s13 =	sadd.s32 $0x40, s13;
	v10 =	vld.idx.msk [tilespmem:v12+s25+$0x0], $0xffff  }
0x92: {  	v11 =	vld [tilespmem:s13+$0x10]  }
0x93: {  	v16 =	vmul.f32 v16, v9;
	v18 =	vld.idx.msk [tilespmem:v13+s25+$0x0], $0xffff  }
0x94: {  	v19 =	vld.idx.msk [tilespmem:v15+s25+$0x0], $0xffff  }
0x95: {  	v20 =	vld.idx.msk [tilespmem:v14+s25+$0x0], $0xffff  }
0x96: {  	v21 =	vld [tilespmem:s13+$0xFFFFFFE0]  }
0x97: {  	v22 =	vld [tilespmem:s13+$0xFFFFFFF0];
	v10 =	vmul.f32 v10, v11  }
0x98: {  	v23 =	vld [tilespmem:s13+$0x0]  }
0x99: {  	[tilespmem:v17+s0+$0x0] =	vst.idx.add.f32.msk $0xffff, v10  }
0x9a: {  	v10 =	vld.idx.msk [tilespmem:v12+s28+$0x0], $0xffff  }
0x9b: {  	v24 =	vld [tilespmem:s11+$0xFFFFFFE0];
	v19 =	vmul.f32 v19, v21  }
0x9c: {  	v25 =	vld [tilespmem:s11+$0xFFFFFFF0];
	v18 =	vmul.f32 v18, v22  }
0x9d: {  	v26 =	vld [tilespmem:s11+$0x0];
	v20 =	vmul.f32 v20, v23  }
0x9e: {  	[tilespmem:v8+s20+$0x0] =	vst.idx.add.f32.msk $0xffff, v16  }
0x9f: {  	v16 =	vld.idx.msk [tilespmem:v3+s30+$0x0], $0xffff;
	v3 =	vmov v15  }
0xa0: {  	v10 =	vmul.f32 v10, v11;
	v15 =	vld.idx.msk [tilespmem:v1+s30+$0x0], $0xffff;
	v1 =	vmov v13  }
0xa1: {  	v13 =	vld.idx.msk [tilespmem:v2+s30+$0x0], $0xffff;
	v2 =	vmov v14  }
0xa2: {  	[tilespmem:v17+s1+$0x0] =	vst.idx.add.f32.msk $0xffff, v10  }
0xa3: {  	v10 =	vld.idx.msk [tilespmem:v12+s29+$0x0], $0xffff  }
0xa4: {  	[tilespmem:v24+s0+$0x0] =	vst.idx.add.f32.msk $0xffff, v19  }
0xa5: {  	v14 =	vmul.f32 v16, v4;
	v4 =	vmov v21;
	[tilespmem:v25+s0+$0x0] =	vst.idx.add.f32.msk $0xffff, v18  }
0xa6: {  	v15 =	vmul.f32 v15, v5;
	v5 =	vmov v22;
	[tilespmem:v26+s0+$0x0] =	vst.idx.add.f32.msk $0xffff, v20  }
0xa7: {  	v13 =	vmul.f32 v13, v9;
	v9 =	vmov v23;
	v16 =	vld.idx.msk [tilespmem:v3+s28+$0x0], $0xffff  }
0xa8: {  	v18 =	vld.idx.msk [tilespmem:v1+s28+$0x0], $0xffff  }
0xa9: {  	v10 =	vmul.f32 v10, v11;
	v19 =	vld.idx.msk [tilespmem:v2+s28+$0x0], $0xffff  }
0xaa: {  	[tilespmem:v6+s21+$0x0] =	vst.idx.add.f32.msk $0xffff, v14;
	v6 =	vmov v24  }
0xab: {  	[tilespmem:v17+s20+$0x0] =	vst.idx.add.f32.msk $0xffff, v10  }
0xac: {  	v12 =	vld.idx.msk [tilespmem:v12+s30+$0x0], $0xffff  }
0xad: {  	v10 =	vmul.f32 v16, v4;
	[tilespmem:v7+s21+$0x0] =	vst.idx.add.f32.msk $0xffff, v15;
	v7 =	vmov v25  }
0xae: {  	v14 =	vmul.f32 v18, v5;
	[tilespmem:v8+s21+$0x0] =	vst.idx.add.f32.msk $0xffff, v13;
	v8 =	vmov v26  }
0xaf: {  	[tilespmem:v24+s1+$0x0] =	vst.idx.add.f32.msk $0xffff, v10;
	v10 =	vmul.f32 v19, v9  }
.Ltmp6:
0xb0: {  	[tilespmem:v25+s1+$0x0] =	vst.idx.add.f32.msk $0xffff, v14;
	(pc) =	sbr.rel @p0 .LBB2_11-.Ltmp6, $4  }
0xb1: {  	[tilespmem:v26+s1+$0x0] =	vst.idx.add.f32.msk $0xffff, v10  }
0xb2: {  	v12 =	vmul.f32 v12, v11;
	v10 =	vld.idx.msk [tilespmem:v3+s29+$0x0], $0xffff  }
0xb3: {  	v11 =	vld.idx.msk [tilespmem:v1+s29+$0x0], $0xffff  }
0xb4: {  	s18 =	sadd.s32 $0x40, s18;
	[tilespmem:v17+s21+$0x0] =	vst.idx.add.f32.msk $0xffff, v12  }
0xb5: {  	_ =	sdelay $0x3  }
0xb6: {  	v12 =	vld.idx.msk [tilespmem:v2+s29+$0x0], $0xffff  }
0xb7: {  	v10 =	vmul.f32 v10, v4  }
0xb8: {  	v11 =	vmul.f32 v11, v5  }
0xb9: {  	[tilespmem:v6+s20+$0x0] =	vst.idx.add.f32.msk $0xffff, v10  }
0xba: {  	[tilespmem:v7+s20+$0x0] =	vst.idx.add.f32.msk $0xffff, v11  }
0xbb: {  	v63 =	vmul.f32 v12, v9;
	v3 =	vld.idx.msk [tilespmem:v3+s30+$0x0], $0xffff  }
0xbc: {  	v1 =	vld.idx.msk [tilespmem:v1+s30+$0x0], $0xffff  }
0xbd: {  	[tilespmem:v8+s20+$0x0] =	vst.idx.add.f32.msk $0xffff, v63  }
0xbe: {  	v2 =	vld.idx.msk [tilespmem:v2+s30+$0x0], $0xffff;
	_ =	sdelay $0x2  }
0xbf: {  	v3 =	vmul.f32 v3, v4  }
0xc0: {  	v1 =	vmul.f32 v1, v5  }
0xc1: {  	[tilespmem:v6+s21+$0x0] =	vst.idx.add.f32.msk $0xffff, v3;
	v2 =	vmul.f32 v2, v9  }
0xc2: {  	[tilespmem:v7+s21+$0x0] =	vst.idx.add.f32.msk $0xffff, v1  }
0xc3: {  	[tilespmem:v8+s21+$0x0] =	vst.idx.add.f32.msk $0xffff, v2  }
.LBB2_13:
0xc4: {  	v1 =	vld [tilespmem:s14+$0x0];
	_ =	sdelay $0x5  }
0xc5: {  	v2 =	vld [tilespmem:s12+$0x0]  }
0xc6: {  	v3 =	vld [tilespmem:s16+$0x0]  }
0xc7: {  	v4 =	vld.idx.msk [tilespmem:v1+s25+$0x0], $0xffff;
	_ =	sdelay $0x4  }
0xc8: {  	v4 =	vmul.f32 v4, v3;
	_ =	sdelay $0x1  }
0xc9: {  	[tilespmem:v2+s0+$0x0] =	vst.idx.add.f32.msk $0xffff, v4  }
0xca: {  	v4 =	vld.idx.msk [tilespmem:v1+s28+$0x0], $0xffff;
	_ =	sdelay $0x4  }
0xcb: {  	v4 =	vmul.f32 v4, v3;
	_ =	sdelay $0x1  }
0xcc: {  	[tilespmem:v2+s1+$0x0] =	vst.idx.add.f32.msk $0xffff, v4  }
0xcd: {  	v4 =	vld.idx.msk [tilespmem:v1+s29+$0x0], $0xffff;
	_ =	sdelay $0x4  }
0xce: {  	v4 =	vmul.f32 v4, v3;
	_ =	sdelay $0x1  }
0xcf: {  	[tilespmem:v2+s20+$0x0] =	vst.idx.add.f32.msk $0xffff, v4  }
0xd0: {  	v1 =	vld.idx.msk [tilespmem:v1+s30+$0x0], $0xffff  }
0xd1: {  	s15 =	sadd.s32 $0x10, s15  }
0xd2: {  	p0 =	slt.u32 s15, $0xF90  }
.Ltmp7:
0xd3: {  	_ = 	snop;
	(pc) =	sbr.rel @p0 .LBB2_13-.Ltmp7, $3  }
0xd4: {  	_ = 	snop  }
0xd5: {  	v1 =	vmul.f32 v1, v3;
	_ =	sdelay $0x1  }
0xd6: {  	s16 =	sadd.s32 $0x10, s16;
	s12 =	sadd.s32 $0x10, s12;
	s14 =	sadd.s32 $0x10, s14;
	[tilespmem:v2+s21+$0x0] =	vst.idx.add.f32.msk $0xffff, v1  }
0xd7: {  	p0 =	seq.s32 s10, $0x27  }
0xd8: {  	s11 =	smul.u32 @!p0 $0x1F40, s10;
	_ =	sdelay $0x1  }
0xd9: {  	s11 =	sadd.s32 @!p0 $0x1F40, s11  }
0xda: {  	s12 =	sshrl.u32 @!p0 s11, $0x3  }
0xdb: {  	s14 =	simm.s32 @!p0 $0x0;
	s11 =	sadd.s32 @!p0 s4, s11;
	s13 =	sadd.s32 @!p0 s5, s12  }
0xdc: {  	[tilespmem:s14], [sflag:$0x1] =	stream.linear.gather @!p0 [hbm4b:s13+s14], $0xFA0, $0x38;
	[tilespmem:$0x19C00] =	vst v63  }
0xdd: {  	s12 =	sadd.s32 @!p0 s2, s12;
	s11 =	sshrl.u32 @!p0 s11, $0x3;
	s13 =	simm.s32 @!p0 $0x2000  }
0xde: {  	[tilespmem:s13], [sflag:$0x1] =	stream.linear.gather @!p0 [hbm4b:s12+s14], $0xFA0, $0x38;
	[tilespmem:$0x19C00] =	vst v63  }
0xdf: {  	s11 =	sadd.s32 @!p0 s6, s11;
	s12 =	simm.s32 @!p0 $0x4000  }
0xe0: {  	[tilespmem:s12], [sflag:$0x1] =	stream.linear.gather @!p0 [hbm4b:s11+s14], $0xFA0, $0x38;
	[tilespmem:$0x19C00] =	vst v63  }
0xe1: {  	_ =	swait.ge [sflag:s8], $0xFA0  }
0xe2: {  	[sflag:s8] =	ssyncset.done $0x0  }
0xe3: {  	[sflag:s8] =	ssyncadd.s32 $0xFFFFF060  }
0xe4: {  	_ =	swait.ge [sflag:s8], $0xFA0  }
0xe5: {  	[sflag:s8] =	ssyncset.done $0x0  }
0xe6: {  	[sflag:s8] =	ssyncadd.s32 $0xFFFFF060  }
0xe7: {  	_ =	swait.ge [sflag:s8], $0xFA0  }
0xe8: {  	[sflag:s8] =	ssyncset.done $0x0  }
0xe9: {  	s18 =	simm.s32 $0x1020;
	[sflag:s8] =	ssyncadd.s32 $0xFFFFF060  }
0xea: {  	v10 =	vld [tilespmem:s18+$0x10];
	_ =	sdelay $0x2  }
0xeb: {  	v1 =	vld [tilespmem:s18+$0xFFFFFFF0]  }
0xec: {  	v3 =	vld [tilespmem:s18+$0xFFFFFFE0]  }
0xed: {  	s11 =	simm.s32 $0x3020;
	v2 =	vld [tilespmem:s18+$0x0]  }
0xee: {  	s13 =	simm.s32 $0x5020;
	v12 =	vld [tilespmem:s11+$0x10]  }
0xef: {  	v11 =	vld [tilespmem:s13+$0x10]  }
0xf0: {  	v5 =	vld.idx.msk [tilespmem:v10+s25+$0x0], $0xffff  }
0xf1: {  	v4 =	vld [tilespmem:s13+$0xFFFFFFE0]  }
0xf2: {  	v7 =	vld [tilespmem:s11+$0xFFFFFFF0]  }
0xf3: {  	v8 =	vld [tilespmem:s11+$0x0]  }
0xf4: {  	v9 =	vld [tilespmem:s13+$0x0]  }
0xf5: {  	v13 =	vld.idx.msk [tilespmem:v1+s25+$0x0], $0xffff;
	v6 =	vmul.f32 v5, v11  }
0xf6: {  	v15 =	vld.idx.msk [tilespmem:v2+s25+$0x0], $0xffff  }
0xf7: {  	[tilespmem:v12+s0+$0x0] =	vst.idx.add.f32.msk $0xffff, v6  }
0xf8: {  	v16 =	vld.idx.msk [tilespmem:v10+s28+$0x0], $0xffff  }
0xf9: {  	v5 =	vld [tilespmem:s13+$0xFFFFFFF0]  }
0xfa: {  	v6 =	vld [tilespmem:s11+$0xFFFFFFE0]  }
0xfb: {  	v14 =	vld.idx.msk [tilespmem:v3+s25+$0x0], $0xffff  }
0xfc: {  	v15 =	vmul.f32 v15, v9  }
0xfd: {  	v16 =	vmul.f32 v16, v11  }
0xfe: {  	[tilespmem:v8+s0+$0x0] =	vst.idx.add.f32.msk $0xffff, v15  }
0xff: {  	v13 =	vmul.f32 v13, v5;
	[tilespmem:v12+s1+$0x0] =	vst.idx.add.f32.msk $0xffff, v16  }
0x100: {  	v14 =	vmul.f32 v14, v4;
	v16 =	vld.idx.msk [tilespmem:v10+s29+$0x0], $0xffff  }
0x101: {  	[tilespmem:v7+s0+$0x0] =	vst.idx.add.f32.msk $0xffff, v13  }
0x102: {  	[tilespmem:v6+s0+$0x0] =	vst.idx.add.f32.msk $0xffff, v14  }
0x103: {  	v60 =	vld.idx.msk [tilespmem:v3+s28+$0x0], $0xffff  }
0x104: {  	v61 =	vld.idx.msk [tilespmem:v1+s28+$0x0], $0xffff  }
0x105: {  	v15 =	vld.idx.msk [tilespmem:v2+s28+$0x0], $0xffff;
	v16 =	vmul.f32 v16, v11;
	_ =	sdelay $0x1  }
0x106: {  	[tilespmem:v12+s20+$0x0] =	vst.idx.add.f32.msk $0xffff, v16  }
0x107: {  	v16 =	vld.idx.msk [tilespmem:v10+s30+$0x0], $0xffff;
	v10 =	vmul.f32 v60, v4  }
0x108: {  	v62 =	vmul.f32 v61, v5  }
0x109: {  	[tilespmem:v6+s1+$0x0] =	vst.idx.add.f32.msk $0xffff, v10;
	v10 =	vmul.f32 v15, v9  }
0x10a: {  	[tilespmem:v7+s1+$0x0] =	vst.idx.add.f32.msk $0xffff, v62  }
0x10b: {  	[tilespmem:v8+s1+$0x0] =	vst.idx.add.f32.msk $0xffff, v10  }
0x10c: {  	v10 =	vld.idx.msk [tilespmem:v3+s29+$0x0], $0xffff;
	v63 =	vmul.f32 v16, v11  }
0x10d: {  	s16 =	simm.s32 $0x0;
	s17 =	simm.s32 $0x1060;
	v11 =	vld.idx.msk [tilespmem:v1+s29+$0x0], $0xffff  }
0x10e: {  	s15 =	simm.s32 $0x5F80;
	s12 =	simm.s32 $0x3F80;
	s14 =	simm.s32 $0x1F80;
	[tilespmem:v12+s21+$0x0] =	vst.idx.add.f32.msk $0xffff, v63  }
.LBB2_15:
0x10f: {  	v12 =	vld [tilespmem:s17+$0x10];
	s16 =	sadd.s32 $0x40, s16  }
0x110: {  	v13 =	vld [tilespmem:s17+$0xFFFFFFF0];
	p1 =	slt.u32 s16, $0xF40  }
0x111: {  	v14 =	vld [tilespmem:s17+$0x0]  }
0x112: {  	v10 =	vmul.f32 v10, v4;
	v15 =	vld [tilespmem:s17+$0xFFFFFFE0]  }
0x113: {  	v11 =	vmul.f32 v11, v5;
	v16 =	vld.idx.msk [tilespmem:v2+s29+$0x0], $0xffff  }
0x114: {  	[tilespmem:v6+s20+$0x0] =	vst.idx.add.f32.msk $0xffff, v10  }
0x115: {  	s11 =	sadd.s32 $0x40, s11;
	[tilespmem:v7+s20+$0x0] =	vst.idx.add.f32.msk $0xffff, v11  }
0x116: {  	v17 =	vld [tilespmem:s11+$0x10]  }
0x117: {  	s13 =	sadd.s32 $0x40, s13;
	v10 =	vld.idx.msk [tilespmem:v12+s25+$0x0], $0xffff  }
0x118: {  	v11 =	vld [tilespmem:s13+$0x10]  }
0x119: {  	v16 =	vmul.f32 v16, v9;
	v18 =	vld.idx.msk [tilespmem:v13+s25+$0x0], $0xffff  }
0x11a: {  	v19 =	vld.idx.msk [tilespmem:v15+s25+$0x0], $0xffff  }
0x11b: {  	v20 =	vld.idx.msk [tilespmem:v14+s25+$0x0], $0xffff  }
0x11c: {  	v21 =	vld [tilespmem:s13+$0xFFFFFFE0]  }
0x11d: {  	v22 =	vld [tilespmem:s13+$0xFFFFFFF0];
	v10 =	vmul.f32 v10, v11  }
0x11e: {  	v23 =	vld [tilespmem:s13+$0x0]  }
0x11f: {  	[tilespmem:v17+s0+$0x0] =	vst.idx.add.f32.msk $0xffff, v10  }
0x120: {  	v10 =	vld.idx.msk [tilespmem:v12+s28+$0x0], $0xffff  }
0x121: {  	v24 =	vld [tilespmem:s11+$0xFFFFFFE0];
	v19 =	vmul.f32 v19, v21  }
0x122: {  	v25 =	vld [tilespmem:s11+$0xFFFFFFF0];
	v18 =	vmul.f32 v18, v22  }
0x123: {  	v26 =	vld [tilespmem:s11+$0x0];
	v20 =	vmul.f32 v20, v23  }
0x124: {  	[tilespmem:v8+s20+$0x0] =	vst.idx.add.f32.msk $0xffff, v16  }
0x125: {  	v16 =	vld.idx.msk [tilespmem:v3+s30+$0x0], $0xffff;
	v3 =	vmov v15  }
0x126: {  	v10 =	vmul.f32 v10, v11;
	v15 =	vld.idx.msk [tilespmem:v1+s30+$0x0], $0xffff;
	v1 =	vmov v13  }
0x127: {  	v13 =	vld.idx.msk [tilespmem:v2+s30+$0x0], $0xffff;
	v2 =	vmov v14  }
0x128: {  	[tilespmem:v17+s1+$0x0] =	vst.idx.add.f32.msk $0xffff, v10  }
0x129: {  	v10 =	vld.idx.msk [tilespmem:v12+s29+$0x0], $0xffff  }
0x12a: {  	[tilespmem:v24+s0+$0x0] =	vst.idx.add.f32.msk $0xffff, v19  }
0x12b: {  	v14 =	vmul.f32 v16, v4;
	v4 =	vmov v21;
	[tilespmem:v25+s0+$0x0] =	vst.idx.add.f32.msk $0xffff, v18  }
0x12c: {  	v15 =	vmul.f32 v15, v5;
	v5 =	vmov v22;
	[tilespmem:v26+s0+$0x0] =	vst.idx.add.f32.msk $0xffff, v20  }
0x12d: {  	v13 =	vmul.f32 v13, v9;
	v9 =	vmov v23;
	v16 =	vld.idx.msk [tilespmem:v3+s28+$0x0], $0xffff  }
0x12e: {  	v18 =	vld.idx.msk [tilespmem:v1+s28+$0x0], $0xffff  }
0x12f: {  	v10 =	vmul.f32 v10, v11;
	v19 =	vld.idx.msk [tilespmem:v2+s28+$0x0], $0xffff  }
0x130: {  	[tilespmem:v6+s21+$0x0] =	vst.idx.add.f32.msk $0xffff, v14;
	v6 =	vmov v24  }
0x131: {  	[tilespmem:v17+s20+$0x0] =	vst.idx.add.f32.msk $0xffff, v10  }
0x132: {  	v12 =	vld.idx.msk [tilespmem:v12+s30+$0x0], $0xffff  }
0x133: {  	v10 =	vmul.f32 v16, v4;
	[tilespmem:v7+s21+$0x0] =	vst.idx.add.f32.msk $0xffff, v15;
	v7 =	vmov v25  }
0x134: {  	v14 =	vmul.f32 v18, v5;
	[tilespmem:v8+s21+$0x0] =	vst.idx.add.f32.msk $0xffff, v13;
	v8 =	vmov v26  }
0x135: {  	[tilespmem:v24+s1+$0x0] =	vst.idx.add.f32.msk $0xffff, v10;
	v10 =	vmul.f32 v19, v9  }
.Ltmp8:
0x136: {  	[tilespmem:v25+s1+$0x0] =	vst.idx.add.f32.msk $0xffff, v14;
	(pc) =	sbr.rel @p1 .LBB2_15-.Ltmp8, $4  }
0x137: {  	[tilespmem:v26+s1+$0x0] =	vst.idx.add.f32.msk $0xffff, v10  }
0x138: {  	v12 =	vmul.f32 v12, v11;
	v10 =	vld.idx.msk [tilespmem:v3+s29+$0x0], $0xffff  }
0x139: {  	v11 =	vld.idx.msk [tilespmem:v1+s29+$0x0], $0xffff  }
0x13a: {  	s18 =	simm.s32 $0xF70;
	s17 =	sadd.s32 $0x40, s17;
	[tilespmem:v17+s21+$0x0] =	vst.idx.add.f32.msk $0xffff, v12  }
0x13b: {  	_ =	sdelay $0x3  }
0x13c: {  	v12 =	vld.idx.msk [tilespmem:v2+s29+$0x0], $0xffff  }
0x13d: {  	v10 =	vmul.f32 v10, v4  }
0x13e: {  	v11 =	vmul.f32 v11, v5  }
0x13f: {  	[tilespmem:v6+s20+$0x0] =	vst.idx.add.f32.msk $0xffff, v10  }
0x140: {  	[tilespmem:v7+s20+$0x0] =	vst.idx.add.f32.msk $0xffff, v11  }
0x141: {  	v63 =	vmul.f32 v12, v9;
	v3 =	vld.idx.msk [tilespmem:v3+s30+$0x0], $0xffff  }
0x142: {  	v1 =	vld.idx.msk [tilespmem:v1+s30+$0x0], $0xffff  }
0x143: {  	[tilespmem:v8+s20+$0x0] =	vst.idx.add.f32.msk $0xffff, v63  }
0x144: {  	v2 =	vld.idx.msk [tilespmem:v2+s30+$0x0], $0xffff;
	_ =	sdelay $0x2  }
0x145: {  	v3 =	vmul.f32 v3, v4  }
0x146: {  	v1 =	vmul.f32 v1, v5  }
0x147: {  	[tilespmem:v6+s21+$0x0] =	vst.idx.add.f32.msk $0xffff, v3;
	v2 =	vmul.f32 v2, v9  }
0x148: {  	[tilespmem:v7+s21+$0x0] =	vst.idx.add.f32.msk $0xffff, v1  }
0x149: {  	[tilespmem:v8+s21+$0x0] =	vst.idx.add.f32.msk $0xffff, v2  }
.LBB2_17:
0x14a: {  	v1 =	vld [tilespmem:s14+$0x0];
	_ =	sdelay $0x5  }
0x14b: {  	v2 =	vld [tilespmem:s12+$0x0]  }
0x14c: {  	v3 =	vld [tilespmem:s15+$0x0]  }
0x14d: {  	v4 =	vld.idx.msk [tilespmem:v1+s25+$0x0], $0xffff;
	_ =	sdelay $0x4  }
0x14e: {  	v4 =	vmul.f32 v4, v3;
	_ =	sdelay $0x1  }
0x14f: {  	[tilespmem:v2+s0+$0x0] =	vst.idx.add.f32.msk $0xffff, v4  }
0x150: {  	v4 =	vld.idx.msk [tilespmem:v1+s28+$0x0], $0xffff;
	_ =	sdelay $0x4  }
0x151: {  	v4 =	vmul.f32 v4, v3;
	_ =	sdelay $0x1  }
0x152: {  	[tilespmem:v2+s1+$0x0] =	vst.idx.add.f32.msk $0xffff, v4  }
0x153: {  	v4 =	vld.idx.msk [tilespmem:v1+s29+$0x0], $0xffff;
	_ =	sdelay $0x4  }
0x154: {  	v4 =	vmul.f32 v4, v3;
	_ =	sdelay $0x1  }
0x155: {  	[tilespmem:v2+s20+$0x0] =	vst.idx.add.f32.msk $0xffff, v4  }
0x156: {  	v1 =	vld.idx.msk [tilespmem:v1+s30+$0x0], $0xffff  }
0x157: {  	s18 =	sadd.s32 $0x10, s18  }
0x158: {  	p1 =	slt.u32 s18, $0xF90  }
.Ltmp9:
0x159: {  	_ = 	snop;
	(pc) =	sbr.rel @p1 .LBB2_17-.Ltmp9, $3  }
0x15a: {  	_ = 	snop  }
0x15b: {  	v1 =	vmul.f32 v1, v3;
	_ =	sdelay $0x1  }
0x15c: {  	s15 =	sadd.s32 $0x10, s15;
	s12 =	sadd.s32 $0x10, s12;
	s14 =	sadd.s32 $0x10, s14;
	[tilespmem:v2+s21+$0x0] =	vst.idx.add.f32.msk $0xffff, v1  }
.Ltmp10:
0x15d: {  	(pc) =	sbr.rel @p0 .LBB2_20-.Ltmp10, $1  }
0x15e: {  	_ =	sdelay $0x3  }
0x15f: {  	s11 =	smul.u32 $0x1F40, s10;
	_ =	sdelay $0x1  }
0x160: {  	s11 =	sadd.s32 $0x2EE0, s11  }
0x161: {  	s12 =	sshrl.u32 s11, $0x3  }
0x162: {  	s13 =	sadd.s32 s5, s12  }
0x163: {  	[tilespmem:s22], [sflag:$0x2] =	stream.linear.gather [hbm4b:s13+s3], $0xFA0, $0x38;
	[tilespmem:$0x19C00] =	vst v63  }
.Ltmp11:
0x164: {  	s11 =	sadd.s32 s4, s11;
	(pc) =	sbr.rel .LBB2_10-.Ltmp11, $4  }
0x165: {  	s12 =	sadd.s32 s2, s12;
	s11 =	sshrl.u32 s11, $0x3  }
0x166: {  	[tilespmem:s23], [sflag:$0x2] =	stream.linear.gather [hbm4b:s12+s3], $0xFA0, $0x38;
	[tilespmem:$0x19C00] =	vst v63  }
0x167: {  	s10 =	sadd.s32 $0x1, s10;
	s11 =	sadd.s32 s6, s11  }
0x168: {  	[tilespmem:s24], [sflag:$0x2] =	stream.linear.gather [hbm4b:s11+s3], $0xFA0, $0x38;
	[tilespmem:$0x19C00] =	vst v63  }
.LBB2_21:
0x169: {  	_ =	sfence.sel $0x180000  }
0x16a: {  	[bflag:$0x0] =	sbarrier.arrive $0xFFFF  }
0x16b: {  	_ =	strace $0x9000004A  }
0x16c: {  	s0 =	stileid.u32;
	[bflag:$0x2] =	sbarrier.arrive $0xFFFF  }
0x16d: {  	p0 =	sne.s32 s0, $0x0;
	s0 =	rddreg [dreg:$0x2]  }
0x16e: {  	s0 =	sadd.s32 @!p0 $0x100000, s0  }
0x16f: {  	[sflag:s0] =	ssyncadd.tile.s32 @!p0 $0x1;
	_ =	shalt  }
.Lfunc_end2:
_tile_overlayer_lowered:
.L_overlay_start_2:
0x170: {  	(tag) =	ssettag $0x2  }
0x171: {  	s0 =	rddreg [dreg:$0x0];
	s2 =	stileid.u32  }
0x172: {  	s1 =	rddreg [dreg:$0x1];
	p0 =	sne.s32 s2, $0x0  }
0x173: {  	s3 =	rddreg [dreg:$0x2];
	[bflag:$0x3] =	sbarrier.arrive $0xFFFF;
	s2 =	simm.s32 @!p0 $0x1C03  }
0x174: {  	[timem:s3], [sflag:s2] =	dma.local @!p0 [hbm:s0], s1  }
0x175: {  	s0 =	simm.s32 @!p0 $0x3  }
0x176: {  	_ =	swait.ge @!p0 [sflag:s0], s1  }
0x177: {  	s1 =	ssub.s32 @!p0 $0x0, s1;
	[sflag:s0] =	ssyncset.done @!p0 $0x0  }
0x178: {  	[sflag:s0] =	ssyncadd.s32 @!p0 s1  }
0x179: {  	[bflag:$0x3] =	sbarrier.arrive $0xFFFF  }
0x17a: {  	_ =	shalt  }

// kernel: kernel.7.cloned.1.call-start
scs
__scs_entry_jumppad:
0x0: {  	(pc) =	sbr.rel $0x88, $3  }
0x1: {  	(tag) =	ssettag $0x0;
	lr =	simm.s32 $0x1  }
0x2: {  	[smem:$0x3F96] =	sst lr;
	_ =	strace $0xD0000000  }
0x3: {  	_ = 	snop  }
0x4: {  	_ = 	snop  }
0x5: {  	_ = 	snop  }
0x6: {  	_ = 	snop  }
0x7: {  	_ = 	snop  }
__scs_overlays_trampoline_lowered:
0x8: {  	[smem:$0x3FA5] =	sst s0  }
0x9: {  	[smem:$0x3FA6] =	sst s1  }
0xa: {  	[smem:$0x3FA7] =	sst s2  }
0xb: {  	[smem:$0x3FA8] =	sst s3  }
0xc: {  	[smem:$0x3FA9] =	sst s4  }
0xd: {  	[smem:$0x3FAA] =	sst s5  }
0xe: {  	[smem:$0x3FAB] =	sst s6  }
0xf: {  	[smem:$0x3FAC] =	sst s7  }
0x10: {  	[smem:$0x3FAD] =	sst s8  }
0x11: {  	[smem:$0x3FAE] =	sst s9;
	s0 =	simm.s32 @!p0 $0x0  }
0x12: {  	s1 =	sld [smem:$0x3F94];
	s0 =	simm.s32 @p0 $0x1  }
0x13: {  	[smem:$0x3FAF] =	sst s0;
	s0 =	simm.s32 @!p1 $0x0  }
0x14: {  	s2 =	sld [smem:$0x3F93];
	s0 =	simm.s32 @p1 $0x1  }
0x15: {  	[smem:$0x3FB0] =	sst s0;
	s0 =	simm.s32 @!p2 $0x0  }
0x16: {  	s3 =	sld [smem:$0x3FDB];
	s0 =	simm.s32 @p2 $0x1  }
0x17: {  	s4 =	simm.s32 $0x1BF5;
	[smem:$0x3FB2] =	sst s0  }
0x18: {  	s0 =	sld [smem:$0x3F95];
	_ =	swait.ge [sflag:s4], $0x0  }
0x19: {  	s7 =	sld [smem:$0x3F96]  }
0x1a: {  	s8 =	sadd.s32 $0xFFFFE003, lr  }
0x1b: {  	s9 =	sadd.s32 $0xFFFFFEF7, lr;
	s5 =	simm.s32 $0xFFFFFFFF;
	p2 =	slt.u32 s8, $0xFFFFF086  }
0x1c: {  	p1 =	slt.u32 s9, $0xF7A;
	s5 =	simm.s32 @!p2 $0x0  }
0x1d: {  	s5 =	simm.s32 @p1 $0x1;
	p0 =	seq.s32 s7, s2  }
0x1e: {  	s7 =	smul.u32 @!p0 $0xF7A, s2;
	p2 =	seq.s32 @!p0 s5, $0x0  }
0x1f: {  	s9 =	smul.u32 $0xF7A, s1;
	s8 =	simm.s32 @!p0 $0x1BF5;
	p2 =	por !p2, p0  }
0x20: {  	[sflag:s8] =	ssyncset.s32 @!p0 $0xFFFFF086;
	s6 =	sadd.s32 @!p0 s3, s7;
	s7 =	simm.s32 @!p0 $0x108  }
0x21: {  	s3 =	sadd.s32 s3, s9;
	s6 =	sadd.s32 @!p0 $0x88, s6;
	s7 =	simm.s32 @p2 $0x1082  }
0x22: {  	[simem:s7], [sflag:s8] =	dma.local @!p0 [hbm:s6], $0xF7A  }
0x23: {  	s9 =	sor.u32 $0xD0000000, s2;
	s6 =	simm.s32 $0x108;
	_ =	swait.ge @!p0 [sflag:s8], $0x0  }
0x24: {  	s3 =	sadd.s32 $0x88, s3;
	s6 =	simm.s32 @!p1 $0x1082;
	[sflag:s4] =	ssyncset.s32 $0xFFFFF086  }
0x25: {  	[simem:s6], [sflag:s4] =	dma.local [hbm:s3], $0xF7A  }
0x26: {  	[smem:$0x3F96] =	sst s1;
	(tag) =	ssettag s2;
	_ =	strace s9  }
0x27: {  	s1 =	sld [smem:$0x3FA6]  }
0x28: {  	s2 =	sld [smem:$0x3FA7]  }
0x29: {  	s4 =	sld [smem:$0x3FA9]  }
0x2a: {  	p0 =	seq.s32 s5, $0x0;
	s5 =	sld [smem:$0x3FAA]  }
0x2b: {  	s6 =	sld [smem:$0x3FAB]  }
0x2c: {  	s7 =	sld [smem:$0x3FAC]  }
0x2d: {  	s3 =	simm.s32 $0x108;
	s8 =	sld [smem:$0x3FAD]  }
0x2e: {  	s3 =	simm.s32 @!p0 $0x1082;
	s9 =	sld [smem:$0x3FAE]  }
0x2f: {  	lr =	sadd.s32 s0, s3;
	s0 =	sld [smem:$0x3FA5]  }
0x30: {  	s3 =	sld [smem:$0x3FA8]  }
0x31: {  	[smem:$0x3FB1] =	sst s10  }
0x32: {  	s10 =	sld [smem:$0x3FAF];
	_ =	sdelay $0x3  }
0x33: {  	p0 =	seq.s32 s10, $0x1;
	s10 =	sld [smem:$0x3FB1];
	_ =	sdelay $0x3  }
0x34: {  	[smem:$0x3FB1] =	sst s10  }
0x35: {  	s10 =	sld [smem:$0x3FB0];
	_ =	sdelay $0x3  }
0x36: {  	p1 =	seq.s32 s10, $0x1;
	s10 =	sld [smem:$0x3FB1];
	_ =	sdelay $0x3  }
0x37: {  	[smem:$0x3FB1] =	sst s10  }
0x38: {  	s10 =	sld [smem:$0x3FB2]  }
0x39: {  	_ = 	snop;
	(pc) =	sbr.ind lr, $3  }
0x3a: {  	_ = 	snop  }
0x3b: {  	_ = 	snop  }
0x3c: {  	p2 =	seq.s32 s10, $0x1;
	s10 =	sld [smem:$0x3FB1]  }
0x3d: {  	_ =	shalt  }
0x3e: {  	_ =	shalt  }
0x3f: {  	_ =	shalt  }
0x40: {  	_ =	shalt  }
0x41: {  	_ =	shalt  }
0x42: {  	_ =	shalt  }
0x43: {  	_ =	shalt  }
0x44: {  	_ =	shalt  }
0x45: {  	_ =	shalt  }
0x46: {  	_ =	shalt  }
0x47: {  	_ =	shalt  }
0x48: {  	_ =	shalt  }
0x49: {  	_ =	shalt  }
0x4a: {  	_ =	shalt  }
0x4b: {  	_ =	shalt  }
0x4c: {  	_ =	shalt  }
0x4d: {  	_ =	shalt  }
0x4e: {  	_ =	shalt  }
0x4f: {  	_ =	shalt  }
0x50: {  	_ =	shalt  }
0x51: {  	_ =	shalt  }
0x52: {  	_ =	shalt  }
0x53: {  	_ =	shalt  }
0x54: {  	_ =	shalt  }
0x55: {  	_ =	shalt  }
0x56: {  	_ =	shalt  }
0x57: {  	_ =	shalt  }
0x58: {  	_ =	shalt  }
0x59: {  	_ =	shalt  }
0x5a: {  	_ =	shalt  }
0x5b: {  	_ =	shalt  }
0x5c: {  	_ =	shalt  }
0x5d: {  	_ =	shalt  }
0x5e: {  	_ =	shalt  }
0x5f: {  	_ =	shalt  }
0x60: {  	_ =	shalt  }
0x61: {  	_ =	shalt  }
0x62: {  	_ =	shalt  }
0x63: {  	_ =	shalt  }
0x64: {  	_ =	shalt  }
0x65: {  	_ =	shalt  }
0x66: {  	_ =	shalt  }
0x67: {  	_ =	shalt  }
0x68: {  	_ =	shalt  }
0x69: {  	_ =	shalt  }
0x6a: {  	_ =	shalt  }
0x6b: {  	_ =	shalt  }
0x6c: {  	_ =	shalt  }
0x6d: {  	_ =	shalt  }
0x6e: {  	_ =	shalt  }
0x6f: {  	_ =	shalt  }
0x70: {  	_ =	shalt  }
0x71: {  	_ =	shalt  }
0x72: {  	_ =	shalt  }
0x73: {  	_ =	shalt  }
0x74: {  	_ =	shalt  }
0x75: {  	_ =	shalt  }
0x76: {  	_ =	shalt  }
0x77: {  	_ =	shalt  }
0x78: {  	_ =	shalt  }
0x79: {  	_ =	shalt  }
0x7a: {  	_ =	shalt  }
0x7b: {  	_ =	shalt  }
0x7c: {  	_ =	shalt  }
0x7d: {  	_ =	shalt  }
0x7e: {  	_ =	shalt  }
0x7f: {  	_ =	shalt  }
0x80: {  	_ =	shalt  }
0x81: {  	_ =	shalt  }
0x82: {  	_ =	shalt  }
0x83: {  	_ =	shalt  }
0x84: {  	_ =	shalt  }
0x85: {  	_ =	shalt  }
0x86: {  	_ =	shalt  }
0x87: {  	_ =	shalt  }
.Lfunc_end0:
.L_simem_size_0:
called_computation_lowered:
.L_overlay_start_0:
0x88: {  	s2 =	sld [smem:$0x3FD9]  }
0x89: {  	s3 =	sld [smem:$0x3FFE];
	_ =	sdelay $0x1  }
0x8a: {  	s1 =	srdreg.scid  }
0x8b: {  	s0 =	sand.u32 $0x1, s1  }
0x8c: {  	s17 =	sshll.u32 s0, $0xA;
	s2 =	sadd.s32 s3, s2  }
0x8d: {  	s2 =	sadd.s32 s2, s17  }
0x8e: {  	[smem:$0x3FBD] =	sst s2  }
0x8f: {  	_ = 	snop  }
0x90: {  	s2 =	sld [smem:$0x3FD0];
	(tm) =	ssettm $0x1  }
0x91: {  	s18 =	sld [smem:$0x3FFB];
	_ =	sdelay $0x3  }
0x92: {  	_ =	strace s18  }
0x93: {  	s3 =	sld [smem:$0x3FFC];
	_ =	sdelay $0x3  }
0x94: {  	_ =	strace s3  }
0x95: {  	s3 =	sld [smem:$0x3FFD];
	_ =	sdelay $0x3  }
0x96: {  	_ =	strace s3  }
0x97: {  	_ =	strace $0x8FFFFFFF  }
0x98: {  	s19 =	sld [smem:$0x3FDB];
	_ =	sdelay $0x1  }
0x99: {  	s4 =	simm.s32 $_scs_section_size  }
0x9a: {  	s5 =	simm.s32 $_size__tile_overlayer_lowered;
	s6 =	simm.s32 $_tile_overlayer_lowered  }
0x9b: {  	s22 =	simm.s32 $0x1BFF;
	s21 =	sshll.u32 s6, $0x1;
	s3 =	sadd.s32 s4, s19  }
0x9c: {  	s7 =	simm.s32 $0x0;
	s20 =	sshll.u32 s5, $0x1;
	s5 =	sadd.s32 s21, s3  }
0x9d: {  	[timem:s7], [sflag:s22] =	dma.local [hbm:s5], s20  }
0x9e: {  	_ =	swait.ge [sflag:s22], s20  }
0x9f: {  	s4 =	ssub.s32 $0x0, s20;
	[sflag:s22] =	ssyncset.done $0x0  }
0xa0: {  	[sflag:s22] =	ssyncadd.s32 s4;
	_ =	sdelay $0x1  }
0xa1: {  	s23 =	simm.s32 $0x1B8B  }
0xa2: {  	_ =	swait.ge [sflag:s23], $0x1  }
0xa3: {  	[sflag:s23] =	ssyncset.done $0x0  }
0xa4: {  	s25 =	simm.s32 $0x1B8E;
	s24 =	sld [smem:$0x3FFE];
	[sflag:s23] =	ssyncadd.s32 $0xFFFFFFFF  }
0xa5: {  	s26 =	simm.s32 $execute0_lowered;
	[smem:$0x3FD2] =	sst s25  }
0xa6: {  	s5 =	sshll.u32 s26, $0x1;
	_ =	strace $0x80000046;
	[dreg:$0x1] =	wrdreg $0xFFFFFFFF  }
0xa7: {  	s28 =	simm.s32 $_size_execute0_lowered;
	s3 =	sadd.s32 s3, s5;
	[dreg:$0x0] =	wrdreg $0x0  }
0xa8: {  	s5 =	sshll.u32 s28, $0x1;
	[dreg:$0x2] =	wrdreg s3  }
0xa9: {  	[dreg:$0x3] =	wrdreg s5  }
0xaa: {  	[dreg:$0x4] =	wrdreg $0xC0  }
0xab: {  	_ =	task [dreg:s7], $0x5FFFF  }
0xac: {  	[dreg:$0x1] =	wrdreg $0xFFFFFFFF  }
0xad: {  	[dreg:$0x0] =	wrdreg $0x60  }
0xae: {  	[dreg:$0x2] =	wrdreg s24  }
0xaf: {  	[dreg:$0x3] =	wrdreg s2  }
0xb0: {  	[dreg:$0x4] =	wrdreg $0x9  }
0xb1: {  	_ =	task.clear_ibuf [dreg:s7], $0x5FFFF;
	_ =	strace $0x90000046  }
0xb2: {  	s29 =	simm.s32 $0x9;
	_ =	strace $0x80000048  }
0xb3: {  	_ =	swait.ge [sflag:s29], $0x1  }
0xb4: {  	[sflag:s29] =	ssyncadd.s32 $0xFFFFFFFF  }
0xb5: {  	_ =	strace $0x90000048  }
0xb6: {  	_ =	sfence  }
0xb7: {  	s30 =	sld [smem:$0x0];
	_ =	sdelay $0x2  }
0xb8: {  	s31 =	sshll.u32 s1, $0xD;
	s1 =	sshrl.u32 s1, $0x2  }
0xb9: {  	s3 =	sand.u32 $0x4000, s31;
	s1 =	sadd.s32 s1, s30  }
0xba: {  	s0 =	sor.u32 s3, s0;
	s1 =	sshll.u32 s1, $0x11  }
0xbb: {  	s0 =	sor.u32 s1, s0  }
0xbc: {  	s0 =	sadd.s32 $0x8F2B, s0  }
0xbd: {  	[sflag:s0] =	ssyncadd.remote.s32 $0x1  }
0xbe: {  	_ =	sfence.sel $0xFFFF  }
0xbf: {  	[dreg:$0x0] =	wrdreg $0xFFFFFFFF;
	(pc) =	sbr.abs _section_cstart, $3  }
0xc0: {  	[dreg:$0x1] =	wrdreg $0xFFFFFFFF  }
0xc1: {  	_ =	task.clear_ibuf [dreg:s7], $0x2FFFF;
	_ =	strace $0x9FFFFFFF  }
0xc2: {  	(tm) =	ssettm $0x7FFFFFFF  }
0xc3: {  	_ =	shalt  }
tec
execute0_lowered:
.L_overlay_start_1:
0x0: {  	(tag) =	ssettag $0x1  }
0x1: {  	s2 =	rddreg [dreg:$0x0]  }
0x2: {  	s0 =	rddreg [dreg:$0x1];
	s3 =	simm.s32 $0x0;
	s10 =	stileid.u32  }
0x3: {  	s1 =	srdreg.scid;
	s28 =	simm.s32 $0x1000;
	s29 =	simm.s32 $0x3000  }
0x4: {  	s30 =	simm.s32 $0x5000;
	s31 =	simm.s32 $0xCF00;
	[smem:$0x7FF] =	sst s3  }
0x5: {  	s1 =	sand.u32 $0x1, s1;
	s4 =	sshll.u32 s10, $0x1;
	s8 =	sand.u32 $0xE, s10  }
0x6: {  	s13 =	sshrl.u32 s10, $0x1;
	_ =	strace $0x80000047;
	s5 =	sor.u32 s1, s4  }
0x7: {  	s4 =	sadd.s32 $0x9E00, s2;
	s8 =	sadd.s32 s8, s2;
	s17 =	smul.u32 $0x2800, s13  }
0x8: {  	s1 =	ssub.s32 $0x2, s1;
	s19 =	smul.u32 $0x500, s13;
	p0 =	sne.s32 s13, $0x0  }
0x9: {  	s6 =	smul.u32 $0x4E2, s5;
	s7 =	sand.u32 $0x3, s5;
	s5 =	sadd.s32 $0x13C00, s2  }
0xa: {  	s23 =	sshrl.u32 s1, $0x1;
	s22 =	sadd.s32 $0x89E00, s8;
	s9 =	smul.u32 $0x4E2, s7  }
0xb: {  	s8 =	simm.s32 $0x8000;
	s12 =	smul.u32 $0x13880, s7;
	s7 =	sadd.s32 $0x9F000, s2  }
0xc: {  	s1 =	ssub.s32 s1, s23;
	s17 =	sshrl.u32 s17, $0x3;
	[dreg:$0xb] =	wrdreg s22  }
0xd: {  	s11 =	sadd.s32 s6, s2;
	s6 =	smul.u32 $0x4E200, s13;
	s20 =	sadd.s32 s0, s17  }
0xe: {  	s0 =	sadd.s32 s0, s19;
	s13 =	simm.s32 $0x7000;
	s9 =	sadd.s32 s9, s2  }
0xf: {  	s14 =	sshrl.u32 s12, $0x3;
	s26 =	sadd.s32 $0xFA0, s12;
	[dreg:$0x9] =	wrdreg s0  }
0x10: {  	s21 =	sadd.s32 $0x2800, s20;
	s20 =	sadd.s32 $0x2EE0, s12;
	s23 =	sadd.s32 $0x8A000, s11  }
0x11: {  	s0 =	simm.s32 $0x5;
	s24 =	sadd.s32 s4, s14;
	[dreg:$0xa] =	wrdreg s21  }
0x12: {  	s25 =	sadd.s32 s2, s14;
	s10 =	sadd.s32 s6, s12;
	[dreg:$0xc] =	wrdreg s23  }
0x13: {  	s16 =	sshrl.u32 s26, $0x3;
	s14 =	sadd.s32 s6, s26;
	[dreg:$0x3] =	wrdreg s24  }
0x14: {  	s26 =	smax.u32 s1, $0x1;
	s1 =	simm.s32 $0xF680;
	[dreg:$0x4] =	wrdreg s25  }
0x15: {  	s15 =	sshrl.u32 s10, $0x3;
	s18 =	sadd.s32 s4, s16;
	s14 =	sshrl.u32 s14, $0x3  }
0x16: {  	s16 =	sadd.s32 s2, s16;
	s19 =	sadd.s32 $0xFA0, s10;
	[dreg:$0xf] =	wrdreg s26  }
0x17: {  	s24 =	sadd.s32 $0x93E00, s11;
	s25 =	sadd.s32 $0x9DC00, s9;
	[dreg:$0x6] =	wrdreg s18  }
.Ltmp0:
0x18: {  	s26 =	simm.s32 $0x1;
	[dreg:$0x7] =	wrdreg s16;
	(pc) =	sbr.rel .LBB2_1-.Ltmp0, $4  }
0x19: {  	s9 =	simm.s32 $0xA780;
	s11 =	simm.s32 $0x6000;
	[dreg:$0xd] =	wrdreg s24  }
0x1a: {  	s15 =	sadd.s32 s5, s15;
	s14 =	sadd.s32 s5, s14;
	[dreg:$0xe] =	wrdreg s25  }
0x1b: {  	s18 =	sadd.s32 $0x1F40, s12;
	s25 =	simm.s32 $0x11E00;
	[dreg:$0x5] =	wrdreg s15  }
0x1c: {  	v0 =	vimm.f32 $0.0e+00;
	v1 =	vimm.f32 $1.000000000e+00;
	s12 =	simm.s32 $0x2;
	s16 =	simm.s32 $0x0;
	[dreg:$0x8] =	wrdreg s14  }
.LBB2_28:
0x1d: {  	s14 =	simm.s32 $0x3  }
0x1e: {  	_ =	swait.ge [sflag:s14], $0xFA0  }
0x1f: {  	[sflag:s14] =	ssyncset.done $0x0  }
0x20: {  	s21 =	simm.s32 $0x4;
	[sflag:s14] =	ssyncadd.s32 $0xFFFFF060  }
0x21: {  	_ =	swait.ge [sflag:s21], $0xFA0  }
0x22: {  	[sflag:s21] =	ssyncset.done $0x0  }
0x23: {  	s22 =	rddreg [dreg:$0xc];
	[sflag:s21] =	ssyncadd.s32 $0xFFFFF060  }
0x24: {  	[hbm4b:s22+s3] =	stream.linear.scatter [tilespmem:s25], [sflag:$0x5], $0x2710, $0x38;
	[tilespmem:$0x14600] =	vst v63  }
0x25: {  	_ =	swait.ge [sflag:s0], $0x2710  }
0x26: {  	[sflag:s0] =	ssyncset.done $0x0  }
0x27: {  	s23 =	rddreg [dreg:$0xd];
	[sflag:s0] =	ssyncadd.s32 $0xFFFFD8F0  }
0x28: {  	[hbm4b:s23+s3] =	stream.linear.scatter [tilespmem:s8], [sflag:$0x5], $0x2710, $0x38;
	[tilespmem:$0x14600] =	vst v63  }
0x29: {  	_ =	swait.ge [sflag:s0], $0x2710  }
0x2a: {  	s15 =	simm.s32 @!p0 $0xA780;
	[sflag:s0] =	ssyncset.done $0x0  }
0x2b: {  	s14 =	simm.s32 @!p0 $0x0;
	s17 =	rddreg [dreg:$0xe];
	[sflag:s0] =	ssyncadd.s32 $0xFFFFD8F0  }
0x2c: {  	[hbm4b:s17+s14] =	stream.linear.scatter @!p0 [tilespmem:s15], [sflag:$0x5], $0x2710, $0x38;
	[tilespmem:$0x14600] =	vst v63  }
0x2d: {  	s14 =	simm.s32 @!p0 $0x5  }
0x2e: {  	_ =	swait.ge @!p0 [sflag:s14], $0x2710  }
0x2f: {  	s16 =	sadd.s32 $0x1, s16;
	s24 =	rddreg [dreg:$0xf]  }
0x30: {  	p1 =	sne.s32 s16, s24  }
.Ltmp1:
0x31: {  	_ = 	snop;
	(pc) =	sbr.rel @!p1 .LBB2_29-.Ltmp1, $3  }
0x32: {  	_ =	sdelay $0x1  }
0x33: {  	[sflag:s14] =	ssyncset.done @!p0 $0x0  }
0x34: {  	[sflag:s14] =	ssyncadd.s32 @!p0 $0xFFFFD8F0  }
.LBB2_1:
0x35: {  	s14 =	rddreg [dreg:$0x3]  }
0x36: {  	[tilespmem:s3], [sflag:$0x1] =	stream.linear.gather [hbm4b:s14+s3], $0xFA0, $0x38;
	[tilespmem:$0x14600] =	vst v63  }
0x37: {  	s21 =	rddreg [dreg:$0x4];
	s15 =	simm.s32 $0x2000  }
0x38: {  	[tilespmem:s15], [sflag:$0x1] =	stream.linear.gather [hbm4b:s21+s3], $0xFA0, $0x38;
	[tilespmem:$0x14600] =	vst v63  }
0x39: {  	s22 =	rddreg [dreg:$0x5];
	s23 =	simm.s32 $0x4000  }
0x3a: {  	[tilespmem:s23], [sflag:$0x1] =	stream.linear.gather [hbm4b:s22+s3], $0xFA0, $0x38;
	[tilespmem:$0x14600] =	vst v63  }
0x3b: {  	s24 =	rddreg [dreg:$0x6]  }
0x3c: {  	[tilespmem:s28], [sflag:$0x2] =	stream.linear.gather [hbm4b:s24+s3], $0xFA0, $0x38;
	[tilespmem:$0x14600] =	vst v63  }
0x3d: {  	s15 =	rddreg [dreg:$0x7]  }
0x3e: {  	[tilespmem:s29], [sflag:$0x2] =	stream.linear.gather [hbm4b:s15+s3], $0xFA0, $0x38;
	[tilespmem:$0x14600] =	vst v63  }
0x3f: {  	s17 =	rddreg [dreg:$0x8]  }
0x40: {  	[tilespmem:s30], [sflag:$0x2] =	stream.linear.gather [hbm4b:s17+s3], $0xFA0, $0x38;
	[tilespmem:$0x14600] =	vst v63  }
0x41: {  	s21 =	rddreg [dreg:$0x9]  }
0x42: {  	[tilespmem:s31], [sflag:$0x5] =	stream.linear.gather [hbm4b:s21+s3], $0x2710, $0x38;
	[tilespmem:$0x14600] =	vst v63  }
0x43: {  	_ =	swait.ge [sflag:s0], $0x2710  }
0x44: {  	[sflag:s0] =	ssyncset.done $0x0  }
0x45: {  	s22 =	rddreg [dreg:$0xa];
	[sflag:s0] =	ssyncadd.s32 $0xFFFFD8F0  }
0x46: {  	[tilespmem:s1], [sflag:$0x5] =	stream.linear.gather [hbm4b:s22+s3], $0x2710, $0x38;
	[tilespmem:$0x14600] =	vst v63  }
0x47: {  	_ =	swait.ge [sflag:s0], $0x2710  }
0x48: {  	[sflag:s0] =	ssyncset.done $0x0  }
0x49: {  	s24 =	simm.s32 $0x14580;
	s23 =	rddreg [dreg:$0xb];
	[sflag:s0] =	ssyncadd.s32 $0xFFFFD8F0  }
0x4a: {  	[tilespmem:s24], [sflag:$0x5] =	stream.linear.gather [hbm4b:s23+s3], $0x10, $0x38;
	[tilespmem:$0x14600] =	vst v63  }
0x4b: {  	_ =	swait.ge [sflag:s0], $0x10  }
0x4c: {  	[sflag:s0] =	ssyncset.done $0x0  }
0x4d: {  	s14 =	simm.s32 $0x40;
	s15 =	simm.s32 $0x0;
	[sflag:s0] =	ssyncadd.s32 $0xFFFFFFF0  }
.LBB2_2:
0x4e: {  	p1 =	sne.s32 s14, $0x9C00;
	[tilespmem:s15+$0x11E00] =	vst v0;
	s15 =	smov.u32 s14;
	s14 =	sadd.s32 $0x40, s14  }
.Ltmp2:
0x4f: {  	(pc) =	sbr.rel @p1 .LBB2_2-.Ltmp2, $2  }
0x50: {  	_ =	sdelay $0x2  }
0x51: {  	s15 =	sshra.s32 s15, $0x2  }
0x52: {  	[tilespmem:s15+$0x11E00] =	vst v0;
	s14 =	simm.s32 $0x0;
	s15 =	simm.s32 $0x40;
	s17 =	simm.s32 $0x0  }
.LBB2_4:
0x53: {  	p1 =	sne.s32 s15, $0x9C00;
	[tilespmem:s17+$0x8000] =	vst v0;
	s17 =	smov.u32 s15;
	s15 =	sadd.s32 $0x40, s15  }
.Ltmp3:
0x54: {  	(pc) =	sbr.rel @p1 .LBB2_4-.Ltmp3, $2  }
0x55: {  	_ =	sdelay $0x2  }
0x56: {  	s17 =	sshra.s32 s17, $0x2  }
0x57: {  	[tilespmem:s17+$0x8000] =	vst v0  }
.LBB2_6:
0x58: {  	p1 =	sne.s32 s14, $0x9C00  }
.Ltmp4:
0x59: {  	_ = 	snop;
	(pc) =	sbr.rel @p1 .LBB2_6-.Ltmp4, $3  }
0x5a: {  	_ =	sdelay $0x1  }
0x5b: {  	s15 =	sshra.s32 s14, $0x2  }
0x5c: {  	s14 =	sadd.s32 $0x40, s14;
	[tilespmem:s15+$0xA780] =	vst v0  }
0x5d: {  	s17 =	simm.s32 $0x0  }
.LBB2_8:
0x5e: {  	_ =	swait.ge [sflag:s26], $0xFA0  }
0x5f: {  	[sflag:s26] =	ssyncset.done $0x0  }
0x60: {  	[sflag:s26] =	ssyncadd.s32 $0xFFFFF060  }
0x61: {  	_ =	swait.ge [sflag:s26], $0xFA0  }
0x62: {  	[sflag:s26] =	ssyncset.done $0x0  }
0x63: {  	[sflag:s26] =	ssyncadd.s32 $0xFFFFF060  }
0x64: {  	_ =	swait.ge [sflag:s26], $0xFA0  }
0x65: {  	p1 =	seq.s32 s17, $0x0;
	[sflag:s26] =	ssyncset.done $0x0  }
0x66: {  	s14 =	simm.s32 @!p1 $0x3;
	[sflag:s26] =	ssyncadd.s32 $0xFFFFF060  }
0x67: {  	_ =	swait.ge @!p1 [sflag:s14], $0xFA0  }
0x68: {  	[sflag:s14] =	ssyncset.done @!p1 $0x0  }
0x69: {  	s23 =	simm.s32 $0x20;
	[sflag:s14] =	ssyncadd.s32 @!p1 $0xFFFFF060  }
0x6a: {  	s15 =	simm.s32 $0x2020;
	v2 =	vld [tilespmem:s23+$0x10]  }
0x6b: {  	v6 =	vld [tilespmem:s15+$0x10];
	_ =	sdelay $0x2  }
0x6c: {  	v11 =	vld [tilespmem:s15+$0xFFFFFFE0]  }
0x6d: {  	v3 =	vld [tilespmem:s23+$0xFFFFFFF0]  }
0x6e: {  	v13 =	vld [tilespmem:s15+$0xFFFFFFF0]  }
0x6f: {  	v5 =	vld [tilespmem:s23+$0xFFFFFFE0]  }
0x70: {  	v2 =	vld.idx.msk [tilespmem:v2+s31+$0x0], $0xffff  }
0x71: {  	s21 =	simm.s32 $0x4020;
	v4 =	vld.idx.msk [tilespmem:v6+s1+$0x0], $0xffff  }
0x72: {  	v7 =	vld [tilespmem:s21+$0x10]  }
0x73: {  	v8 =	vld [tilespmem:s23+$0x0]  }
0x74: {  	v16 =	vld [tilespmem:s15+$0x0]  }
0x75: {  	v9 =	vld [tilespmem:$0x14580]  }
0x76: {  	v14 =	vld [tilespmem:s21+$0xFFFFFFE0];
	v2 =	vadd.f32 v4, v2  }
0x77: {  	v15 =	vld [tilespmem:s21+$0xFFFFFFF0]  }
0x78: {  	v3 =	vld.idx.msk [tilespmem:v3+s31+$0x0], $0xffff;
	v2 =	vadd.f32 v2, v7  }
0x79: {  	v5 =	vld.idx.msk [tilespmem:v5+s31+$0x0], $0xffff  }
0x7a: {  	v12 =	vld.idx.msk [tilespmem:v13+s1+$0x0], $0xffff;
	v10 =	vmul.f32 $2.000000030e-01, v2  }
0x7b: {  	v4 =	vld.idx.msk [tilespmem:v11+s1+$0x0], $0xffff  }
0x7c: {  	v8 =	vld.idx.msk [tilespmem:v8+s31+$0x0], $0xffff;
	v2 =	vmax.f32 v2, v10  }
0x7d: {  	s24 =	simm.s32 $0x60;
	v10 =	vld.idx.msk [tilespmem:v16+s1+$0x0], $0xffff;
	v2 =	vsub.f32 v2, v9  }
0x7e: {  	v20 =	vld [tilespmem:s24+$0xFFFFFFF0]  }
0x7f: {  	v21 =	vld [tilespmem:s24+$0x0];
	v2 =	vmul.f32 $1.442695020e+00, v2  }
0x80: {  	v17 =	vld [tilespmem:s21+$0x0];
	s21 =	simm.s32 $0x2060;
	v4 =	vadd.f32 v4, v5  }
0x81: {  	v5 =	vld [tilespmem:s21+$0x10];
	(erf) = vpow2.f32 v2;
	v2 =	vadd.f32 v12, v3  }
0x82: {  	v3 =	vadd.f32 v10, v8;
	v8 =	vadd.f32 v4, v14  }
0x83: {  	v58 =	vld [tilespmem:s24+$0xFFFFFFE0]  }
0x84: {  	v12 =	vld [tilespmem:s24+$0x10];
	v10 =	vadd.f32 v2, v15;
	v18 =	vmul.f32 $2.000000030e-01, v8  }
0x85: {  	v4 =	vld [tilespmem:s21+$0xFFFFFFF0]  }
0x86: {  	v20 =	vld.idx.msk [tilespmem:v20+s31+$0x0], $0xffff;
	v19 =	vadd.f32 v3, v17;
	v3 =	vmul.f32 $2.000000030e-01, v10;
	v8 =	vmax.f32 v8, v18  }
0x87: {  	v21 =	vld.idx.msk [tilespmem:v21+s31+$0x0], $0xffff;
	v8 =	vsub.f32 v8, v9  }
0x88: {  	v2 =	vld [tilespmem:s21+$0xFFFFFFE0];
	v57 =	vmul.f32 $2.000000030e-01, v19;
	v10 =	vmax.f32 v10, v3  }
0x89: {  	v22 =	vld.idx.msk [tilespmem:v5+s1+$0x0], $0xffff;
	v10 =	vsub.f32 v10, v9;
	v8 =	vmul.f32 $1.442695020e+00, v8  }
0x8a: {  	v3 =	vld [tilespmem:s21+$0x0];
	v18 =	vmax.f32 v19, v57  }
0x8b: {  	v19 =	vld.idx.msk [tilespmem:v58+s31+$0x0], $0xffff;
	v9 =	vsub.f32 v18, v9;
	v59 =	vpop (erf);
	v10 =	vmul.f32 $1.442695020e+00, v10;
	(erf) = vpow2.f32 v8  }
0x8c: {  	v12 =	vld.idx.msk [tilespmem:v12+s31+$0x0], $0xffff  }
0x8d: {  	s23 =	simm.s32 $0x4060;
	v23 =	vld.idx.msk [tilespmem:v4+s1+$0x0], $0xffff;
	v9 =	vmul.f32 $1.442695020e+00, v9;
	(erf) = vpow2.f32 v10  }
0x8e: {  	v8 =	vld [tilespmem:s23+$0xFFFFFFE0]  }
0x8f: {  	s22 =	simm.s32 $0x6020;
	(erf) = vpow2.f32 v9;
	v9 =	vld [tilespmem:s23+$0x10]  }
0x90: {  	[tilespmem:s22+$0x10] =	vst v59;
	v60 =	vld.idx.msk [tilespmem:v2+s1+$0x0], $0xffff  }
0x91: {  	[tilespmem:v6+s25+$0x0] =	vst.idx.add.f32.msk $0xffff, v59  }
0x92: {  	[tilespmem:v6+s8+$0x0] =	vst.idx.add.f32.msk $0xffff, v7;
	v6 =	vadd.f32 v22, v12  }
0x93: {  	v10 =	vld [tilespmem:$0x14580]  }
0x94: {  	v7 =	vld [tilespmem:s23+$0xFFFFFFF0];
	v24 =	vadd.f32 v6, v9;
	v12 =	vpop (erf)  }
0x95: {  	v61 =	vld.idx.msk [tilespmem:v3+s1+$0x0], $0xffff;
	[tilespmem:s22+$0xFFFFFFE0] =	vst v12  }
0x96: {  	v27 =	vmul.f32 $2.000000030e-01, v24;
	v25 =	vpop (erf);
	[tilespmem:v11+s25+$0x0] =	vst.idx.add.f32.msk $0xffff, v12  }
0x97: {  	v6 =	vld [tilespmem:s23+$0x0];
	[tilespmem:s22+$0xFFFFFFF0] =	vst v25  }
0x98: {  	v18 =	vadd.f32 v60, v19;
	v26 =	vpop (erf);
	v62 =	vmax.f32 v24, v27;
	[tilespmem:v11+s8+$0x0] =	vst.idx.add.f32.msk $0xffff, v14  }
0x99: {  	v20 =	vadd.f32 v23, v20;
	[tilespmem:s22+$0x0] =	vst v26;
	v19 =	vsub.f32 v62, v10  }
0x9a: {  	v12 =	vadd.f32 v18, v8;
	v14 =	vadd.f32 v61, v21;
	[tilespmem:v13+s25+$0x0] =	vst.idx.add.f32.msk $0xffff, v25  }
0x9b: {  	v11 =	vadd.f32 v20, v7;
	[tilespmem:v13+s8+$0x0] =	vst.idx.add.f32.msk $0xffff, v15;
	v63 =	vmul.f32 $1.442695020e+00, v19  }
0x9c: {  	v15 =	vmul.f32 $2.000000030e-01, v12;
	[tilespmem:v16+s25+$0x0] =	vst.idx.add.f32.msk $0xffff, v26;
	v13 =	vadd.f32 v14, v6  }
0x9d: {  	s14 =	simm.s32 $0xA0;
	s24 =	simm.s32 $0x40;
	v14 =	vmul.f32 $2.000000030e-01, v11;
	[tilespmem:v16+s8+$0x0] =	vst.idx.add.f32.msk $0xffff, v17;
	(erf) = vpow2.f32 v63  }
.LBB2_9:
0x9e: {  	v16 =	vld [tilespmem:s14+$0x10];
	v12 =	vmax.f32 v12, v15;
	v15 =	vmul.f32 $2.000000030e-01, v13;
	s21 =	sadd.s32 $0x40, s21  }
0x9f: {  	v17 =	vld [tilespmem:s21+$0x10];
	v12 =	vsub.f32 v12, v10;
	v11 =	vmax.f32 v11, v14  }
0xa0: {  	v14 =	vld [tilespmem:s21+$0xFFFFFFE0];
	v11 =	vsub.f32 v11, v10;
	v13 =	vmax.f32 v13, v15  }
0xa1: {  	v15 =	vld [tilespmem:s14+$0xFFFFFFF0];
	v12 =	vmul.f32 $1.442695020e+00, v12;
	v10 =	vsub.f32 v13, v10  }
0xa2: {  	v13 =	vld [tilespmem:s21+$0xFFFFFFF0];
	v11 =	vmul.f32 $1.442695020e+00, v11  }
0xa3: {  	s24 =	sadd.s32 $0x40, s24;
	v18 =	vld [tilespmem:s14+$0x0];
	v10 =	vmul.f32 $1.442695020e+00, v10;
	(erf) = vpow2.f32 v12  }
0xa4: {  	p2 =	slt.u32 s24, $0xF40;
	v19 =	vld [tilespmem:s21+$0x0];
	(erf) = vpow2.f32 v11  }
0xa5: {  	v11 =	vld [tilespmem:s14+$0xFFFFFFE0];
	(erf) = vpow2.f32 v10  }
0xa6: {  	s22 =	sadd.s32 $0x40, s22;
	v10 =	vld.idx.msk [tilespmem:v16+s31+$0x0], $0xffff;
	v12 =	vpop (erf)  }
0xa7: {  	v16 =	vld.idx.msk [tilespmem:v17+s1+$0x0], $0xffff;
	[tilespmem:s22+$0x10] =	vst v12  }
0xa8: {  	[tilespmem:v5+s25+$0x0] =	vst.idx.add.f32.msk $0xffff, v12  }
0xa9: {  	[tilespmem:v5+s8+$0x0] =	vst.idx.add.f32.msk $0xffff, v9;
	v5 =	vmov v17  }
0xaa: {  	v12 =	vld.idx.msk [tilespmem:v14+s1+$0x0], $0xffff  }
0xab: {  	s23 =	sadd.s32 $0x40, s23;
	v15 =	vld.idx.msk [tilespmem:v15+s31+$0x0], $0xffff  }
0xac: {  	v9 =	vld [tilespmem:s23+$0x10];
	v17 =	vpop (erf)  }
0xad: {  	v11 =	vld.idx.msk [tilespmem:v11+s31+$0x0], $0xffff;
	[tilespmem:s22+$0xFFFFFFE0] =	vst v17;
	v20 =	vpop (erf)  }
0xae: {  	v21 =	vld.idx.msk [tilespmem:v13+s1+$0x0], $0xffff;
	[tilespmem:s22+$0xFFFFFFF0] =	vst v20;
	v22 =	vpop (erf)  }
0xaf: {  	v16 =	vadd.f32 v16, v10;
	v18 =	vld.idx.msk [tilespmem:v18+s31+$0x0], $0xffff;
	[tilespmem:s22+$0x0] =	vst v22  }
0xb0: {  	v23 =	vld.idx.msk [tilespmem:v19+s1+$0x0], $0xffff  }
0xb1: {  	v10 =	vld [tilespmem:$0x14580];
	v16 =	vadd.f32 v16, v9  }
0xb2: {  	v24 =	vld [tilespmem:s23+$0xFFFFFFE0]  }
0xb3: {  	v11 =	vadd.f32 v12, v11;
	v25 =	vld [tilespmem:s23+$0xFFFFFFF0];
	v12 =	vmul.f32 $2.000000030e-01, v16  }
0xb4: {  	v15 =	vadd.f32 v21, v15;
	v21 =	vld [tilespmem:s23+$0x0]  }
0xb5: {  	v12 =	vmax.f32 v16, v12;
	[tilespmem:v2+s25+$0x0] =	vst.idx.add.f32.msk $0xffff, v17  }
.Ltmp5:
0xb6: {  	v16 =	vadd.f32 v23, v18;
	v17 =	vsub.f32 v12, v10;
	[tilespmem:v2+s8+$0x0] =	vst.idx.add.f32.msk $0xffff, v8;
	v2 =	vmov v14;
	(pc) =	sbr.rel @p2 .LBB2_9-.Ltmp5, $4  }
0xb7: {  	v12 =	vadd.f32 v11, v24;
	[tilespmem:v4+s25+$0x0] =	vst.idx.add.f32.msk $0xffff, v20;
	v8 =	vmov v24  }
0xb8: {  	v11 =	vadd.f32 v15, v25;
	v17 =	vmul.f32 $1.442695020e+00, v17;
	[tilespmem:v4+s8+$0x0] =	vst.idx.add.f32.msk $0xffff, v7;
	v4 =	vmovc v13;
	v7 =	vmov v25  }
0xb9: {  	v15 =	vmul.f32 $2.000000030e-01, v12;
	v13 =	vadd.f32 v16, v21;
	[tilespmem:v3+s25+$0x0] =	vst.idx.add.f32.msk $0xffff, v22  }
0xba: {  	s14 =	sadd.s32 $0x40, s14;
	v14 =	vmul.f32 $2.000000030e-01, v11;
	(erf) = vpow2.f32 v17;
	[tilespmem:v3+s8+$0x0] =	vst.idx.add.f32.msk $0xffff, v6;
	v3 =	vmovc v19;
	v6 =	vmov v21  }
0xbb: {  	v12 =	vmax.f32 v12, v15  }
0xbc: {  	v58 =	vmul.f32 $2.000000030e-01, v13;
	v12 =	vsub.f32 v12, v10;
	v11 =	vmax.f32 v11, v14  }
0xbd: {  	v11 =	vsub.f32 v11, v10  }
0xbe: {  	v13 =	vmax.f32 v13, v58;
	v12 =	vmul.f32 $1.442695020e+00, v12  }
0xbf: {  	v59 =	vsub.f32 v13, v10;
	v11 =	vmul.f32 $1.442695020e+00, v11  }
0xc0: {  	(erf) = vpow2.f32 v12  }
0xc1: {  	v10 =	vmul.f32 $1.442695020e+00, v59;
	(erf) = vpow2.f32 v11;
	_ =	sdelay $0x1  }
0xc2: {  	(erf) = vpow2.f32 v10;
	_ =	sdelay $0x2  }
0xc3: {  	s14 =	sadd.s32 $0x40, s22;
	v60 =	vpop (erf)  }
0xc4: {  	[tilespmem:s14+$0x10] =	vst v60  }
0xc5: {  	[tilespmem:v5+s25+$0x0] =	vst.idx.add.f32.msk $0xffff, v60  }
0xc6: {  	[tilespmem:v5+s8+$0x0] =	vst.idx.add.f32.msk $0xffff, v9;
	v61 =	vpop (erf)  }
0xc7: {  	[tilespmem:s14+$0xFFFFFFE0] =	vst v61;
	v62 =	vpop (erf)  }
0xc8: {  	[tilespmem:s14+$0xFFFFFFF0] =	vst v62  }
0xc9: {  	v63 =	vpop (erf);
	[tilespmem:v2+s25+$0x0] =	vst.idx.add.f32.msk $0xffff, v61  }
0xca: {  	[tilespmem:s14+$0x0] =	vst v63  }
0xcb: {  	[tilespmem:v2+s8+$0x0] =	vst.idx.add.f32.msk $0xffff, v8  }
0xcc: {  	[tilespmem:v4+s25+$0x0] =	vst.idx.add.f32.msk $0xffff, v62  }
0xcd: {  	[tilespmem:v4+s8+$0x0] =	vst.idx.add.f32.msk $0xffff, v7  }
0xce: {  	s15 =	simm.s32 $0xF80;
	s21 =	simm.s32 $0xF70;
	[tilespmem:v3+s25+$0x0] =	vst.idx.add.f32.msk $0xffff, v63  }
0xcf: {  	s22 =	simm.s32 $0x6F80;
	s23 =	simm.s32 $0x4F80;
	s14 =	simm.s32 $0x2F80;
	[tilespmem:v3+s8+$0x0] =	vst.idx.add.f32.msk $0xffff, v6  }
.LBB2_11:
0xd0: {  	v2 =	vld [tilespmem:s15+$0x0]  }
0xd1: {  	v3 =	vld [tilespmem:s14+$0x0];
	_ =	sdelay $0x6  }
0xd2: {  	v2 =	vld.idx.msk [tilespmem:v2+s31+$0x0], $0xffff  }
0xd3: {  	v4 =	vld.idx.msk [tilespmem:v3+s1+$0x0], $0xffff;
	_ =	sdelay $0x1  }
0xd4: {  	v5 =	vld [tilespmem:s23+$0x0];
	_ =	sdelay $0x2  }
0xd5: {  	v2 =	vadd.f32 v4, v2;
	_ =	sdelay $0x1  }
0xd6: {  	v63 =	vld [tilespmem:$0x14580];
	v2 =	vadd.f32 v2, v5;
	_ =	sdelay $0x1  }
0xd7: {  	v6 =	vmul.f32 $2.000000030e-01, v2;
	_ =	sdelay $0x1  }
0xd8: {  	v2 =	vmax.f32 v2, v6  }
0xd9: {  	v2 =	vsub.f32 v2, v63;
	_ =	sdelay $0x1  }
0xda: {  	v2 =	vmul.f32 $1.442695020e+00, v2;
	_ =	sdelay $0x1  }
0xdb: {  	(erf) = vpow2.f32 v2;
	_ =	sdelay $0x5  }
0xdc: {  	s21 =	sadd.s32 $0x10, s21  }
0xdd: {  	p2 =	slt.u32 s21, $0xF90  }
.Ltmp6:
0xde: {  	_ = 	snop;
	(pc) =	sbr.rel @p2 .LBB2_11-.Ltmp6, $4  }
0xdf: {  	v2 =	vpop (erf)  }
0xe0: {  	[tilespmem:s22+$0x0] =	vst v2  }
0xe1: {  	s23 =	sadd.s32 $0x10, s23;
	[tilespmem:v3+s25+$0x0] =	vst.idx.add.f32.msk $0xffff, v2  }
0xe2: {  	s14 =	sadd.s32 $0x10, s14;
	s15 =	sadd.s32 $0x10, s15;
	s22 =	sadd.s32 $0x10, s22;
	[tilespmem:v3+s8+$0x0] =	vst.idx.add.f32.msk $0xffff, v5  }
.Ltmp7:
0xe3: {  	(pc) =	sbr.rel @p0 .LBB2_17-.Ltmp7, $1  }
0xe4: {  	_ =	sdelay $0x3  }
0xe5: {  	s14 =	simm.s32 $0x2020  }
0xe6: {  	v5 =	vld [tilespmem:s14+$0x10];
	_ =	sdelay $0x4  }
0xe7: {  	v4 =	vld [tilespmem:s14+$0xFFFFFFE0]  }
0xe8: {  	v2 =	vld [tilespmem:s14+$0xFFFFFFF0]  }
0xe9: {  	v3 =	vld [tilespmem:s14+$0x0]  }
0xea: {  	s15 =	simm.s32 $0x2060;
	s14 =	simm.s32 $0x0;
	[tilespmem:v5+s9+$0x0] =	vst.idx.add.f32.msk $0xffff, v1  }
.LBB2_14:
0xeb: {  	v5 =	vld [tilespmem:s15+$0x10];
	s14 =	sadd.s32 $0x40, s14  }
0xec: {  	v6 =	vld [tilespmem:s15+$0xFFFFFFF0];
	p2 =	slt.u32 s14, $0xF40  }
0xed: {  	v7 =	vld [tilespmem:s15+$0x0]  }
0xee: {  	v8 =	vld [tilespmem:s15+$0xFFFFFFE0]  }
.Ltmp8:
0xef: {  	[tilespmem:v4+s9+$0x0] =	vst.idx.add.f32.msk $0xffff, v1;
	(pc) =	sbr.rel @p2 .LBB2_14-.Ltmp8, $4  }
0xf0: {  	[tilespmem:v2+s9+$0x0] =	vst.idx.add.f32.msk $0xffff, v1  }
0xf1: {  	[tilespmem:v3+s9+$0x0] =	vst.idx.add.f32.msk $0xffff, v1;
	v2 =	vmov v6  }
0xf2: {  	v3 =	vmov v7  }
0xf3: {  	s21 =	simm.s32 $0xF70;
	s22 =	simm.s32 $0x2F80;
	s15 =	sadd.s32 $0x40, s15;
	[tilespmem:v5+s9+$0x0] =	vst.idx.add.f32.msk $0xffff, v1;
	v4 =	vmov v8  }
0xf4: {  	_ =	sdelay $0x3  }
0xf5: {  	[tilespmem:v4+s9+$0x0] =	vst.idx.add.f32.msk $0xffff, v1  }
0xf6: {  	[tilespmem:v2+s9+$0x0] =	vst.idx.add.f32.msk $0xffff, v1  }
0xf7: {  	[tilespmem:v3+s9+$0x0] =	vst.idx.add.f32.msk $0xffff, v1  }
.LBB2_16:
0xf8: {  	v2 =	vld [tilespmem:s22+$0x0];
	_ =	sdelay $0x1  }
0xf9: {  	s21 =	sadd.s32 $0x10, s21  }
0xfa: {  	p2 =	slt.u32 s21, $0xF90  }
.Ltmp9:
0xfb: {  	_ = 	snop;
	(pc) =	sbr.rel @p2 .LBB2_16-.Ltmp9, $2  }
0xfc: {  	_ =	sdelay $0x2  }
0xfd: {  	s22 =	sadd.s32 $0x10, s22;
	[tilespmem:v2+s9+$0x0] =	vst.idx.add.f32.msk $0xffff, v1  }
.LBB2_17:
0xfe: {  	s21 =	smul.u32 $0x1F40, s17;
	_ =	sdelay $0x1  }
0xff: {  	s14 =	sadd.s32 s10, s21  }
0x100: {  	s14 =	sshrl.u32 s14, $0x3  }
0x101: {  	p2 =	seq.s32 s17, $0x9;
	s14 =	sadd.s32 s7, s14  }
0x102: {  	[hbm4b:s14+s3] =	stream.linear.scatter [tilespmem:s11], [sflag:$0x3], $0xFA0, $0x38;
	[tilespmem:$0x14600] =	vst v63  }
0x103: {  	s14 =	sadd.s32 @!p2 s21, s18  }
0x104: {  	s15 =	sshrl.u32 @!p2 s14, $0x3  }
0x105: {  	s23 =	simm.s32 @!p2 $0x0;
	s14 =	sadd.s32 @!p2 s6, s14;
	s22 =	sadd.s32 @!p2 s4, s15  }
0x106: {  	[tilespmem:s23], [sflag:$0x1] =	stream.linear.gather @!p2 [hbm4b:s22+s23], $0xFA0, $0x38;
	[tilespmem:$0x14600] =	vst v63  }
0x107: {  	s15 =	sadd.s32 @!p2 s2, s15;
	s14 =	sshrl.u32 @!p2 s14, $0x3;
	s22 =	simm.s32 @!p2 $0x2000  }
0x108: {  	[tilespmem:s22], [sflag:$0x1] =	stream.linear.gather @!p2 [hbm4b:s15+s23], $0xFA0, $0x38;
	[tilespmem:$0x14600] =	vst v63  }
0x109: {  	s14 =	sadd.s32 @!p2 s5, s14;
	s15 =	simm.s32 @!p2 $0x4000  }
0x10a: {  	[tilespmem:s15], [sflag:$0x1] =	stream.linear.gather @!p2 [hbm4b:s14+s23], $0xFA0, $0x38;
	[tilespmem:$0x14600] =	vst v63  }
0x10b: {  	_ =	swait.ge [sflag:s12], $0xFA0  }
0x10c: {  	[sflag:s12] =	ssyncset.done $0x0  }
0x10d: {  	[sflag:s12] =	ssyncadd.s32 $0xFFFFF060  }
0x10e: {  	_ =	swait.ge [sflag:s12], $0xFA0  }
0x10f: {  	[sflag:s12] =	ssyncset.done $0x0  }
0x110: {  	[sflag:s12] =	ssyncadd.s32 $0xFFFFF060  }
0x111: {  	_ =	swait.ge [sflag:s12], $0xFA0  }
0x112: {  	[sflag:s12] =	ssyncset.done $0x0  }
0x113: {  	s14 =	simm.s32 @!p1 $0x4;
	[sflag:s12] =	ssyncadd.s32 $0xFFFFF060  }
0x114: {  	_ =	swait.ge @!p1 [sflag:s14], $0xFA0  }
0x115: {  	[sflag:s14] =	ssyncset.done @!p1 $0x0  }
0x116: {  	s15 =	simm.s32 $0x1020;
	[sflag:s14] =	ssyncadd.s32 @!p1 $0xFFFFF060  }
0x117: {  	s22 =	simm.s32 $0x3020;
	v2 =	vld [tilespmem:s15+$0x10]  }
0x118: {  	v6 =	vld [tilespmem:s22+$0x10];
	_ =	sdelay $0x2  }
0x119: {  	v11 =	vld [tilespmem:s22+$0xFFFFFFE0]  }
0x11a: {  	v3 =	vld [tilespmem:s15+$0xFFFFFFF0]  }
0x11b: {  	v13 =	vld [tilespmem:s22+$0xFFFFFFF0]  }
0x11c: {  	v5 =	vld [tilespmem:s15+$0xFFFFFFE0]  }
0x11d: {  	v2 =	vld.idx.msk [tilespmem:v2+s31+$0x0], $0xffff  }
0x11e: {  	s23 =	simm.s32 $0x5020;
	v4 =	vld.idx.msk [tilespmem:v6+s1+$0x0], $0xffff  }
0x11f: {  	v7 =	vld [tilespmem:s23+$0x10]  }
0x120: {  	v8 =	vld [tilespmem:s15+$0x0]  }
0x121: {  	v16 =	vld [tilespmem:s22+$0x0]  }
0x122: {  	v9 =	vld [tilespmem:$0x14580]  }
0x123: {  	v14 =	vld [tilespmem:s23+$0xFFFFFFE0];
	v2 =	vadd.f32 v4, v2  }
0x124: {  	v15 =	vld [tilespmem:s23+$0xFFFFFFF0]  }
0x125: {  	v3 =	vld.idx.msk [tilespmem:v3+s31+$0x0], $0xffff;
	v2 =	vadd.f32 v2, v7  }
0x126: {  	v5 =	vld.idx.msk [tilespmem:v5+s31+$0x0], $0xffff  }
0x127: {  	v12 =	vld.idx.msk [tilespmem:v13+s1+$0x0], $0xffff;
	v10 =	vmul.f32 $2.000000030e-01, v2  }
0x128: {  	v4 =	vld.idx.msk [tilespmem:v11+s1+$0x0], $0xffff  }
0x129: {  	v8 =	vld.idx.msk [tilespmem:v8+s31+$0x0], $0xffff;
	v2 =	vmax.f32 v2, v10  }
0x12a: {  	s24 =	simm.s32 $0x1060;
	v10 =	vld.idx.msk [tilespmem:v16+s1+$0x0], $0xffff;
	v2 =	vsub.f32 v2, v9  }
0x12b: {  	v20 =	vld [tilespmem:s24+$0xFFFFFFF0]  }
0x12c: {  	v21 =	vld [tilespmem:s24+$0x0];
	v2 =	vmul.f32 $1.442695020e+00, v2  }
0x12d: {  	v17 =	vld [tilespmem:s23+$0x0];
	s22 =	simm.s32 $0x3060;
	v4 =	vadd.f32 v4, v5  }
0x12e: {  	v5 =	vld [tilespmem:s22+$0x10];
	(erf) = vpow2.f32 v2;
	v2 =	vadd.f32 v12, v3  }
0x12f: {  	v3 =	vadd.f32 v10, v8;
	v8 =	vadd.f32 v4, v14  }
0x130: {  	v58 =	vld [tilespmem:s24+$0xFFFFFFE0]  }
0x131: {  	v12 =	vld [tilespmem:s24+$0x10];
	v10 =	vadd.f32 v2, v15;
	v18 =	vmul.f32 $2.000000030e-01, v8  }
0x132: {  	v4 =	vld [tilespmem:s22+$0xFFFFFFF0]  }
0x133: {  	v20 =	vld.idx.msk [tilespmem:v20+s31+$0x0], $0xffff;
	v19 =	vadd.f32 v3, v17;
	v3 =	vmul.f32 $2.000000030e-01, v10;
	v8 =	vmax.f32 v8, v18  }
0x134: {  	v21 =	vld.idx.msk [tilespmem:v21+s31+$0x0], $0xffff;
	v8 =	vsub.f32 v8, v9  }
0x135: {  	v2 =	vld [tilespmem:s22+$0xFFFFFFE0];
	v57 =	vmul.f32 $2.000000030e-01, v19;
	v10 =	vmax.f32 v10, v3  }
0x136: {  	v22 =	vld.idx.msk [tilespmem:v5+s1+$0x0], $0xffff;
	v10 =	vsub.f32 v10, v9;
	v8 =	vmul.f32 $1.442695020e+00, v8  }
0x137: {  	v3 =	vld [tilespmem:s22+$0x0];
	v18 =	vmax.f32 v19, v57  }
0x138: {  	v19 =	vld.idx.msk [tilespmem:v58+s31+$0x0], $0xffff;
	v9 =	vsub.f32 v18, v9;
	v59 =	vpop (erf);
	v10 =	vmul.f32 $1.442695020e+00, v10;
	(erf) = vpow2.f32 v8  }
0x139: {  	v12 =	vld.idx.msk [tilespmem:v12+s31+$0x0], $0xffff  }
0x13a: {  	s24 =	simm.s32 $0x5060;
	v23 =	vld.idx.msk [tilespmem:v4+s1+$0x0], $0xffff;
	v9 =	vmul.f32 $1.442695020e+00, v9;
	(erf) = vpow2.f32 v10  }
0x13b: {  	v8 =	vld [tilespmem:s24+$0xFFFFFFE0]  }
0x13c: {  	s23 =	simm.s32 $0x7020;
	(erf) = vpow2.f32 v9;
	v9 =	vld [tilespmem:s24+$0x10]  }
0x13d: {  	[tilespmem:s23+$0x10] =	vst v59;
	v60 =	vld.idx.msk [tilespmem:v2+s1+$0x0], $0xffff  }
0x13e: {  	[tilespmem:v6+s25+$0x0] =	vst.idx.add.f32.msk $0xffff, v59  }
0x13f: {  	[tilespmem:v6+s8+$0x0] =	vst.idx.add.f32.msk $0xffff, v7;
	v6 =	vadd.f32 v22, v12  }
0x140: {  	v10 =	vld [tilespmem:$0x14580]  }
0x141: {  	v7 =	vld [tilespmem:s24+$0xFFFFFFF0];
	v24 =	vadd.f32 v6, v9;
	v12 =	vpop (erf)  }
0x142: {  	v61 =	vld.idx.msk [tilespmem:v3+s1+$0x0], $0xffff;
	[tilespmem:s23+$0xFFFFFFE0] =	vst v12  }
0x143: {  	v27 =	vmul.f32 $2.000000030e-01, v24;
	v25 =	vpop (erf);
	[tilespmem:v11+s25+$0x0] =	vst.idx.add.f32.msk $0xffff, v12  }
0x144: {  	v6 =	vld [tilespmem:s24+$0x0];
	[tilespmem:s23+$0xFFFFFFF0] =	vst v25  }
0x145: {  	v18 =	vadd.f32 v60, v19;
	v26 =	vpop (erf);
	v62 =	vmax.f32 v24, v27;
	[tilespmem:v11+s8+$0x0] =	vst.idx.add.f32.msk $0xffff, v14  }
0x146: {  	v20 =	vadd.f32 v23, v20;
	[tilespmem:s23+$0x0] =	vst v26;
	v19 =	vsub.f32 v62, v10  }
0x147: {  	v12 =	vadd.f32 v18, v8;
	v14 =	vadd.f32 v61, v21;
	[tilespmem:v13+s25+$0x0] =	vst.idx.add.f32.msk $0xffff, v25  }
0x148: {  	v11 =	vadd.f32 v20, v7;
	[tilespmem:v13+s8+$0x0] =	vst.idx.add.f32.msk $0xffff, v15;
	v63 =	vmul.f32 $1.442695020e+00, v19  }
0x149: {  	v15 =	vmul.f32 $2.000000030e-01, v12;
	[tilespmem:v16+s25+$0x0] =	vst.idx.add.f32.msk $0xffff, v26;
	v13 =	vadd.f32 v14, v6  }
0x14a: {  	s14 =	simm.s32 $0x40;
	s15 =	simm.s32 $0x10A0;
	v14 =	vmul.f32 $2.000000030e-01, v11;
	[tilespmem:v16+s8+$0x0] =	vst.idx.add.f32.msk $0xffff, v17;
	(erf) = vpow2.f32 v63  }
.LBB2_18:
0x14b: {  	v16 =	vld [tilespmem:s15+$0x10];
	v12 =	vmax.f32 v12, v15;
	v15 =	vmul.f32 $2.000000030e-01, v13;
	s22 =	sadd.s32 $0x40, s22  }
0x14c: {  	v17 =	vld [tilespmem:s22+$0x10];
	v12 =	vsub.f32 v12, v10;
	v11 =	vmax.f32 v11, v14  }
0x14d: {  	v14 =	vld [tilespmem:s22+$0xFFFFFFE0];
	v11 =	vsub.f32 v11, v10;
	v13 =	vmax.f32 v13, v15  }
0x14e: {  	v15 =	vld [tilespmem:s15+$0xFFFFFFF0];
	v12 =	vmul.f32 $1.442695020e+00, v12;
	v10 =	vsub.f32 v13, v10  }
0x14f: {  	v13 =	vld [tilespmem:s22+$0xFFFFFFF0];
	v11 =	vmul.f32 $1.442695020e+00, v11  }
0x150: {  	s14 =	sadd.s32 $0x40, s14;
	v18 =	vld [tilespmem:s15+$0x0];
	v10 =	vmul.f32 $1.442695020e+00, v10;
	(erf) = vpow2.f32 v12  }
0x151: {  	p1 =	slt.u32 s14, $0xF40;
	v19 =	vld [tilespmem:s22+$0x0];
	(erf) = vpow2.f32 v11  }
0x152: {  	v11 =	vld [tilespmem:s15+$0xFFFFFFE0];
	(erf) = vpow2.f32 v10  }
0x153: {  	s23 =	sadd.s32 $0x40, s23;
	v10 =	vld.idx.msk [tilespmem:v16+s31+$0x0], $0xffff;
	v12 =	vpop (erf)  }
0x154: {  	v16 =	vld.idx.msk [tilespmem:v17+s1+$0x0], $0xffff;
	[tilespmem:s23+$0x10] =	vst v12  }
0x155: {  	[tilespmem:v5+s25+$0x0] =	vst.idx.add.f32.msk $0xffff, v12  }
0x156: {  	[tilespmem:v5+s8+$0x0] =	vst.idx.add.f32.msk $0xffff, v9;
	v5 =	vmov v17  }
0x157: {  	v12 =	vld.idx.msk [tilespmem:v14+s1+$0x0], $0xffff  }
0x158: {  	s24 =	sadd.s32 $0x40, s24;
	v15 =	vld.idx.msk [tilespmem:v15+s31+$0x0], $0xffff  }
0x159: {  	v9 =	vld [tilespmem:s24+$0x10];
	v17 =	vpop (erf)  }
0x15a: {  	v11 =	vld.idx.msk [tilespmem:v11+s31+$0x0], $0xffff;
	[tilespmem:s23+$0xFFFFFFE0] =	vst v17;
	v20 =	vpop (erf)  }
0x15b: {  	v21 =	vld.idx.msk [tilespmem:v13+s1+$0x0], $0xffff;
	[tilespmem:s23+$0xFFFFFFF0] =	vst v20;
	v22 =	vpop (erf)  }
0x15c: {  	v16 =	vadd.f32 v16, v10;
	v18 =	vld.idx.msk [tilespmem:v18+s31+$0x0], $0xffff;
	[tilespmem:s23+$0x0] =	vst v22  }
0x15d: {  	v23 =	vld.idx.msk [tilespmem:v19+s1+$0x0], $0xffff  }
0x15e: {  	v10 =	vld [tilespmem:$0x14580];
	v16 =	vadd.f32 v16, v9  }
0x15f: {  	v24 =	vld [tilespmem:s24+$0xFFFFFFE0]  }
0x160: {  	v11 =	vadd.f32 v12, v11;
	v25 =	vld [tilespmem:s24+$0xFFFFFFF0];
	v12 =	vmul.f32 $2.000000030e-01, v16  }
0x161: {  	v15 =	vadd.f32 v21, v15;
	v21 =	vld [tilespmem:s24+$0x0]  }
0x162: {  	v12 =	vmax.f32 v16, v12;
	[tilespmem:v2+s25+$0x0] =	vst.idx.add.f32.msk $0xffff, v17  }
.Ltmp10:
0x163: {  	v16 =	vadd.f32 v23, v18;
	v17 =	vsub.f32 v12, v10;
	[tilespmem:v2+s8+$0x0] =	vst.idx.add.f32.msk $0xffff, v8;
	v2 =	vmov v14;
	(pc) =	sbr.rel @p1 .LBB2_18-.Ltmp10, $4  }
0x164: {  	v12 =	vadd.f32 v11, v24;
	[tilespmem:v4+s25+$0x0] =	vst.idx.add.f32.msk $0xffff, v20;
	v8 =	vmov v24  }
0x165: {  	v11 =	vadd.f32 v15, v25;
	v17 =	vmul.f32 $1.442695020e+00, v17;
	[tilespmem:v4+s8+$0x0] =	vst.idx.add.f32.msk $0xffff, v7;
	v4 =	vmovc v13;
	v7 =	vmov v25  }
0x166: {  	v15 =	vmul.f32 $2.000000030e-01, v12;
	v13 =	vadd.f32 v16, v21;
	[tilespmem:v3+s25+$0x0] =	vst.idx.add.f32.msk $0xffff, v22  }
0x167: {  	s15 =	sadd.s32 $0x40, s15;
	v14 =	vmul.f32 $2.000000030e-01, v11;
	(erf) = vpow2.f32 v17;
	[tilespmem:v3+s8+$0x0] =	vst.idx.add.f32.msk $0xffff, v6;
	v3 =	vmovc v19;
	v6 =	vmov v21  }
0x168: {  	v12 =	vmax.f32 v12, v15  }
0x169: {  	v58 =	vmul.f32 $2.000000030e-01, v13;
	v12 =	vsub.f32 v12, v10;
	v11 =	vmax.f32 v11, v14  }
0x16a: {  	v11 =	vsub.f32 v11, v10  }
0x16b: {  	v13 =	vmax.f32 v13, v58;
	v12 =	vmul.f32 $1.442695020e+00, v12  }
0x16c: {  	v59 =	vsub.f32 v13, v10;
	v11 =	vmul.f32 $1.442695020e+00, v11  }
0x16d: {  	(erf) = vpow2.f32 v12  }
0x16e: {  	v10 =	vmul.f32 $1.442695020e+00, v59;
	(erf) = vpow2.f32 v11;
	_ =	sdelay $0x1  }
0x16f: {  	(erf) = vpow2.f32 v10;
	_ =	sdelay $0x2  }
0x170: {  	s14 =	sadd.s32 $0x40, s23;
	v60 =	vpop (erf)  }
0x171: {  	[tilespmem:s14+$0x10] =	vst v60  }
0x172: {  	[tilespmem:v5+s25+$0x0] =	vst.idx.add.f32.msk $0xffff, v60  }
0x173: {  	[tilespmem:v5+s8+$0x0] =	vst.idx.add.f32.msk $0xffff, v9;
	v61 =	vpop (erf)  }
0x174: {  	[tilespmem:s14+$0xFFFFFFE0] =	vst v61;
	v62 =	vpop (erf)  }
0x175: {  	[tilespmem:s14+$0xFFFFFFF0] =	vst v62  }
0x176: {  	v63 =	vpop (erf);
	[tilespmem:v2+s25+$0x0] =	vst.idx.add.f32.msk $0xffff, v61  }
0x177: {  	[tilespmem:s14+$0x0] =	vst v63  }
0x178: {  	[tilespmem:v2+s8+$0x0] =	vst.idx.add.f32.msk $0xffff, v8  }
0x179: {  	[tilespmem:v4+s25+$0x0] =	vst.idx.add.f32.msk $0xffff, v62  }
0x17a: {  	[tilespmem:v4+s8+$0x0] =	vst.idx.add.f32.msk $0xffff, v7  }
0x17b: {  	s15 =	simm.s32 $0x1F80;
	s22 =	simm.s32 $0xF70;
	[tilespmem:v3+s25+$0x0] =	vst.idx.add.f32.msk $0xffff, v63  }
0x17c: {  	s23 =	simm.s32 $0x7F80;
	s24 =	simm.s32 $0x5F80;
	s14 =	simm.s32 $0x3F80;
	[tilespmem:v3+s8+$0x0] =	vst.idx.add.f32.msk $0xffff, v6  }
.LBB2_20:
0x17d: {  	v2 =	vld [tilespmem:s15+$0x0]  }
0x17e: {  	v3 =	vld [tilespmem:s14+$0x0];
	_ =	sdelay $0x6  }
0x17f: {  	v2 =	vld.idx.msk [tilespmem:v2+s31+$0x0], $0xffff  }
0x180: {  	v4 =	vld.idx.msk [tilespmem:v3+s1+$0x0], $0xffff;
	_ =	sdelay $0x1  }
0x181: {  	v5 =	vld [tilespmem:s24+$0x0];
	_ =	sdelay $0x2  }
0x182: {  	v2 =	vadd.f32 v4, v2;
	_ =	sdelay $0x1  }
0x183: {  	v63 =	vld [tilespmem:$0x14580];
	v2 =	vadd.f32 v2, v5;
	_ =	sdelay $0x1  }
0x184: {  	v6 =	vmul.f32 $2.000000030e-01, v2;
	_ =	sdelay $0x1  }
0x185: {  	v2 =	vmax.f32 v2, v6  }
0x186: {  	v2 =	vsub.f32 v2, v63;
	_ =	sdelay $0x1  }
0x187: {  	v2 =	vmul.f32 $1.442695020e+00, v2;
	_ =	sdelay $0x1  }
0x188: {  	(erf) = vpow2.f32 v2;
	_ =	sdelay $0x5  }
0x189: {  	s22 =	sadd.s32 $0x10, s22  }
0x18a: {  	p1 =	slt.u32 s22, $0xF90  }
.Ltmp11:
0x18b: {  	_ = 	snop;
	(pc) =	sbr.rel @p1 .LBB2_20-.Ltmp11, $4  }
0x18c: {  	v2 =	vpop (erf)  }
0x18d: {  	[tilespmem:s23+$0x0] =	vst v2  }
0x18e: {  	s24 =	sadd.s32 $0x10, s24;
	[tilespmem:v3+s25+$0x0] =	vst.idx.add.f32.msk $0xffff, v2  }
0x18f: {  	s14 =	sadd.s32 $0x10, s14;
	s15 =	sadd.s32 $0x10, s15;
	s23 =	sadd.s32 $0x10, s23;
	[tilespmem:v3+s8+$0x0] =	vst.idx.add.f32.msk $0xffff, v5  }
.Ltmp12:
0x190: {  	(pc) =	sbr.rel @p0 .LBB2_26-.Ltmp12, $1  }
0x191: {  	_ =	sdelay $0x3  }
0x192: {  	s14 =	simm.s32 $0x3020  }
0x193: {  	v5 =	vld [tilespmem:s14+$0x10];
	_ =	sdelay $0x4  }
0x194: {  	v4 =	vld [tilespmem:s14+$0xFFFFFFE0]  }
0x195: {  	v2 =	vld [tilespmem:s14+$0xFFFFFFF0]  }
0x196: {  	v3 =	vld [tilespmem:s14+$0x0]  }
0x197: {  	s15 =	simm.s32 $0x3060;
	s14 =	simm.s32 $0x0;
	[tilespmem:v5+s9+$0x0] =	vst.idx.add.f32.msk $0xffff, v1  }
.LBB2_23:
0x198: {  	v5 =	vld [tilespmem:s15+$0x10];
	s14 =	sadd.s32 $0x40, s14  }
0x199: {  	v6 =	vld [tilespmem:s15+$0xFFFFFFF0];
	p1 =	slt.u32 s14, $0xF40  }
0x19a: {  	v7 =	vld [tilespmem:s15+$0x0]  }
0x19b: {  	v8 =	vld [tilespmem:s15+$0xFFFFFFE0]  }
.Ltmp13:
0x19c: {  	[tilespmem:v4+s9+$0x0] =	vst.idx.add.f32.msk $0xffff, v1;
	(pc) =	sbr.rel @p1 .LBB2_23-.Ltmp13, $4  }
0x19d: {  	[tilespmem:v2+s9+$0x0] =	vst.idx.add.f32.msk $0xffff, v1  }
0x19e: {  	[tilespmem:v3+s9+$0x0] =	vst.idx.add.f32.msk $0xffff, v1;
	v2 =	vmov v6  }
0x19f: {  	v3 =	vmov v7  }
0x1a0: {  	s22 =	simm.s32 $0xF70;
	s23 =	simm.s32 $0x3F80;
	s15 =	sadd.s32 $0x40, s15;
	[tilespmem:v5+s9+$0x0] =	vst.idx.add.f32.msk $0xffff, v1;
	v4 =	vmov v8  }
0x1a1: {  	_ =	sdelay $0x3  }
0x1a2: {  	[tilespmem:v4+s9+$0x0] =	vst.idx.add.f32.msk $0xffff, v1  }
0x1a3: {  	[tilespmem:v2+s9+$0x0] =	vst.idx.add.f32.msk $0xffff, v1  }
0x1a4: {  	[tilespmem:v3+s9+$0x0] =	vst.idx.add.f32.msk $0xffff, v1  }
.LBB2_25:
0x1a5: {  	v2 =	vld [tilespmem:s23+$0x0];
	_ =	sdelay $0x1  }
0x1a6: {  	s22 =	sadd.s32 $0x10, s22  }
0x1a7: {  	p1 =	slt.u32 s22, $0xF90  }
.Ltmp14:
0x1a8: {  	_ = 	snop;
	(pc) =	sbr.rel @p1 .LBB2_25-.Ltmp14, $2  }
0x1a9: {  	_ =	sdelay $0x2  }
0x1aa: {  	s23 =	sadd.s32 $0x10, s23;
	[tilespmem:v2+s9+$0x0] =	vst.idx.add.f32.msk $0xffff, v1  }
.LBB2_26:
.Ltmp15:
0x1ab: {  	(pc) =	sbr.rel @p2 .LBB2_28-.Ltmp15, $4  }
0x1ac: {  	s14 =	sadd.s32 s21, s19  }
0x1ad: {  	s14 =	sshrl.u32 s14, $0x3  }
0x1ae: {  	s14 =	sadd.s32 s7, s14  }
0x1af: {  	[hbm4b:s14+s3] =	stream.linear.scatter [tilespmem:s13], [sflag:$0x4], $0xFA0, $0x38;
	[tilespmem:$0x14600] =	vst v63  }
0x1b0: {  	s14 =	sadd.s32 s21, s20  }
0x1b1: {  	s15 =	sshrl.u32 s14, $0x3  }
0x1b2: {  	s24 =	sadd.s32 s4, s15  }
0x1b3: {  	[tilespmem:s28], [sflag:$0x2] =	stream.linear.gather [hbm4b:s24+s3], $0xFA0, $0x38;
	[tilespmem:$0x14600] =	vst v63  }
.Ltmp16:
0x1b4: {  	s14 =	sadd.s32 s6, s14;
	(pc) =	sbr.rel .LBB2_8-.Ltmp16, $4  }
0x1b5: {  	s15 =	sadd.s32 s2, s15;
	s14 =	sshrl.u32 s14, $0x3  }
0x1b6: {  	[tilespmem:s29], [sflag:$0x2] =	stream.linear.gather [hbm4b:s15+s3], $0xFA0, $0x38;
	[tilespmem:$0x14600] =	vst v63  }
0x1b7: {  	s17 =	sadd.s32 $0x1, s17;
	s14 =	sadd.s32 s5, s14  }
0x1b8: {  	[tilespmem:s30], [sflag:$0x2] =	stream.linear.gather [hbm4b:s14+s3], $0xFA0, $0x38;
	[tilespmem:$0x14600] =	vst v63  }
.LBB2_29:
0x1b9: {  	_ =	sfence.sel $0x180000  }
0x1ba: {  	[bflag:$0x0] =	sbarrier.arrive $0xFFFF  }
0x1bb: {  	_ =	strace $0x90000047  }
0x1bc: {  	s0 =	stileid.u32;
	[bflag:$0x2] =	sbarrier.arrive $0xFFFF  }
0x1bd: {  	p0 =	sne.s32 s0, $0x0;
	s0 =	rddreg [dreg:$0x2]  }
0x1be: {  	s0 =	sadd.s32 @!p0 $0x100000, s0  }
0x1bf: {  	[sflag:s0] =	ssyncadd.tile.s32 @!p0 $0x1;
	_ =	shalt  }
.Lfunc_end2:
_tile_overlayer_lowered:
.L_overlay_start_2:
0x1c0: {  	(tag) =	ssettag $0x2  }
0x1c1: {  	s0 =	rddreg [dreg:$0x0];
	s2 =	stileid.u32  }
0x1c2: {  	s1 =	rddreg [dreg:$0x1];
	p0 =	sne.s32 s2, $0x0  }
0x1c3: {  	s3 =	rddreg [dreg:$0x2];
	[bflag:$0x3] =	sbarrier.arrive $0xFFFF;
	s2 =	simm.s32 @!p0 $0x1C05  }
0x1c4: {  	[timem:s3], [sflag:s2] =	dma.local @!p0 [hbm:s0], s1  }
0x1c5: {  	s0 =	simm.s32 @!p0 $0x5  }
0x1c6: {  	_ =	swait.ge @!p0 [sflag:s0], s1  }
0x1c7: {  	s1 =	ssub.s32 @!p0 $0x0, s1;
	[sflag:s0] =	ssyncset.done @!p0 $0x0  }
0x1c8: {  	[sflag:s0] =	ssyncadd.s32 @!p0 s1  }
0x1c9: {  	[bflag:$0x3] =	sbarrier.arrive $0xFFFF  }
0x1ca: {  	_ =	shalt  }

</sc_bundles>
